<compile_context>
chip_gen: v7x
topology: tpu7x:2x2x1
jax: 0.10.2.dev20260603
libtpu: 0.0.44.dev20260713+nightly
codegen_flags: <defaults>
</compile_context>

<pallas_src>
import functools

import jax
import jax.numpy as jnp
from jax import lax
from jax.experimental import pallas as pl
from jax.experimental.pallas import tpu as pltpu
from jax.experimental.pallas import tpu_sc as plsc

_N = 10000
_E = 320000
_H = 128
_T = 4
_STEPS = [3, 1]

_NC = 2
_NS = 16
_NW = _NC * _NS
_EW = _E // _NW
_C = 40
_NCHUNK = _EW // _C
_R = 5
_NG = _NCHUNK // _R
_NP = 10240
_RPT = _NP // _NS


def _row_block(i):
    return (i, 0)


def _tc_table_body(s_ref, w_ref, b_ref, o_ref):
    o_ref[...] = (
        jnp.dot(s_ref[...], w_ref[...], preferred_element_type=jnp.float32)
        + b_ref[...]
    )


def _tc_table(states, wcat, bcat, blk):
    grid = (_N // blk,)
    return pl.pallas_call(
        _tc_table_body,
        grid=grid,
        in_specs=[
            pl.BlockSpec((blk, _H), _row_block),
            pl.BlockSpec((_H, _T * _H), lambda i: (0, 0)),
            pl.BlockSpec((1, _T * _H), lambda i: (0, 0)),
        ],
        out_specs=pl.BlockSpec((blk, _T * _H), _row_block),
        out_shape=jax.ShapeDtypeStruct((_N, _T * _H), jnp.float32),
    )(states, wcat, bcat)


def _gru_block(p_ref, h_ref, k_ref, r_ref, b_ref):
    x = p_ref[0] + p_ref[1]
    h = h_ref[...]
    mx = jnp.dot(x, k_ref[...], preferred_element_type=jnp.float32) + b_ref[0:1, :]
    mi = jnp.dot(h, r_ref[...], preferred_element_type=jnp.float32) + b_ref[1:2, :]
    z = jax.nn.sigmoid(mx[:, :_H] + mi[:, :_H])
    r = jax.nn.sigmoid(mx[:, _H:2 * _H] + mi[:, _H:2 * _H])
    hh = jnp.tanh(mx[:, 2 * _H:] + r * mi[:, 2 * _H:])
    return z * h + (1.0 - z) * hh


def _tc_gru_body(p_ref, h_ref, k_ref, r_ref, b_ref, o_ref):
    o_ref[...] = _gru_block(p_ref, h_ref, k_ref, r_ref, b_ref)


def _tc_gru(parts, h, gk, grk, gb, blk):
    grid = (_N // blk,)
    return pl.pallas_call(
        _tc_gru_body,
        grid=grid,
        in_specs=[
            pl.BlockSpec((2, blk, _H), lambda i: (0, i, 0)),
            pl.BlockSpec((blk, _H), _row_block),
            pl.BlockSpec((_H, 3 * _H), lambda i: (0, 0)),
            pl.BlockSpec((_H, 3 * _H), lambda i: (0, 0)),
            pl.BlockSpec((2, 3 * _H), lambda i: (0, 0)),
        ],
        out_specs=pl.BlockSpec((blk, _H), _row_block),
        out_shape=jax.ShapeDtypeStruct((_N, _H), jnp.float32),
    )(parts, h, gk, grk, gb)


def _tc_gru_table_body(p_ref, h_ref, k_ref, r_ref, b_ref, w_ref, wb_ref,
                       o_ref, yb_ref):
    hn = _gru_block(p_ref, h_ref, k_ref, r_ref, b_ref)
    o_ref[...] = hn
    yb_ref[...] = (
        jnp.dot(hn, w_ref[...], preferred_element_type=jnp.float32) + wb_ref[...]
    )


def _tc_gru_table(parts, h, gk, grk, gb, wcat, bcat, blk):
    grid = (_N // blk,)
    return pl.pallas_call(
        _tc_gru_table_body,
        grid=grid,
        in_specs=[
            pl.BlockSpec((2, blk, _H), lambda i: (0, i, 0)),
            pl.BlockSpec((blk, _H), _row_block),
            pl.BlockSpec((_H, 3 * _H), lambda i: (0, 0)),
            pl.BlockSpec((_H, 3 * _H), lambda i: (0, 0)),
            pl.BlockSpec((2, 3 * _H), lambda i: (0, 0)),
            pl.BlockSpec((_H, _T * _H), lambda i: (0, 0)),
            pl.BlockSpec((1, _T * _H), lambda i: (0, 0)),
        ],
        out_specs=[
            pl.BlockSpec((blk, _H), _row_block),
            pl.BlockSpec((blk, _T * _H), _row_block),
        ],
        out_shape=[
            jax.ShapeDtypeStruct((_N, _H), jnp.float32),
            jax.ShapeDtypeStruct((_N, _T * _H), jnp.float32),
        ],
    )(parts, h, gk, grk, gb, wcat, bcat)


def _sc_edge_body(yb_hbm, key_hbm, dst_hbm, zeros_hbm, out_hbm,
                  key_v, dsts, rows, gsems, dsems, acc_sh):
    cid = lax.axis_index("c")
    sid = lax.axis_index("s")
    zbase = sid * _RPT
    pltpu.sync_copy(zeros_hbm.at[pl.ds(zbase, _RPT)], acc_sh.at[pl.ds(zbase, _RPT)])

    wid = cid * _NS + sid
    ebase = wid * _EW
    pltpu.sync_copy(key_hbm.at[pl.ds(ebase, _EW)], key_v)
    plsc.subcore_barrier()

    def issue(k, j):
        off = pl.multiple_of(k * _C, 8)
        pltpu.async_copy(dst_hbm.at[pl.ds(ebase + off, _C)], dsts[j], dsems[j])
        pltpu.async_copy(yb_hbm.at[key_v.at[pl.ds(off, _C)]], rows[j], gsems[j])

    for j in range(_R):
        issue(j, j)

    def grp(gi, carry):
        for j in range(_R):
            k = gi * _R + j
            koff = pl.multiple_of(k * _C, 8)
            pltpu.make_async_copy(dst_hbm.at[pl.ds(0, _C)], dsts[j], dsems[j]).wait()
            pltpu.make_async_copy(yb_hbm.at[key_v.at[pl.ds(koff, _C)]],
                                  rows[j], gsems[j]).wait()
            pltpu.sync_copy(rows[j], acc_sh.at[dsts[j]], add=True)

            @pl.when(k + _R < _NCHUNK)
            def _():
                issue(k + _R, j)
        return carry

    lax.fori_loop(0, _NG, grp, 0)
    plsc.subcore_barrier()
    obase = cid * _NP + sid * _RPT
    pltpu.sync_copy(acc_sh.at[pl.ds(zbase, _RPT)], out_hbm.at[pl.ds(obase, _RPT)])


@functools.partial(
    pl.kernel,
    out_type=jax.ShapeDtypeStruct((_NC * _NP, _H), jnp.float32),
    mesh=plsc.VectorSubcoreMesh(core_axis_name="c", subcore_axis_name="s"),
    scratch_types=[
        pltpu.VMEM((_EW,), jnp.int32),
        [pltpu.VMEM((_C,), jnp.int32)] * _R,
        [pltpu.VMEM((_C, _H), jnp.float32)] * _R,
        [pltpu.SemaphoreType.DMA] * _R,
        [pltpu.SemaphoreType.DMA] * _R,
        pltpu.VMEM_SHARED((_NP, _H), jnp.float32),
    ],
)
def _sc_edge(yb, key, dst, zeros, out, key_v, dsts, rows, gsems, dsems, acc_sh):
    _sc_edge_body(yb, key, dst, zeros, out, key_v, dsts, rows, gsems, dsems, acc_sh)


def kernel(states, edges, type_weights, type_biases, gru_kernel,
           gru_rec_kernel, gru_bias):
    etype = edges[:, 0].astype(jnp.int32)
    src = edges[:, 1].astype(jnp.int32)
    dst = edges[:, 2].astype(jnp.int32)
    key = src * _T + etype
    zeros = jnp.zeros((_NP, _H), jnp.float32)

    lay = [l for l, n in enumerate(_STEPS) for _ in range(n)]
    wcats, bcats = [], []
    for layer in range(len(_STEPS)):
        wcats.append(
            jnp.transpose(type_weights[layer], (1, 0, 2)).reshape(_H, _T * _H))
        bcats.append(type_biases[layer].reshape(1, _T * _H))

    h = states
    yb = _tc_table(h, wcats[lay[0]], bcats[lay[0]], 2000)
    nsteps = len(lay)
    for i in range(nsteps):
        l = lay[i]
        parts = _sc_edge(yb.reshape(_N * _T, _H), key, dst, zeros)
        parts = parts.reshape(_NC, _NP, _H)
        if i + 1 < nsteps:
            ln = lay[i + 1]
            h, yb = _tc_gru_table(parts, h, gru_kernel[l], gru_rec_kernel[l],
                                  gru_bias[l], wcats[ln], bcats[ln], 2000)
        else:
            h = _tc_gru(parts, h, gru_kernel[l], gru_rec_kernel[l],
                        gru_bias[l], 2000)
    return h

# --- scband reference (transcript-rebuilt; emitter-appended) ---
"""Pipeline reference for scband-ggnnlayer-10977936408823 (READ-ONLY COPY).

The authoritative reference and input builder live on the scoring server;
editing this copy changes nothing except your own understanding.
"""

import jax, jax.numpy as jnp
import numpy as np

NUM_EDGE_TYPES = 4
TIME_STEPS = [3, 1]
HIDDEN_DIM = 128
N_NODES = 10000
N_EDGES = 320000


def setup_inputs(seed: int = 0):
    key = jax.random.key(seed)
    ks = jax.random.split(key, 8)
    states = jax.random.normal(ks[0], (N_NODES, HIDDEN_DIM), dtype=jnp.float32)
    etype = jax.random.randint(ks[1], (N_EDGES,), 0, NUM_EDGE_TYPES)
    src = jax.random.randint(ks[2], (N_EDGES,), 0, N_NODES)
    dst = jax.random.randint(ks[3], (N_EDGES,), 0, N_NODES)
    edges = jnp.stack([etype, src, dst], axis=1)
    std = HIDDEN_DIM ** -0.5
    num_layers = len(TIME_STEPS)
    type_weights = jax.random.normal(ks[4], (num_layers, NUM_EDGE_TYPES, HIDDEN_DIM, HIDDEN_DIM), dtype=jnp.float32) * std
    type_biases = jax.random.normal(ks[5], (num_layers, NUM_EDGE_TYPES, HIDDEN_DIM), dtype=jnp.float32) * std
    gru_kernel = jax.random.normal(ks[6], (num_layers, HIDDEN_DIM, 3 * HIDDEN_DIM), dtype=jnp.float32) * std
    gru_rec_kernel = jax.random.normal(ks[7], (num_layers, HIDDEN_DIM, 3 * HIDDEN_DIM), dtype=jnp.float32) * std
    gru_bias = jnp.zeros((num_layers, 2, 3 * HIDDEN_DIM), dtype=jnp.float32)
    return {"states": states, "edges": edges, "type_weights": type_weights, "type_biases": type_biases, "gru_kernel": gru_kernel, "gru_rec_kernel": gru_rec_kernel, "gru_bias": gru_bias}


def _gru_cell(x, h, kernel, rec_kernel, bias):
    # Keras GRUCell, reset_after=True convention: bias[0]=input bias, bias[1]=recurrent bias
    mx = jnp.dot(x, kernel) + bias[0]
    xz, xr, xh = jnp.split(mx, 3, axis=-1)
    mi = jnp.dot(h, rec_kernel) + bias[1]
    rz, rr, rh = jnp.split(mi, 3, axis=-1)
    z = jax.nn.sigmoid(xz + rz)
    r = jax.nn.sigmoid(xr + rr)
    hh = jnp.tanh(xh + r * rh)
    return z * h + (1.0 - z) * hh


def reference(states, edges, type_weights, type_biases, gru_kernel, gru_rec_kernel, gru_bias):
    etype = edges[:, 0]
    src = edges[:, 1]
    dst = edges[:, 2]

    def propagate(in_states, layer_no):
        messages = jnp.zeros_like(in_states)
        edge_source_states = jnp.take(in_states, src, axis=0)
        for t in range(NUM_EDGE_TYPES):
            mask = etype == t
            type_messages = jnp.dot(edge_source_states, type_weights[layer_no, t]) + type_biases[layer_no, t]
            type_messages = jnp.where(mask[:, None], type_messages, 0.0)
            messages = messages.at[dst].add(type_messages)
        return _gru_cell(messages, in_states, gru_kernel[layer_no], gru_rec_kernel[layer_no], gru_bias[layer_no])

    layer_states = [states]
    for layer_no, steps in enumerate(TIME_STEPS):
        for step in range(steps):
            new_states = propagate(layer_states[-1], layer_no)
            # dropout_rate == 0.0 -> identity
            if step == 0:
                layer_states.append(new_states)
            else:
                layer_states[-1] = new_states
    return layer_states[-1]

if __name__ == "__main__":
    import jax
    _d = setup_inputs()
    print(jax.jit(kernel)(*tuple(_d.values())))

</pallas_src>

<mosaic_0001>
#map = affine_map<(d0, d1) -> (0, 0)>
#map1 = affine_map<(d0, d1) -> (0)>
module attributes {stable_mosaic.version = 14 : i64} {
  func.func @_sc_edge(%arg0: i32, %arg1: i32, %arg2: memref<40000x128xf32, #tpu.memory_space<hbm>>, %arg3: memref<320000xi32, #tpu.memory_space<hbm>>, %arg4: memref<320000xi32, #tpu.memory_space<hbm>>, %arg5: memref<10240x128xf32, #tpu.memory_space<hbm>>, %arg6: memref<20480x128xf32, #tpu.memory_space<hbm>>, %arg7: memref<10000xi32, #tpu.memory_space<vmem>>, %arg8: memref<40xi32, #tpu.memory_space<vmem>>, %arg9: memref<40xi32, #tpu.memory_space<vmem>>, %arg10: memref<40xi32, #tpu.memory_space<vmem>>, %arg11: memref<40xi32, #tpu.memory_space<vmem>>, %arg12: memref<40xi32, #tpu.memory_space<vmem>>, %arg13: memref<40x128xf32, #tpu.memory_space<vmem>>, %arg14: memref<40x128xf32, #tpu.memory_space<vmem>>, %arg15: memref<40x128xf32, #tpu.memory_space<vmem>>, %arg16: memref<40x128xf32, #tpu.memory_space<vmem>>, %arg17: memref<40x128xf32, #tpu.memory_space<vmem>>, %arg18: memref<!tpu.dma_semaphore, #tpu.memory_space<semaphore_mem>>, %arg19: memref<!tpu.dma_semaphore, #tpu.memory_space<semaphore_mem>>, %arg20: memref<!tpu.dma_semaphore, #tpu.memory_space<semaphore_mem>>, %arg21: memref<!tpu.dma_semaphore, #tpu.memory_space<semaphore_mem>>, %arg22: memref<!tpu.dma_semaphore, #tpu.memory_space<semaphore_mem>>, %arg23: memref<!tpu.dma_semaphore, #tpu.memory_space<semaphore_mem>>, %arg24: memref<!tpu.dma_semaphore, #tpu.memory_space<semaphore_mem>>, %arg25: memref<!tpu.dma_semaphore, #tpu.memory_space<semaphore_mem>>, %arg26: memref<!tpu.dma_semaphore, #tpu.memory_space<semaphore_mem>>, %arg27: memref<!tpu.dma_semaphore, #tpu.memory_space<semaphore_mem>>, %arg28: memref<10240x128xf32, #tpu.memory_space<vmem_shared>>) attributes {dimension_semantics = [#tpu.dimension_semantics<core_parallel>, #tpu.dimension_semantics<subcore_parallel>], iteration_bounds = array<i64: 2, 16>, scalar_prefetch = 0 : i64, scratch_operands = 22 : i64, tpu.core_type = #tpu.core_type<sc_vector_subcore>, window_params = [{transform_indices = #map}, {transform_indices = #map1}, {transform_indices = #map1}, {transform_indices = #map}, {transform_indices = #map}]} {
    %mul3A = arith.constant 640 : i32
    %mul3A_0 = arith.muli %arg1, %mul3A : i32
    "tpu.region"() ({
      %run_scoped3A = tpu.sem_alloc : memref<!tpu.dma_semaphore, #tpu.memory_space<semaphore_mem>>
      %dma_start3A_59 = arith.constant 0 : i32
      %dma_start3A_60 = tpu.memref_slice %arg28[%mul3A_0, %dma_start3A_59] : memref<10240x128xf32, #tpu.memory_space<vmem_shared>> -> memref<640x128xf32, #tpu.memory_space<vmem_shared>>
      %dma_start3A_61 = arith.constant 0 : i32
      %dma_start3A_62 = tpu.memref_slice %arg5[%mul3A_0, %dma_start3A_61] : memref<10240x128xf32, #tpu.memory_space<hbm>> -> memref<640x128xf32, #tpu.memory_space<hbm>>
      tpu.enqueue_dma source(%dma_start3A_62 : memref<640x128xf32, #tpu.memory_space<hbm>>) target(%dma_start3A_60 : memref<640x128xf32, #tpu.memory_space<vmem_shared>>) target_semaphore(%run_scoped3A : memref<!tpu.dma_semaphore, #tpu.memory_space<semaphore_mem>>)
      %dma_wait3A = arith.constant 0 : i32
      %dma_wait3A_63 = tpu.memref_slice %arg28[%mul3A_0, %dma_wait3A] : memref<10240x128xf32, #tpu.memory_space<vmem_shared>> -> memref<640x128xf32, #tpu.memory_space<vmem_shared>>
      %dma_wait3A_64 = arith.constant 0 : i32
      %dma_wait3A_65 = tpu.memref_slice %arg5[%mul3A_0, %dma_wait3A_64] : memref<10240x128xf32, #tpu.memory_space<hbm>> -> memref<640x128xf32, #tpu.memory_space<hbm>>
      tpu.wait_dma2 semaphore(%run_scoped3A : memref<!tpu.dma_semaphore, #tpu.memory_space<semaphore_mem>>) src(%dma_wait3A_65 : memref<640x128xf32, #tpu.memory_space<hbm>>) dst(%dma_wait3A_63 : memref<640x128xf32, #tpu.memory_space<vmem_shared>>)
      tpu.yield
    }) : () -> ()
    %mul3A_1 = arith.constant 16 : i32
    %mul3A_2 = arith.muli %arg0, %mul3A_1 : i32
    %add3A = arith.addi %mul3A_2, %arg1 : i32
    %mul3A_3 = arith.constant 10000 : i32
    %mul3A_4 = arith.muli %add3A, %mul3A_3 : i32
    "tpu.region"() ({
      %run_scoped3A = tpu.sem_alloc : memref<!tpu.dma_semaphore, #tpu.memory_space<semaphore_mem>>
      %dma_start3A_59 = tpu.memref_slice %arg3[%mul3A_4] : memref<320000xi32, #tpu.memory_space<hbm>> -> memref<10000xi32, #tpu.memory_space<hbm>>
      %dma_start3A_60 = tpu.memref_slice %arg3[%mul3A_4] : memref<320000xi32, #tpu.memory_space<hbm>> -> memref<10000xi32, #tpu.memory_space<hbm>>
      tpu.enqueue_dma source(%dma_start3A_60 : memref<10000xi32, #tpu.memory_space<hbm>>) target(%arg7 : memref<10000xi32, #tpu.memory_space<vmem>>) target_semaphore(%run_scoped3A : memref<!tpu.dma_semaphore, #tpu.memory_space<semaphore_mem>>)
      %dma_wait3A = tpu.memref_slice %arg3[%mul3A_4] : memref<320000xi32, #tpu.memory_space<hbm>> -> memref<10000xi32, #tpu.memory_space<hbm>>
      %dma_wait3A_61 = tpu.memref_slice %arg3[%mul3A_4] : memref<320000xi32, #tpu.memory_space<hbm>> -> memref<10000xi32, #tpu.memory_space<hbm>>
      tpu.wait_dma2 semaphore(%run_scoped3A : memref<!tpu.dma_semaphore, #tpu.memory_space<semaphore_mem>>) src(%dma_wait3A_61 : memref<10000xi32, #tpu.memory_space<hbm>>) dst(%arg7 : memref<10000xi32, #tpu.memory_space<vmem>>)
      tpu.yield
    }) : () -> ()
    %barrier3A = arith.constant 0 : index
    tpu.barrier barrier_id(%barrier3A)
    %multiple_of3A = arith.constant 0 : i32
    %multiple_of3A_5 = tpu.assume_multiple %multiple_of3A, 8 : i32
    %add3A_6 = arith.addi %mul3A_4, %multiple_of3A_5 : i32
    %dma_start3A = tpu.memref_slice %arg4[%add3A_6] : memref<320000xi32, #tpu.memory_space<hbm>> -> memref<40xi32, #tpu.memory_space<hbm>>
    %dma_start3A_7 = tpu.memref_slice %arg4[%add3A_6] : memref<320000xi32, #tpu.memory_space<hbm>> -> memref<40xi32, #tpu.memory_space<hbm>>
    tpu.enqueue_dma source(%dma_start3A_7 : memref<40xi32, #tpu.memory_space<hbm>>) target(%arg8 : memref<40xi32, #tpu.memory_space<vmem>>) target_semaphore(%arg23 : memref<!tpu.dma_semaphore, #tpu.memory_space<semaphore_mem>>)
    %dma_start3A_8 = tpu.memref_slice %arg7[%multiple_of3A_5] : memref<10000xi32, #tpu.memory_space<vmem>> -> memref<40xi32, #tpu.memory_space<vmem>>
    %dma_start3A_9 = arith.constant 0 : i32
    %dma_start3A_10 = arith.constant 0 : i32
    %dma_start3A_11 = tpu.memref_slice %arg2[%dma_start3A_9, %dma_start3A_10] : memref<40000x128xf32, #tpu.memory_space<hbm>> -> memref<40000x128xf32, #tpu.memory_space<hbm>>
    tpu.enqueue_indirect_dma source(%dma_start3A_11 : memref<40000x128xf32, #tpu.memory_space<hbm>>) target(%arg13 : memref<40x128xf32, #tpu.memory_space<vmem>>) offsets(%dma_start3A_8 : memref<40xi32, #tpu.memory_space<vmem>>) semaphore(%arg18 : memref<!tpu.dma_semaphore, #tpu.memory_space<semaphore_mem>>)
    %multiple_of3A_12 = arith.constant 40 : i32
    %multiple_of3A_13 = tpu.assume_multiple %multiple_of3A_12, 8 : i32
    %add3A_14 = arith.addi %mul3A_4, %multiple_of3A_13 : i32
    %dma_start3A_15 = tpu.memref_slice %arg4[%add3A_14] : memref<320000xi32, #tpu.memory_space<hbm>> -> memref<40xi32, #tpu.memory_space<hbm>>
    %dma_start3A_16 = tpu.memref_slice %arg4[%add3A_14] : memref<320000xi32, #tpu.memory_space<hbm>> -> memref<40xi32, #tpu.memory_space<hbm>>
    tpu.enqueue_dma source(%dma_start3A_16 : memref<40xi32, #tpu.memory_space<hbm>>) target(%arg9 : memref<40xi32, #tpu.memory_space<vmem>>) target_semaphore(%arg24 : memref<!tpu.dma_semaphore, #tpu.memory_space<semaphore_mem>>)
    %dma_start3A_17 = tpu.memref_slice %arg7[%multiple_of3A_13] : memref<10000xi32, #tpu.memory_space<vmem>> -> memref<40xi32, #tpu.memory_space<vmem>>
    %dma_start3A_18 = arith.constant 0 : i32
    %dma_start3A_19 = arith.constant 0 : i32
    %dma_start3A_20 = tpu.memref_slice %arg2[%dma_start3A_18, %dma_start3A_19] : memref<40000x128xf32, #tpu.memory_space<hbm>> -> memref<40000x128xf32, #tpu.memory_space<hbm>>
    tpu.enqueue_indirect_dma source(%dma_start3A_20 : memref<40000x128xf32, #tpu.memory_space<hbm>>) target(%arg14 : memref<40x128xf32, #tpu.memory_space<vmem>>) offsets(%dma_start3A_17 : memref<40xi32, #tpu.memory_space<vmem>>) semaphore(%arg19 : memref<!tpu.dma_semaphore, #tpu.memory_space<semaphore_mem>>)
    %multiple_of3A_21 = arith.constant 80 : i32
    %multiple_of3A_22 = tpu.assume_multiple %multiple_of3A_21, 8 : i32
    %add3A_23 = arith.addi %mul3A_4, %multiple_of3A_22 : i32
    %dma_start3A_24 = tpu.memref_slice %arg4[%add3A_23] : memref<320000xi32, #tpu.memory_space<hbm>> -> memref<40xi32, #tpu.memory_space<hbm>>
    %dma_start3A_25 = tpu.memref_slice %arg4[%add3A_23] : memref<320000xi32, #tpu.memory_space<hbm>> -> memref<40xi32, #tpu.memory_space<hbm>>
    tpu.enqueue_dma source(%dma_start3A_25 : memref<40xi32, #tpu.memory_space<hbm>>) target(%arg10 : memref<40xi32, #tpu.memory_space<vmem>>) target_semaphore(%arg25 : memref<!tpu.dma_semaphore, #tpu.memory_space<semaphore_mem>>)
    %dma_start3A_26 = tpu.memref_slice %arg7[%multiple_of3A_22] : memref<10000xi32, #tpu.memory_space<vmem>> -> memref<40xi32, #tpu.memory_space<vmem>>
    %dma_start3A_27 = arith.constant 0 : i32
    %dma_start3A_28 = arith.constant 0 : i32
    %dma_start3A_29 = tpu.memref_slice %arg2[%dma_start3A_27, %dma_start3A_28] : memref<40000x128xf32, #tpu.memory_space<hbm>> -> memref<40000x128xf32, #tpu.memory_space<hbm>>
    tpu.enqueue_indirect_dma source(%dma_start3A_29 : memref<40000x128xf32, #tpu.memory_space<hbm>>) target(%arg15 : memref<40x128xf32, #tpu.memory_space<vmem>>) offsets(%dma_start3A_26 : memref<40xi32, #tpu.memory_space<vmem>>) semaphore(%arg20 : memref<!tpu.dma_semaphore, #tpu.memory_space<semaphore_mem>>)
    %multiple_of3A_30 = arith.constant 120 : i32
    %multiple_of3A_31 = tpu.assume_multiple %multiple_of3A_30, 8 : i32
    %add3A_32 = arith.addi %mul3A_4, %multiple_of3A_31 : i32
    %dma_start3A_33 = tpu.memref_slice %arg4[%add3A_32] : memref<320000xi32, #tpu.memory_space<hbm>> -> memref<40xi32, #tpu.memory_space<hbm>>
    %dma_start3A_34 = tpu.memref_slice %arg4[%add3A_32] : memref<320000xi32, #tpu.memory_space<hbm>> -> memref<40xi32, #tpu.memory_space<hbm>>
    tpu.enqueue_dma source(%dma_start3A_34 : memref<40xi32, #tpu.memory_space<hbm>>) target(%arg11 : memref<40xi32, #tpu.memory_space<vmem>>) target_semaphore(%arg26 : memref<!tpu.dma_semaphore, #tpu.memory_space<semaphore_mem>>)
    %dma_start3A_35 = tpu.memref_slice %arg7[%multiple_of3A_31] : memref<10000xi32, #tpu.memory_space<vmem>> -> memref<40xi32, #tpu.memory_space<vmem>>
    %dma_start3A_36 = arith.constant 0 : i32
    %dma_start3A_37 = arith.constant 0 : i32
    %dma_start3A_38 = tpu.memref_slice %arg2[%dma_start3A_36, %dma_start3A_37] : memref<40000x128xf32, #tpu.memory_space<hbm>> -> memref<40000x128xf32, #tpu.memory_space<hbm>>
    tpu.enqueue_indirect_dma source(%dma_start3A_38 : memref<40000x128xf32, #tpu.memory_space<hbm>>) target(%arg16 : memref<40x128xf32, #tpu.memory_space<vmem>>) offsets(%dma_start3A_35 : memref<40xi32, #tpu.memory_space<vmem>>) semaphore(%arg21 : memref<!tpu.dma_semaphore, #tpu.memory_space<semaphore_mem>>)
    %multiple_of3A_39 = arith.constant 160 : i32
    %multiple_of3A_40 = tpu.assume_multiple %multiple_of3A_39, 8 : i32
    %add3A_41 = arith.addi %mul3A_4, %multiple_of3A_40 : i32
    %dma_start3A_42 = tpu.memref_slice %arg4[%add3A_41] : memref<320000xi32, #tpu.memory_space<hbm>> -> memref<40xi32, #tpu.memory_space<hbm>>
    %dma_start3A_43 = tpu.memref_slice %arg4[%add3A_41] : memref<320000xi32, #tpu.memory_space<hbm>> -> memref<40xi32, #tpu.memory_space<hbm>>
    tpu.enqueue_dma source(%dma_start3A_43 : memref<40xi32, #tpu.memory_space<hbm>>) target(%arg12 : memref<40xi32, #tpu.memory_space<vmem>>) target_semaphore(%arg27 : memref<!tpu.dma_semaphore, #tpu.memory_space<semaphore_mem>>)
    %dma_start3A_44 = tpu.memref_slice %arg7[%multiple_of3A_40] : memref<10000xi32, #tpu.memory_space<vmem>> -> memref<40xi32, #tpu.memory_space<vmem>>
    %dma_start3A_45 = arith.constant 0 : i32
    %dma_start3A_46 = arith.constant 0 : i32
    %dma_start3A_47 = tpu.memref_slice %arg2[%dma_start3A_45, %dma_start3A_46] : memref<40000x128xf32, #tpu.memory_space<hbm>> -> memref<40000x128xf32, #tpu.memory_space<hbm>>
    tpu.enqueue_indirect_dma source(%dma_start3A_47 : memref<40000x128xf32, #tpu.memory_space<hbm>>) target(%arg17 : memref<40x128xf32, #tpu.memory_space<vmem>>) offsets(%dma_start3A_44 : memref<40xi32, #tpu.memory_space<vmem>>) semaphore(%arg22 : memref<!tpu.dma_semaphore, #tpu.memory_space<semaphore_mem>>)
    %scan3A = arith.constant 0 : i32
    %scan3A_48 = arith.constant 0 : i32
    %scan3A_49 = arith.constant 50 : i32
    %scan3A_50 = arith.addi %scan3A_48, %scan3A_49 : i32
    %scan3A_51 = arith.constant 1 : i32
    scf.for %scan3A_59 = %scan3A_48 to %scan3A_50 step %scan3A_51  : i32 {
      %mul3A_60 = arith.constant 5 : i32
      %mul3A_61 = arith.muli %scan3A_59, %mul3A_60 : i32
      %add3A_62 = arith.constant 0 : i32
      %add3A_63 = arith.addi %mul3A_61, %add3A_62 : i32
      %mul3A_64 = arith.constant 40 : i32
      %mul3A_65 = arith.muli %add3A_63, %mul3A_64 : i32
      %multiple_of3A_66 = tpu.assume_multiple %mul3A_65, 8 : i32
      %dma_wait3A = arith.constant 0 : i32
      %dma_wait3A_67 = tpu.memref_slice %arg4[%dma_wait3A] : memref<320000xi32, #tpu.memory_space<hbm>> -> memref<40xi32, #tpu.memory_space<hbm>>
      %dma_wait3A_68 = arith.constant 0 : i32
      %dma_wait3A_69 = tpu.memref_slice %arg4[%dma_wait3A_68] : memref<320000xi32, #tpu.memory_space<hbm>> -> memref<40xi32, #tpu.memory_space<hbm>>
      tpu.wait_dma2 semaphore(%arg23 : memref<!tpu.dma_semaphore, #tpu.memory_space<semaphore_mem>>) src(%dma_wait3A_69 : memref<40xi32, #tpu.memory_space<hbm>>) dst(%arg8 : memref<40xi32, #tpu.memory_space<vmem>>)
      %dma_wait3A_70 = tpu.memref_slice %arg7[%multiple_of3A_66] : memref<10000xi32, #tpu.memory_space<vmem>> -> memref<40xi32, #tpu.memory_space<vmem>>
      %dma_wait3A_71 = arith.constant 0 : i32
      %dma_wait3A_72 = arith.constant 0 : i32
      %dma_wait3A_73 = tpu.memref_slice %arg2[%dma_wait3A_71, %dma_wait3A_72] : memref<40000x128xf32, #tpu.memory_space<hbm>> -> memref<40000x128xf32, #tpu.memory_space<hbm>>
      tpu.wait_indirect_dma semaphore(%arg18 : memref<!tpu.dma_semaphore, #tpu.memory_space<semaphore_mem>>) src(%dma_wait3A_73 : memref<40000x128xf32, #tpu.memory_space<hbm>>) dst(%arg13 : memref<40x128xf32, #tpu.memory_space<vmem>>)
      "tpu.region"() ({
        %run_scoped3A = tpu.sem_alloc : memref<!tpu.dma_semaphore, #tpu.memory_space<semaphore_mem>>
        %dma_start3A_166 = arith.constant 0 : i32
        %dma_start3A_167 = arith.constant 0 : i32
        %dma_start3A_168 = tpu.memref_slice %arg28[%dma_start3A_166, %dma_start3A_167] : memref<10240x128xf32, #tpu.memory_space<vmem_shared>> -> memref<10240x128xf32, #tpu.memory_space<vmem_shared>>
        tpu.enqueue_indirect_dma source(%arg13 : memref<40x128xf32, #tpu.memory_space<vmem>>) target(%dma_start3A_168 : memref<10240x128xf32, #tpu.memory_space<vmem_shared>>) offsets(%arg8 : memref<40xi32, #tpu.memory_space<vmem>>) semaphore(%run_scoped3A : memref<!tpu.dma_semaphore, #tpu.memory_space<semaphore_mem>>) {add = true}
        %dma_wait3A_169 = arith.constant 0 : i32
        %dma_wait3A_170 = arith.constant 0 : i32
        %dma_wait3A_171 = tpu.memref_slice %arg28[%dma_wait3A_169, %dma_wait3A_170] : memref<10240x128xf32, #tpu.memory_space<vmem_shared>> -> memref<10240x128xf32, #tpu.memory_space<vmem_shared>>
        tpu.wait_indirect_dma semaphore(%run_scoped3A : memref<!tpu.dma_semaphore, #tpu.memory_space<semaphore_mem>>) src(%arg13 : memref<40x128xf32, #tpu.memory_space<vmem>>) dst(%dma_wait3A_171 : memref<10240x128xf32, #tpu.memory_space<vmem_shared>>)
        tpu.yield
      }) : () -> ()
      %add3A_74 = arith.constant 5 : i32
      %add3A_75 = arith.addi %add3A_63, %add3A_74 : i32
      %lt3A = arith.constant 250 : i32
      %lt3A_76 = arith.cmpi slt, %add3A_75, %lt3A : i32
      %convert_element_type3A = arith.extui %lt3A_76 : i1 to i32
      %cond3A = arith.constant 0 : i32
      %cond3A_77 = arith.cmpi ne, %convert_element_type3A, %cond3A : i32
      scf.if %cond3A_77 {
        %add3A_166 = arith.constant 5 : i32
        %add3A_167 = arith.addi %add3A_63, %add3A_166 : i32
        %mul3A_168 = arith.constant 40 : i32
        %mul3A_169 = arith.muli %add3A_167, %mul3A_168 : i32
        %multiple_of3A_170 = tpu.assume_multiple %mul3A_169, 8 : i32
        %add3A_171 = arith.addi %mul3A_4, %multiple_of3A_170 : i32
        %dma_start3A_172 = tpu.memref_slice %arg4[%add3A_171] : memref<320000xi32, #tpu.memory_space<hbm>> -> memref<40xi32, #tpu.memory_space<hbm>>
        %dma_start3A_173 = tpu.memref_slice %arg4[%add3A_171] : memref<320000xi32, #tpu.memory_space<hbm>> -> memref<40xi32, #tpu.memory_space<hbm>>
        tpu.enqueue_dma source(%dma_start3A_173 : memref<40xi32, #tpu.memory_space<hbm>>) target(%arg8 : memref<40xi32, #tpu.memory_space<vmem>>) target_semaphore(%arg23 : memref<!tpu.dma_semaphore, #tpu.memory_space<semaphore_mem>>)
        %dma_start3A_174 = tpu.memref_slice %arg7[%multiple_of3A_170] : memref<10000xi32, #tpu.memory_space<vmem>> -> memref<40xi32, #tpu.memory_space<vmem>>
        %dma_start3A_175 = arith.constant 0 : i32
        %dma_start3A_176 = arith.constant 0 : i32
        %dma_start3A_177 = tpu.memref_slice %arg2[%dma_start3A_175, %dma_start3A_176] : memref<40000x128xf32, #tpu.memory_space<hbm>> -> memref<40000x128xf32, #tpu.memory_space<hbm>>
        tpu.enqueue_indirect_dma source(%dma_start3A_177 : memref<40000x128xf32, #tpu.memory_space<hbm>>) target(%arg13 : memref<40x128xf32, #tpu.memory_space<vmem>>) offsets(%dma_start3A_174 : memref<40xi32, #tpu.memory_space<vmem>>) semaphore(%arg18 : memref<!tpu.dma_semaphore, #tpu.memory_space<semaphore_mem>>)
      } else {
      }
      %mul3A_78 = arith.constant 5 : i32
      %mul3A_79 = arith.muli %scan3A_59, %mul3A_78 : i32
      %add3A_80 = arith.constant 1 : i32
      %add3A_81 = arith.addi %mul3A_79, %add3A_80 : i32
      %mul3A_82 = arith.constant 40 : i32
      %mul3A_83 = arith.muli %add3A_81, %mul3A_82 : i32
      %multiple_of3A_84 = tpu.assume_multiple %mul3A_83, 8 : i32
      %dma_wait3A_85 = arith.constant 0 : i32
      %dma_wait3A_86 = tpu.memref_slice %arg4[%dma_wait3A_85] : memref<320000xi32, #tpu.memory_space<hbm>> -> memref<40xi32, #tpu.memory_space<hbm>>
      %dma_wait3A_87 = arith.constant 0 : i32
      %dma_wait3A_88 = tpu.memref_slice %arg4[%dma_wait3A_87] : memref<320000xi32, #tpu.memory_space<hbm>> -> memref<40xi32, #tpu.memory_space<hbm>>
      tpu.wait_dma2 semaphore(%arg24 : memref<!tpu.dma_semaphore, #tpu.memory_space<semaphore_mem>>) src(%dma_wait3A_88 : memref<40xi32, #tpu.memory_space<hbm>>) dst(%arg9 : memref<40xi32, #tpu.memory_space<vmem>>)
      %dma_wait3A_89 = tpu.memref_slice %arg7[%multiple_of3A_84] : memref<10000xi32, #tpu.memory_space<vmem>> -> memref<40xi32, #tpu.memory_space<vmem>>
      %dma_wait3A_90 = arith.constant 0 : i32
      %dma_wait3A_91 = arith.constant 0 : i32
      %dma_wait3A_92 = tpu.memref_slice %arg2[%dma_wait3A_90, %dma_wait3A_91] : memref<40000x128xf32, #tpu.memory_space<hbm>> -> memref<40000x128xf32, #tpu.memory_space<hbm>>
      tpu.wait_indirect_dma semaphore(%arg19 : memref<!tpu.dma_semaphore, #tpu.memory_space<semaphore_mem>>) src(%dma_wait3A_92 : memref<40000x128xf32, #tpu.memory_space<hbm>>) dst(%arg14 : memref<40x128xf32, #tpu.memory_space<vmem>>)
      "tpu.region"() ({
        %run_scoped3A = tpu.sem_alloc : memref<!tpu.dma_semaphore, #tpu.memory_space<semaphore_mem>>
        %dma_start3A_166 = arith.constant 0 : i32
        %dma_start3A_167 = arith.constant 0 : i32
        %dma_start3A_168 = tpu.memref_slice %arg28[%dma_start3A_166, %dma_start3A_167] : memref<10240x128xf32, #tpu.memory_space<vmem_shared>> -> memref<10240x128xf32, #tpu.memory_space<vmem_shared>>
        tpu.enqueue_indirect_dma source(%arg14 : memref<40x128xf32, #tpu.memory_space<vmem>>) target(%dma_start3A_168 : memref<10240x128xf32, #tpu.memory_space<vmem_shared>>) offsets(%arg9 : memref<40xi32, #tpu.memory_space<vmem>>) semaphore(%run_scoped3A : memref<!tpu.dma_semaphore, #tpu.memory_space<semaphore_mem>>) {add = true}
        %dma_wait3A_169 = arith.constant 0 : i32
        %dma_wait3A_170 = arith.constant 0 : i32
        %dma_wait3A_171 = tpu.memref_slice %arg28[%dma_wait3A_169, %dma_wait3A_170] : memref<10240x128xf32, #tpu.memory_space<vmem_shared>> -> memref<10240x128xf32, #tpu.memory_space<vmem_shared>>
        tpu.wait_indirect_dma semaphore(%run_scoped3A : memref<!tpu.dma_semaphore, #tpu.memory_space<semaphore_mem>>) src(%arg14 : memref<40x128xf32, #tpu.memory_space<vmem>>) dst(%dma_wait3A_171 : memref<10240x128xf32, #tpu.memory_space<vmem_shared>>)
        tpu.yield
      }) : () -> ()
      %add3A_93 = arith.constant 5 : i32
      %add3A_94 = arith.addi %add3A_81, %add3A_93 : i32
      %lt3A_95 = arith.constant 250 : i32
      %lt3A_96 = arith.cmpi slt, %add3A_94, %lt3A_95 : i32
      %convert_element_type3A_97 = arith.extui %lt3A_96 : i1 to i32
      %cond3A_98 = arith.constant 0 : i32
      %cond3A_99 = arith.cmpi ne, %convert_element_type3A_97, %cond3A_98 : i32
      scf.if %cond3A_99 {
        %add3A_166 = arith.constant 5 : i32
        %add3A_167 = arith.addi %add3A_81, %add3A_166 : i32
        %mul3A_168 = arith.constant 40 : i32
        %mul3A_169 = arith.muli %add3A_167, %mul3A_168 : i32
        %multiple_of3A_170 = tpu.assume_multiple %mul3A_169, 8 : i32
        %add3A_171 = arith.addi %mul3A_4, %multiple_of3A_170 : i32
        %dma_start3A_172 = tpu.memref_slice %arg4[%add3A_171] : memref<320000xi32, #tpu.memory_space<hbm>> -> memref<40xi32, #tpu.memory_space<hbm>>
        %dma_start3A_173 = tpu.memref_slice %arg4[%add3A_171] : memref<320000xi32, #tpu.memory_space<hbm>> -> memref<40xi32, #tpu.memory_space<hbm>>
        tpu.enqueue_dma source(%dma_start3A_173 : memref<40xi32, #tpu.memory_space<hbm>>) target(%arg9 : memref<40xi32, #tpu.memory_space<vmem>>) target_semaphore(%arg24 : memref<!tpu.dma_semaphore, #tpu.memory_space<semaphore_mem>>)
        %dma_start3A_174 = tpu.memref_slice %arg7[%multiple_of3A_170] : memref<10000xi32, #tpu.memory_space<vmem>> -> memref<40xi32, #tpu.memory_space<vmem>>
        %dma_start3A_175 = arith.constant 0 : i32
        %dma_start3A_176 = arith.constant 0 : i32
        %dma_start3A_177 = tpu.memref_slice %arg2[%dma_start3A_175, %dma_start3A_176] : memref<40000x128xf32, #tpu.memory_space<hbm>> -> memref<40000x128xf32, #tpu.memory_space<hbm>>
        tpu.enqueue_indirect_dma source(%dma_start3A_177 : memref<40000x128xf32, #tpu.memory_space<hbm>>) target(%arg14 : memref<40x128xf32, #tpu.memory_space<vmem>>) offsets(%dma_start3A_174 : memref<40xi32, #tpu.memory_space<vmem>>) semaphore(%arg19 : memref<!tpu.dma_semaphore, #tpu.memory_space<semaphore_mem>>)
      } else {
      }
      %mul3A_100 = arith.constant 5 : i32
      %mul3A_101 = arith.muli %scan3A_59, %mul3A_100 : i32
      %add3A_102 = arith.constant 2 : i32
      %add3A_103 = arith.addi %mul3A_101, %add3A_102 : i32
      %mul3A_104 = arith.constant 40 : i32
      %mul3A_105 = arith.muli %add3A_103, %mul3A_104 : i32
      %multiple_of3A_106 = tpu.assume_multiple %mul3A_105, 8 : i32
      %dma_wait3A_107 = arith.constant 0 : i32
      %dma_wait3A_108 = tpu.memref_slice %arg4[%dma_wait3A_107] : memref<320000xi32, #tpu.memory_space<hbm>> -> memref<40xi32, #tpu.memory_space<hbm>>
      %dma_wait3A_109 = arith.constant 0 : i32
      %dma_wait3A_110 = tpu.memref_slice %arg4[%dma_wait3A_109] : memref<320000xi32, #tpu.memory_space<hbm>> -> memref<40xi32, #tpu.memory_space<hbm>>
      tpu.wait_dma2 semaphore(%arg25 : memref<!tpu.dma_semaphore, #tpu.memory_space<semaphore_mem>>) src(%dma_wait3A_110 : memref<40xi32, #tpu.memory_space<hbm>>) dst(%arg10 : memref<40xi32, #tpu.memory_space<vmem>>)
      %dma_wait3A_111 = tpu.memref_slice %arg7[%multiple_of3A_106] : memref<10000xi32, #tpu.memory_space<vmem>> -> memref<40xi32, #tpu.memory_space<vmem>>
      %dma_wait3A_112 = arith.constant 0 : i32
      %dma_wait3A_113 = arith.constant 0 : i32
      %dma_wait3A_114 = tpu.memref_slice %arg2[%dma_wait3A_112, %dma_wait3A_113] : memref<40000x128xf32, #tpu.memory_space<hbm>> -> memref<40000x128xf32, #tpu.memory_space<hbm>>
      tpu.wait_indirect_dma semaphore(%arg20 : memref<!tpu.dma_semaphore, #tpu.memory_space<semaphore_mem>>) src(%dma_wait3A_114 : memref<40000x128xf32, #tpu.memory_space<hbm>>) dst(%arg15 : memref<40x128xf32, #tpu.memory_space<vmem>>)
      "tpu.region"() ({
        %run_scoped3A = tpu.sem_alloc : memref<!tpu.dma_semaphore, #tpu.memory_space<semaphore_mem>>
        %dma_start3A_166 = arith.constant 0 : i32
        %dma_start3A_167 = arith.constant 0 : i32
        %dma_start3A_168 = tpu.memref_slice %arg28[%dma_start3A_166, %dma_start3A_167] : memref<10240x128xf32, #tpu.memory_space<vmem_shared>> -> memref<10240x128xf32, #tpu.memory_space<vmem_shared>>
        tpu.enqueue_indirect_dma source(%arg15 : memref<40x128xf32, #tpu.memory_space<vmem>>) target(%dma_start3A_168 : memref<10240x128xf32, #tpu.memory_space<vmem_shared>>) offsets(%arg10 : memref<40xi32, #tpu.memory_space<vmem>>) semaphore(%run_scoped3A : memref<!tpu.dma_semaphore, #tpu.memory_space<semaphore_mem>>) {add = true}
        %dma_wait3A_169 = arith.constant 0 : i32
        %dma_wait3A_170 = arith.constant 0 : i32
        %dma_wait3A_171 = tpu.memref_slice %arg28[%dma_wait3A_169, %dma_wait3A_170] : memref<10240x128xf32, #tpu.memory_space<vmem_shared>> -> memref<10240x128xf32, #tpu.memory_space<vmem_shared>>
        tpu.wait_indirect_dma semaphore(%run_scoped3A : memref<!tpu.dma_semaphore, #tpu.memory_space<semaphore_mem>>) src(%arg15 : memref<40x128xf32, #tpu.memory_space<vmem>>) dst(%dma_wait3A_171 : memref<10240x128xf32, #tpu.memory_space<vmem_shared>>)
        tpu.yield
      }) : () -> ()
      %add3A_115 = arith.constant 5 : i32
      %add3A_116 = arith.addi %add3A_103, %add3A_115 : i32
      %lt3A_117 = arith.constant 250 : i32
      %lt3A_118 = arith.cmpi slt, %add3A_116, %lt3A_117 : i32
      %convert_element_type3A_119 = arith.extui %lt3A_118 : i1 to i32
      %cond3A_120 = arith.constant 0 : i32
      %cond3A_121 = arith.cmpi ne, %convert_element_type3A_119, %cond3A_120 : i32
      scf.if %cond3A_121 {
        %add3A_166 = arith.constant 5 : i32
        %add3A_167 = arith.addi %add3A_103, %add3A_166 : i32
        %mul3A_168 = arith.constant 40 : i32
        %mul3A_169 = arith.muli %add3A_167, %mul3A_168 : i32
        %multiple_of3A_170 = tpu.assume_multiple %mul3A_169, 8 : i32
        %add3A_171 = arith.addi %mul3A_4, %multiple_of3A_170 : i32
        %dma_start3A_172 = tpu.memref_slice %arg4[%add3A_171] : memref<320000xi32, #tpu.memory_space<hbm>> -> memref<40xi32, #tpu.memory_space<hbm>>
        %dma_start3A_173 = tpu.memref_slice %arg4[%add3A_171] : memref<320000xi32, #tpu.memory_space<hbm>> -> memref<40xi32, #tpu.memory_space<hbm>>
        tpu.enqueue_dma source(%dma_start3A_173 : memref<40xi32, #tpu.memory_space<hbm>>) target(%arg10 : memref<40xi32, #tpu.memory_space<vmem>>) target_semaphore(%arg25 : memref<!tpu.dma_semaphore, #tpu.memory_space<semaphore_mem>>)
        %dma_start3A_174 = tpu.memref_slice %arg7[%multiple_of3A_170] : memref<10000xi32, #tpu.memory_space<vmem>> -> memref<40xi32, #tpu.memory_space<vmem>>
        %dma_start3A_175 = arith.constant 0 : i32
        %dma_start3A_176 = arith.constant 0 : i32
        %dma_start3A_177 = tpu.memref_slice %arg2[%dma_start3A_175, %dma_start3A_176] : memref<40000x128xf32, #tpu.memory_space<hbm>> -> memref<40000x128xf32, #tpu.memory_space<hbm>>
        tpu.enqueue_indirect_dma source(%dma_start3A_177 : memref<40000x128xf32, #tpu.memory_space<hbm>>) target(%arg15 : memref<40x128xf32, #tpu.memory_space<vmem>>) offsets(%dma_start3A_174 : memref<40xi32, #tpu.memory_space<vmem>>) semaphore(%arg20 : memref<!tpu.dma_semaphore, #tpu.memory_space<semaphore_mem>>)
      } else {
      }
      %mul3A_122 = arith.constant 5 : i32
      %mul3A_123 = arith.muli %scan3A_59, %mul3A_122 : i32
      %add3A_124 = arith.constant 3 : i32
      %add3A_125 = arith.addi %mul3A_123, %add3A_124 : i32
      %mul3A_126 = arith.constant 40 : i32
      %mul3A_127 = arith.muli %add3A_125, %mul3A_126 : i32
      %multiple_of3A_128 = tpu.assume_multiple %mul3A_127, 8 : i32
      %dma_wait3A_129 = arith.constant 0 : i32
      %dma_wait3A_130 = tpu.memref_slice %arg4[%dma_wait3A_129] : memref<320000xi32, #tpu.memory_space<hbm>> -> memref<40xi32, #tpu.memory_space<hbm>>
      %dma_wait3A_131 = arith.constant 0 : i32
      %dma_wait3A_132 = tpu.memref_slice %arg4[%dma_wait3A_131] : memref<320000xi32, #tpu.memory_space<hbm>> -> memref<40xi32, #tpu.memory_space<hbm>>
      tpu.wait_dma2 semaphore(%arg26 : memref<!tpu.dma_semaphore, #tpu.memory_space<semaphore_mem>>) src(%dma_wait3A_132 : memref<40xi32, #tpu.memory_space<hbm>>) dst(%arg11 : memref<40xi32, #tpu.memory_space<vmem>>)
      %dma_wait3A_133 = tpu.memref_slice %arg7[%multiple_of3A_128] : memref<10000xi32, #tpu.memory_space<vmem>> -> memref<40xi32, #tpu.memory_space<vmem>>
      %dma_wait3A_134 = arith.constant 0 : i32
      %dma_wait3A_135 = arith.constant 0 : i32
      %dma_wait3A_136 = tpu.memref_slice %arg2[%dma_wait3A_134, %dma_wait3A_135] : memref<40000x128xf32, #tpu.memory_space<hbm>> -> memref<40000x128xf32, #tpu.memory_space<hbm>>
      tpu.wait_indirect_dma semaphore(%arg21 : memref<!tpu.dma_semaphore, #tpu.memory_space<semaphore_mem>>) src(%dma_wait3A_136 : memref<40000x128xf32, #tpu.memory_space<hbm>>) dst(%arg16 : memref<40x128xf32, #tpu.memory_space<vmem>>)
      "tpu.region"() ({
        %run_scoped3A = tpu.sem_alloc : memref<!tpu.dma_semaphore, #tpu.memory_space<semaphore_mem>>
        %dma_start3A_166 = arith.constant 0 : i32
        %dma_start3A_167 = arith.constant 0 : i32
        %dma_start3A_168 = tpu.memref_slice %arg28[%dma_start3A_166, %dma_start3A_167] : memref<10240x128xf32, #tpu.memory_space<vmem_shared>> -> memref<10240x128xf32, #tpu.memory_space<vmem_shared>>
        tpu.enqueue_indirect_dma source(%arg16 : memref<40x128xf32, #tpu.memory_space<vmem>>) target(%dma_start3A_168 : memref<10240x128xf32, #tpu.memory_space<vmem_shared>>) offsets(%arg11 : memref<40xi32, #tpu.memory_space<vmem>>) semaphore(%run_scoped3A : memref<!tpu.dma_semaphore, #tpu.memory_space<semaphore_mem>>) {add = true}
        %dma_wait3A_169 = arith.constant 0 : i32
        %dma_wait3A_170 = arith.constant 0 : i32
        %dma_wait3A_171 = tpu.memref_slice %arg28[%dma_wait3A_169, %dma_wait3A_170] : memref<10240x128xf32, #tpu.memory_space<vmem_shared>> -> memref<10240x128xf32, #tpu.memory_space<vmem_shared>>
        tpu.wait_indirect_dma semaphore(%run_scoped3A : memref<!tpu.dma_semaphore, #tpu.memory_space<semaphore_mem>>) src(%arg16 : memref<40x128xf32, #tpu.memory_space<vmem>>) dst(%dma_wait3A_171 : memref<10240x128xf32, #tpu.memory_space<vmem_shared>>)
        tpu.yield
      }) : () -> ()
      %add3A_137 = arith.constant 5 : i32
      %add3A_138 = arith.addi %add3A_125, %add3A_137 : i32
      %lt3A_139 = arith.constant 250 : i32
      %lt3A_140 = arith.cmpi slt, %add3A_138, %lt3A_139 : i32
      %convert_element_type3A_141 = arith.extui %lt3A_140 : i1 to i32
      %cond3A_142 = arith.constant 0 : i32
      %cond3A_143 = arith.cmpi ne, %convert_element_type3A_141, %cond3A_142 : i32
      scf.if %cond3A_143 {
        %add3A_166 = arith.constant 5 : i32
        %add3A_167 = arith.addi %add3A_125, %add3A_166 : i32
        %mul3A_168 = arith.constant 40 : i32
        %mul3A_169 = arith.muli %add3A_167, %mul3A_168 : i32
        %multiple_of3A_170 = tpu.assume_multiple %mul3A_169, 8 : i32
        %add3A_171 = arith.addi %mul3A_4, %multiple_of3A_170 : i32
        %dma_start3A_172 = tpu.memref_slice %arg4[%add3A_171] : memref<320000xi32, #tpu.memory_space<hbm>> -> memref<40xi32, #tpu.memory_space<hbm>>
        %dma_start3A_173 = tpu.memref_slice %arg4[%add3A_171] : memref<320000xi32, #tpu.memory_space<hbm>> -> memref<40xi32, #tpu.memory_space<hbm>>
        tpu.enqueue_dma source(%dma_start3A_173 : memref<40xi32, #tpu.memory_space<hbm>>) target(%arg11 : memref<40xi32, #tpu.memory_space<vmem>>) target_semaphore(%arg26 : memref<!tpu.dma_semaphore, #tpu.memory_space<semaphore_mem>>)
        %dma_start3A_174 = tpu.memref_slice %arg7[%multiple_of3A_170] : memref<10000xi32, #tpu.memory_space<vmem>> -> memref<40xi32, #tpu.memory_space<vmem>>
        %dma_start3A_175 = arith.constant 0 : i32
        %dma_start3A_176 = arith.constant 0 : i32
        %dma_start3A_177 = tpu.memref_slice %arg2[%dma_start3A_175, %dma_start3A_176] : memref<40000x128xf32, #tpu.memory_space<hbm>> -> memref<40000x128xf32, #tpu.memory_space<hbm>>
        tpu.enqueue_indirect_dma source(%dma_start3A_177 : memref<40000x128xf32, #tpu.memory_space<hbm>>) target(%arg16 : memref<40x128xf32, #tpu.memory_space<vmem>>) offsets(%dma_start3A_174 : memref<40xi32, #tpu.memory_space<vmem>>) semaphore(%arg21 : memref<!tpu.dma_semaphore, #tpu.memory_space<semaphore_mem>>)
      } else {
      }
      %mul3A_144 = arith.constant 5 : i32
      %mul3A_145 = arith.muli %scan3A_59, %mul3A_144 : i32
      %add3A_146 = arith.constant 4 : i32
      %add3A_147 = arith.addi %mul3A_145, %add3A_146 : i32
      %mul3A_148 = arith.constant 40 : i32
      %mul3A_149 = arith.muli %add3A_147, %mul3A_148 : i32
      %multiple_of3A_150 = tpu.assume_multiple %mul3A_149, 8 : i32
      %dma_wait3A_151 = arith.constant 0 : i32
      %dma_wait3A_152 = tpu.memref_slice %arg4[%dma_wait3A_151] : memref<320000xi32, #tpu.memory_space<hbm>> -> memref<40xi32, #tpu.memory_space<hbm>>
      %dma_wait3A_153 = arith.constant 0 : i32
      %dma_wait3A_154 = tpu.memref_slice %arg4[%dma_wait3A_153] : memref<320000xi32, #tpu.memory_space<hbm>> -> memref<40xi32, #tpu.memory_space<hbm>>
      tpu.wait_dma2 semaphore(%arg27 : memref<!tpu.dma_semaphore, #tpu.memory_space<semaphore_mem>>) src(%dma_wait3A_154 : memref<40xi32, #tpu.memory_space<hbm>>) dst(%arg12 : memref<40xi32, #tpu.memory_space<vmem>>)
      %dma_wait3A_155 = tpu.memref_slice %arg7[%multiple_of3A_150] : memref<10000xi32, #tpu.memory_space<vmem>> -> memref<40xi32, #tpu.memory_space<vmem>>
      %dma_wait3A_156 = arith.constant 0 : i32
      %dma_wait3A_157 = arith.constant 0 : i32
      %dma_wait3A_158 = tpu.memref_slice %arg2[%dma_wait3A_156, %dma_wait3A_157] : memref<40000x128xf32, #tpu.memory_space<hbm>> -> memref<40000x128xf32, #tpu.memory_space<hbm>>
      tpu.wait_indirect_dma semaphore(%arg22 : memref<!tpu.dma_semaphore, #tpu.memory_space<semaphore_mem>>) src(%dma_wait3A_158 : memref<40000x128xf32, #tpu.memory_space<hbm>>) dst(%arg17 : memref<40x128xf32, #tpu.memory_space<vmem>>)
      "tpu.region"() ({
        %run_scoped3A = tpu.sem_alloc : memref<!tpu.dma_semaphore, #tpu.memory_space<semaphore_mem>>
        %dma_start3A_166 = arith.constant 0 : i32
        %dma_start3A_167 = arith.constant 0 : i32
        %dma_start3A_168 = tpu.memref_slice %arg28[%dma_start3A_166, %dma_start3A_167] : memref<10240x128xf32, #tpu.memory_space<vmem_shared>> -> memref<10240x128xf32, #tpu.memory_space<vmem_shared>>
        tpu.enqueue_indirect_dma source(%arg17 : memref<40x128xf32, #tpu.memory_space<vmem>>) target(%dma_start3A_168 : memref<10240x128xf32, #tpu.memory_space<vmem_shared>>) offsets(%arg12 : memref<40xi32, #tpu.memory_space<vmem>>) semaphore(%run_scoped3A : memref<!tpu.dma_semaphore, #tpu.memory_space<semaphore_mem>>) {add = true}
        %dma_wait3A_169 = arith.constant 0 : i32
        %dma_wait3A_170 = arith.constant 0 : i32
        %dma_wait3A_171 = tpu.memref_slice %arg28[%dma_wait3A_169, %dma_wait3A_170] : memref<10240x128xf32, #tpu.memory_space<vmem_shared>> -> memref<10240x128xf32, #tpu.memory_space<vmem_shared>>
        tpu.wait_indirect_dma semaphore(%run_scoped3A : memref<!tpu.dma_semaphore, #tpu.memory_space<semaphore_mem>>) src(%arg17 : memref<40x128xf32, #tpu.memory_space<vmem>>) dst(%dma_wait3A_171 : memref<10240x128xf32, #tpu.memory_space<vmem_shared>>)
        tpu.yield
      }) : () -> ()
      %add3A_159 = arith.constant 5 : i32
      %add3A_160 = arith.addi %add3A_147, %add3A_159 : i32
      %lt3A_161 = arith.constant 250 : i32
      %lt3A_162 = arith.cmpi slt, %add3A_160, %lt3A_161 : i32
      %convert_element_type3A_163 = arith.extui %lt3A_162 : i1 to i32
      %cond3A_164 = arith.constant 0 : i32
      %cond3A_165 = arith.cmpi ne, %convert_element_type3A_163, %cond3A_164 : i32
      scf.if %cond3A_165 {
        %add3A_166 = arith.constant 5 : i32
        %add3A_167 = arith.addi %add3A_147, %add3A_166 : i32
        %mul3A_168 = arith.constant 40 : i32
        %mul3A_169 = arith.muli %add3A_167, %mul3A_168 : i32
        %multiple_of3A_170 = tpu.assume_multiple %mul3A_169, 8 : i32
        %add3A_171 = arith.addi %mul3A_4, %multiple_of3A_170 : i32
        %dma_start3A_172 = tpu.memref_slice %arg4[%add3A_171] : memref<320000xi32, #tpu.memory_space<hbm>> -> memref<40xi32, #tpu.memory_space<hbm>>
        %dma_start3A_173 = tpu.memref_slice %arg4[%add3A_171] : memref<320000xi32, #tpu.memory_space<hbm>> -> memref<40xi32, #tpu.memory_space<hbm>>
        tpu.enqueue_dma source(%dma_start3A_173 : memref<40xi32, #tpu.memory_space<hbm>>) target(%arg12 : memref<40xi32, #tpu.memory_space<vmem>>) target_semaphore(%arg27 : memref<!tpu.dma_semaphore, #tpu.memory_space<semaphore_mem>>)
        %dma_start3A_174 = tpu.memref_slice %arg7[%multiple_of3A_170] : memref<10000xi32, #tpu.memory_space<vmem>> -> memref<40xi32, #tpu.memory_space<vmem>>
        %dma_start3A_175 = arith.constant 0 : i32
        %dma_start3A_176 = arith.constant 0 : i32
        %dma_start3A_177 = tpu.memref_slice %arg2[%dma_start3A_175, %dma_start3A_176] : memref<40000x128xf32, #tpu.memory_space<hbm>> -> memref<40000x128xf32, #tpu.memory_space<hbm>>
        tpu.enqueue_indirect_dma source(%dma_start3A_177 : memref<40000x128xf32, #tpu.memory_space<hbm>>) target(%arg17 : memref<40x128xf32, #tpu.memory_space<vmem>>) offsets(%dma_start3A_174 : memref<40xi32, #tpu.memory_space<vmem>>) semaphore(%arg22 : memref<!tpu.dma_semaphore, #tpu.memory_space<semaphore_mem>>)
      } else {
      }
    }
    %scan3A_52 = arith.constant 50 : i32
    %barrier3A_53 = arith.constant 0 : index
    tpu.barrier barrier_id(%barrier3A_53)
    %mul3A_54 = arith.constant 10240 : i32
    %mul3A_55 = arith.muli %arg0, %mul3A_54 : i32
    %mul3A_56 = arith.constant 640 : i32
    %mul3A_57 = arith.muli %arg1, %mul3A_56 : i32
    %add3A_58 = arith.addi %mul3A_55, %mul3A_57 : i32
    "tpu.region"() ({
      %run_scoped3A = tpu.sem_alloc : memref<!tpu.dma_semaphore, #tpu.memory_space<semaphore_mem>>
      %dma_start3A_59 = arith.constant 0 : i32
      %dma_start3A_60 = tpu.memref_slice %arg6[%add3A_58, %dma_start3A_59] : memref<20480x128xf32, #tpu.memory_space<hbm>> -> memref<640x128xf32, #tpu.memory_space<hbm>>
      %dma_start3A_61 = arith.constant 0 : i32
      %dma_start3A_62 = tpu.memref_slice %arg28[%mul3A_0, %dma_start3A_61] : memref<10240x128xf32, #tpu.memory_space<vmem_shared>> -> memref<640x128xf32, #tpu.memory_space<vmem_shared>>
      tpu.enqueue_dma source(%dma_start3A_62 : memref<640x128xf32, #tpu.memory_space<vmem_shared>>) target(%dma_start3A_60 : memref<640x128xf32, #tpu.memory_space<hbm>>) target_semaphore(%run_scoped3A : memref<!tpu.dma_semaphore, #tpu.memory_space<semaphore_mem>>)
      %dma_wait3A = arith.constant 0 : i32
      %dma_wait3A_63 = tpu.memref_slice %arg6[%add3A_58, %dma_wait3A] : memref<20480x128xf32, #tpu.memory_space<hbm>> -> memref<640x128xf32, #tpu.memory_space<hbm>>
      %dma_wait3A_64 = arith.constant 0 : i32
      %dma_wait3A_65 = tpu.memref_slice %arg28[%mul3A_0, %dma_wait3A_64] : memref<10240x128xf32, #tpu.memory_space<vmem_shared>> -> memref<640x128xf32, #tpu.memory_space<vmem_shared>>
      tpu.wait_dma2 semaphore(%run_scoped3A : memref<!tpu.dma_semaphore, #tpu.memory_space<semaphore_mem>>) src(%dma_wait3A_65 : memref<640x128xf32, #tpu.memory_space<vmem_shared>>) dst(%dma_wait3A_63 : memref<640x128xf32, #tpu.memory_space<hbm>>)
      tpu.yield
    }) : () -> ()
    return
  }
}

#map = affine_map<(d0, d1) -> (0, 0)>
#map1 = affine_map<(d0, d1) -> (0)>
module attributes {stable_mosaic.version = 14 : i64} {
  func.func @_sc_edge(%arg0: i32, %arg1: i32, %arg2: memref<40000x128xf32, #tpu.memory_space<hbm>>, %arg3: memref<320000xi32, #tpu.memory_space<hbm>>, %arg4: memref<320000xi32, #tpu.memory_space<hbm>>, %arg5: memref<10240x128xf32, #tpu.memory_space<hbm>>, %arg6: memref<20480x128xf32, #tpu.memory_space<hbm>>, %arg7: memref<10000xi32, #tpu.memory_space<vmem>>, %arg8: memref<40xi32, #tpu.memory_space<vmem>>, %arg9: memref<40xi32, #tpu.memory_space<vmem>>, %arg10: memref<40xi32, #tpu.memory_space<vmem>>, %arg11: memref<40xi32, #tpu.memory_space<vmem>>, %arg12: memref<40xi32, #tpu.memory_space<vmem>>, %arg13: memref<40x128xf32, #tpu.memory_space<vmem>>, %arg14: memref<40x128xf32, #tpu.memory_space<vmem>>, %arg15: memref<40x128xf32, #tpu.memory_space<vmem>>, %arg16: memref<40x128xf32, #tpu.memory_space<vmem>>, %arg17: memref<40x128xf32, #tpu.memory_space<vmem>>, %arg18: memref<!tpu.dma_semaphore, #tpu.memory_space<semaphore_mem>>, %arg19: memref<!tpu.dma_semaphore, #tpu.memory_space<semaphore_mem>>, %arg20: memref<!tpu.dma_semaphore, #tpu.memory_space<semaphore_mem>>, %arg21: memref<!tpu.dma_semaphore, #tpu.memory_space<semaphore_mem>>, %arg22: memref<!tpu.dma_semaphore, #tpu.memory_space<semaphore_mem>>, %arg23: memref<!tpu.dma_semaphore, #tpu.memory_space<semaphore_mem>>, %arg24: memref<!tpu.dma_semaphore, #tpu.memory_space<semaphore_mem>>, %arg25: memref<!tpu.dma_semaphore, #tpu.memory_space<semaphore_mem>>, %arg26: memref<!tpu.dma_semaphore, #tpu.memory_space<semaphore_mem>>, %arg27: memref<!tpu.dma_semaphore, #tpu.memory_space<semaphore_mem>>, %arg28: memref<10240x128xf32, #tpu.memory_space<vmem_shared>>) attributes {dimension_semantics = [#tpu.dimension_semantics<core_parallel>, #tpu.dimension_semantics<subcore_parallel>], iteration_bounds = array<i64: 2, 16>, scalar_prefetch = 0 : i64, scratch_operands = 22 : i64, tpu.core_type = #tpu.core_type<sc_vector_subcore>, window_params = [{transform_indices = #map}, {transform_indices = #map1}, {transform_indices = #map1}, {transform_indices = #map}, {transform_indices = #map}]} {
    %mul3A = arith.constant 640 : i32
    %mul3A_0 = arith.muli %arg1, %mul3A : i32
    "tpu.region"() ({
      %run_scoped3A = tpu.sem_alloc : memref<!tpu.dma_semaphore, #tpu.memory_space<semaphore_mem>>
      %dma_start3A_59 = arith.constant 0 : i32
      %dma_start3A_60 = tpu.memref_slice %arg28[%mul3A_0, %dma_start3A_59] : memref<10240x128xf32, #tpu.memory_space<vmem_shared>> -> memref<640x128xf32, #tpu.memory_space<vmem_shared>>
      %dma_start3A_61 = arith.constant 0 : i32
      %dma_start3A_62 = tpu.memref_slice %arg5[%mul3A_0, %dma_start3A_61] : memref<10240x128xf32, #tpu.memory_space<hbm>> -> memref<640x128xf32, #tpu.memory_space<hbm>>
      tpu.enqueue_dma source(%dma_start3A_62 : memref<640x128xf32, #tpu.memory_space<hbm>>) target(%dma_start3A_60 : memref<640x128xf32, #tpu.memory_space<vmem_shared>>) target_semaphore(%run_scoped3A : memref<!tpu.dma_semaphore, #tpu.memory_space<semaphore_mem>>)
      %dma_wait3A = arith.constant 0 : i32
      %dma_wait3A_63 = tpu.memref_slice %arg28[%mul3A_0, %dma_wait3A] : memref<10240x128xf32, #tpu.memory_space<vmem_shared>> -> memref<640x128xf32, #tpu.memory_space<vmem_shared>>
      %dma_wait3A_64 = arith.constant 0 : i32
      %dma_wait3A_65 = tpu.memref_slice %arg5[%mul3A_0, %dma_wait3A_64] : memref<10240x128xf32, #tpu.memory_space<hbm>> -> memref<640x128xf32, #tpu.memory_space<hbm>>
      tpu.wait_dma2 semaphore(%run_scoped3A : memref<!tpu.dma_semaphore, #tpu.memory_space<semaphore_mem>>) src(%dma_wait3A_65 : memref<640x128xf32, #tpu.memory_space<hbm>>) dst(%dma_wait3A_63 : memref<640x128xf32, #tpu.memory_space<vmem_shared>>)
      tpu.yield
    }) : () -> ()
    %mul3A_1 = arith.constant 16 : i32
    %mul3A_2 = arith.muli %arg0, %mul3A_1 : i32
    %add3A = arith.addi %mul3A_2, %arg1 : i32
    %mul3A_3 = arith.constant 10000 : i32
    %mul3A_4 = arith.muli %add3A, %mul3A_3 : i32
    "tpu.region"() ({
      %run_scoped3A = tpu.sem_alloc : memref<!tpu.dma_semaphore, #tpu.memory_space<semaphore_mem>>
      %dma_start3A_59 = tpu.memref_slice %arg3[%mul3A_4] : memref<320000xi32, #tpu.memory_space<hbm>> -> memref<10000xi32, #tpu.memory_space<hbm>>
      %dma_start3A_60 = tpu.memref_slice %arg3[%mul3A_4] : memref<320000xi32, #tpu.memory_space<hbm>> -> memref<10000xi32, #tpu.memory_space<hbm>>
      tpu.enqueue_dma source(%dma_start3A_60 : memref<10000xi32, #tpu.memory_space<hbm>>) target(%arg7 : memref<10000xi32, #tpu.memory_space<vmem>>) target_semaphore(%run_scoped3A : memref<!tpu.dma_semaphore, #tpu.memory_space<semaphore_mem>>)
      %dma_wait3A = tpu.memref_slice %arg3[%mul3A_4] : memref<320000xi32, #tpu.memory_space<hbm>> -> memref<10000xi32, #tpu.memory_space<hbm>>
      %dma_wait3A_61 = tpu.memref_slice %arg3[%mul3A_4] : memref<320000xi32, #tpu.memory_space<hbm>> -> memref<10000xi32, #tpu.memory_space<hbm>>
      tpu.wait_dma2 semaphore(%run_scoped3A : memref<!tpu.dma_semaphore, #tpu.memory_space<semaphore_mem>>) src(%dma_wait3A_61 : memref<10000xi32, #tpu.memory_space<hbm>>) dst(%arg7 : memref<10000xi32, #tpu.memory_space<vmem>>)
      tpu.yield
    }) : () -> ()
    %barrier3A = arith.constant 0 : index
    tpu.barrier barrier_id(%barrier3A)
    %multiple_of3A = arith.constant 0 : i32
    %multiple_of3A_5 = tpu.assume_multiple %multiple_of3A, 8 : i32
    %add3A_6 = arith.addi %mul3A_4, %multiple_of3A_5 : i32
    %dma_start3A = tpu.memref_slice %arg4[%add3A_6] : memref<320000xi32, #tpu.memory_space<hbm>> -> memref<40xi32, #tpu.memory_space<hbm>>
    %dma_start3A_7 = tpu.memref_slice %arg4[%add3A_6] : memref<320000xi32, #tpu.memory_space<hbm>> -> memref<40xi32, #tpu.memory_space<hbm>>
    tpu.enqueue_dma source(%dma_start3A_7 : memref<40xi32, #tpu.memory_space<hbm>>) target(%arg8 : memref<40xi32, #tpu.memory_space<vmem>>) target_semaphore(%arg23 : memref<!tpu.dma_semaphore, #tpu.memory_space<semaphore_mem>>)
    %dma_start3A_8 = tpu.memref_slice %arg7[%multiple_of3A_5] : memref<10000xi32, #tpu.memory_space<vmem>> -> memref<40xi32, #tpu.memory_space<vmem>>
    %dma_start3A_9 = arith.constant 0 : i32
    %dma_start3A_10 = arith.constant 0 : i32
    %dma_start3A_11 = tpu.memref_slice %arg2[%dma_start3A_9, %dma_start3A_10] : memref<40000x128xf32, #tpu.memory_space<hbm>> -> memref<40000x128xf32, #tpu.memory_space<hbm>>
    tpu.enqueue_indirect_dma source(%dma_start3A_11 : memref<40000x128xf32, #tpu.memory_space<hbm>>) target(%arg13 : memref<40x128xf32, #tpu.memory_space<vmem>>) offsets(%dma_start3A_8 : memref<40xi32, #tpu.memory_space<vmem>>) semaphore(%arg18 : memref<!tpu.dma_semaphore, #tpu.memory_space<semaphore_mem>>)
    %multiple_of3A_12 = arith.constant 40 : i32
    %multiple_of3A_13 = tpu.assume_multiple %multiple_of3A_12, 8 : i32
    %add3A_14 = arith.addi %mul3A_4, %multiple_of3A_13 : i32
    %dma_start3A_15 = tpu.memref_slice %arg4[%add3A_14] : memref<320000xi32, #tpu.memory_space<hbm>> -> memref<40xi32, #tpu.memory_space<hbm>>
    %dma_start3A_16 = tpu.memref_slice %arg4[%add3A_14] : memref<320000xi32, #tpu.memory_space<hbm>> -> memref<40xi32, #tpu.memory_space<hbm>>
    tpu.enqueue_dma source(%dma_start3A_16 : memref<40xi32, #tpu.memory_space<hbm>>) target(%arg9 : memref<40xi32, #tpu.memory_space<vmem>>) target_semaphore(%arg24 : memref<!tpu.dma_semaphore, #tpu.memory_space<semaphore_mem>>)
    %dma_start3A_17 = tpu.memref_slice %arg7[%multiple_of3A_13] : memref<10000xi32, #tpu.memory_space<vmem>> -> memref<40xi32, #tpu.memory_space<vmem>>
    %dma_start3A_18 = arith.constant 0 : i32
    %dma_start3A_19 = arith.constant 0 : i32
    %dma_start3A_20 = tpu.memref_slice %arg2[%dma_start3A_18, %dma_start3A_19] : memref<40000x128xf32, #tpu.memory_space<hbm>> -> memref<40000x128xf32, #tpu.memory_space<hbm>>
    tpu.enqueue_indirect_dma source(%dma_start3A_20 : memref<40000x128xf32, #tpu.memory_space<hbm>>) target(%arg14 : memref<40x128xf32, #tpu.memory_space<vmem>>) offsets(%dma_start3A_17 : memref<40xi32, #tpu.memory_space<vmem>>) semaphore(%arg19 : memref<!tpu.dma_semaphore, #tpu.memory_space<semaphore_mem>>)
    %multiple_of3A_21 = arith.constant 80 : i32
    %multiple_of3A_22 = tpu.assume_multiple %multiple_of3A_21, 8 : i32
    %add3A_23 = arith.addi %mul3A_4, %multiple_of3A_22 : i32
    %dma_start3A_24 = tpu.memref_slice %arg4[%add3A_23] : memref<320000xi32, #tpu.memory_space<hbm>> -> memref<40xi32, #tpu.memory_space<hbm>>
    %dma_start3A_25 = tpu.memref_slice %arg4[%add3A_23] : memref<320000xi32, #tpu.memory_space<hbm>> -> memref<40xi32, #tpu.memory_space<hbm>>
    tpu.enqueue_dma source(%dma_start3A_25 : memref<40xi32, #tpu.memory_space<hbm>>) target(%arg10 : memref<40xi32, #tpu.memory_space<vmem>>) target_semaphore(%arg25 : memref<!tpu.dma_semaphore, #tpu.memory_space<semaphore_mem>>)
    %dma_start3A_26 = tpu.memref_slice %arg7[%multiple_of3A_22] : memref<10000xi32, #tpu.memory_space<vmem>> -> memref<40xi32, #tpu.memory_space<vmem>>
    %dma_start3A_27 = arith.constant 0 : i32
    %dma_start3A_28 = arith.constant 0 : i32
    %dma_start3A_29 = tpu.memref_slice %arg2[%dma_start3A_27, %dma_start3A_28] : memref<40000x128xf32, #tpu.memory_space<hbm>> -> memref<40000x128xf32, #tpu.memory_space<hbm>>
    tpu.enqueue_indirect_dma source(%dma_start3A_29 : memref<40000x128xf32, #tpu.memory_space<hbm>>) target(%arg15 : memref<40x128xf32, #tpu.memory_space<vmem>>) offsets(%dma_start3A_26 : memref<40xi32, #tpu.memory_space<vmem>>) semaphore(%arg20 : memref<!tpu.dma_semaphore, #tpu.memory_space<semaphore_mem>>)
    %multiple_of3A_30 = arith.constant 120 : i32
    %multiple_of3A_31 = tpu.assume_multiple %multiple_of3A_30, 8 : i32
    %add3A_32 = arith.addi %mul3A_4, %multiple_of3A_31 : i32
    %dma_start3A_33 = tpu.memref_slice %arg4[%add3A_32] : memref<320000xi32, #tpu.memory_space<hbm>> -> memref<40xi32, #tpu.memory_space<hbm>>
    %dma_start3A_34 = tpu.memref_slice %arg4[%add3A_32] : memref<320000xi32, #tpu.memory_space<hbm>> -> memref<40xi32, #tpu.memory_space<hbm>>
    tpu.enqueue_dma source(%dma_start3A_34 : memref<40xi32, #tpu.memory_space<hbm>>) target(%arg11 : memref<40xi32, #tpu.memory_space<vmem>>) target_semaphore(%arg26 : memref<!tpu.dma_semaphore, #tpu.memory_space<semaphore_mem>>)
    %dma_start3A_35 = tpu.memref_slice %arg7[%multiple_of3A_31] : memref<10000xi32, #tpu.memory_space<vmem>> -> memref<40xi32, #tpu.memory_space<vmem>>
    %dma_start3A_36 = arith.constant 0 : i32
    %dma_start3A_37 = arith.constant 0 : i32
    %dma_start3A_38 = tpu.memref_slice %arg2[%dma_start3A_36, %dma_start3A_37] : memref<40000x128xf32, #tpu.memory_space<hbm>> -> memref<40000x128xf32, #tpu.memory_space<hbm>>
    tpu.enqueue_indirect_dma source(%dma_start3A_38 : memref<40000x128xf32, #tpu.memory_space<hbm>>) target(%arg16 : memref<40x128xf32, #tpu.memory_space<vmem>>) offsets(%dma_start3A_35 : memref<40xi32, #tpu.memory_space<vmem>>) semaphore(%arg21 : memref<!tpu.dma_semaphore, #tpu.memory_space<semaphore_mem>>)
    %multiple_of3A_39 = arith.constant 160 : i32
    %multiple_of3A_40 = tpu.assume_multiple %multiple_of3A_39, 8 : i32
    %add3A_41 = arith.addi %mul3A_4, %multiple_of3A_40 : i32
    %dma_start3A_42 = tpu.memref_slice %arg4[%add3A_41] : memref<320000xi32, #tpu.memory_space<hbm>> -> memref<40xi32, #tpu.memory_space<hbm>>
    %dma_start3A_43 = tpu.memref_slice %arg4[%add3A_41] : memref<320000xi32, #tpu.memory_space<hbm>> -> memref<40xi32, #tpu.memory_space<hbm>>
    tpu.enqueue_dma source(%dma_start3A_43 : memref<40xi32, #tpu.memory_space<hbm>>) target(%arg12 : memref<40xi32, #tpu.memory_space<vmem>>) target_semaphore(%arg27 : memref<!tpu.dma_semaphore, #tpu.memory_space<semaphore_mem>>)
    %dma_start3A_44 = tpu.memref_slice %arg7[%multiple_of3A_40] : memref<10000xi32, #tpu.memory_space<vmem>> -> memref<40xi32, #tpu.memory_space<vmem>>
    %dma_start3A_45 = arith.constant 0 : i32
    %dma_start3A_46 = arith.constant 0 : i32
    %dma_start3A_47 = tpu.memref_slice %arg2[%dma_start3A_45, %dma_start3A_46] : memref<40000x128xf32, #tpu.memory_space<hbm>> -> memref<40000x128xf32, #tpu.memory_space<hbm>>
    tpu.enqueue_indirect_dma source(%dma_start3A_47 : memref<40000x128xf32, #tpu.memory_space<hbm>>) target(%arg17 : memref<40x128xf32, #tpu.memory_space<vmem>>) offsets(%dma_start3A_44 : memref<40xi32, #tpu.memory_space<vmem>>) semaphore(%arg22 : memref<!tpu.dma_semaphore, #tpu.memory_space<semaphore_mem>>)
    %scan3A = arith.constant 0 : i32
    %scan3A_48 = arith.constant 0 : i32
    %scan3A_49 = arith.constant 50 : i32
    %scan3A_50 = arith.addi %scan3A_48, %scan3A_49 : i32
    %scan3A_51 = arith.constant 1 : i32
    scf.for %scan3A_59 = %scan3A_48 to %scan3A_50 step %scan3A_51  : i32 {
      %mul3A_60 = arith.constant 5 : i32
      %mul3A_61 = arith.muli %scan3A_59, %mul3A_60 : i32
      %add3A_62 = arith.constant 0 : i32
      %add3A_63 = arith.addi %mul3A_61, %add3A_62 : i32
      %mul3A_64 = arith.constant 40 : i32
      %mul3A_65 = arith.muli %add3A_63, %mul3A_64 : i32
      %multiple_of3A_66 = tpu.assume_multiple %mul3A_65, 8 : i32
      %dma_wait3A = arith.constant 0 : i32
      %dma_wait3A_67 = tpu.memref_slice %arg4[%dma_wait3A] : memref<320000xi32, #tpu.memory_space<hbm>> -> memref<40xi32, #tpu.memory_space<hbm>>
      %dma_wait3A_68 = arith.constant 0 : i32
      %dma_wait3A_69 = tpu.memref_slice %arg4[%dma_wait3A_68] : memref<320000xi32, #tpu.memory_space<hbm>> -> memref<40xi32, #tpu.memory_space<hbm>>
      tpu.wait_dma2 semaphore(%arg23 : memref<!tpu.dma_semaphore, #tpu.memory_space<semaphore_mem>>) src(%dma_wait3A_69 : memref<40xi32, #tpu.memory_space<hbm>>) dst(%arg8 : memref<40xi32, #tpu.memory_space<vmem>>)
      %dma_wait3A_70 = tpu.memref_slice %arg7[%multiple_of3A_66] : memref<10000xi32, #tpu.memory_space<vmem>> -> memref<40xi32, #tpu.memory_space<vmem>>
      %dma_wait3A_71 = arith.constant 0 : i32
      %dma_wait3A_72 = arith.constant 0 : i32
      %dma_wait3A_73 = tpu.memref_slice %arg2[%dma_wait3A_71, %dma_wait3A_72] : memref<40000x128xf32, #tpu.memory_space<hbm>> -> memref<40000x128xf32, #tpu.memory_space<hbm>>
      tpu.wait_indirect_dma semaphore(%arg18 : memref<!tpu.dma_semaphore, #tpu.memory_space<semaphore_mem>>) src(%dma_wait3A_73 : memref<40000x128xf32, #tpu.memory_space<hbm>>) dst(%arg13 : memref<40x128xf32, #tpu.memory_space<vmem>>)
      "tpu.region"() ({
        %run_scoped3A = tpu.sem_alloc : memref<!tpu.dma_semaphore, #tpu.memory_space<semaphore_mem>>
        %dma_start3A_166 = arith.constant 0 : i32
        %dma_start3A_167 = arith.constant 0 : i32
        %dma_start3A_168 = tpu.memref_slice %arg28[%dma_start3A_166, %dma_start3A_167] : memref<10240x128xf32, #tpu.memory_space<vmem_shared>> -> memref<10240x128xf32, #tpu.memory_space<vmem_shared>>
        tpu.enqueue_indirect_dma source(%arg13 : memref<40x128xf32, #tpu.memory_space<vmem>>) target(%dma_start3A_168 : memref<10240x128xf32, #tpu.memory_space<vmem_shared>>) offsets(%arg8 : memref<40xi32, #tpu.memory_space<vmem>>) semaphore(%run_scoped3A : memref<!tpu.dma_semaphore, #tpu.memory_space<semaphore_mem>>) {add = true}
        %dma_wait3A_169 = arith.constant 0 : i32
        %dma_wait3A_170 = arith.constant 0 : i32
        %dma_wait3A_171 = tpu.memref_slice %arg28[%dma_wait3A_169, %dma_wait3A_170] : memref<10240x128xf32, #tpu.memory_space<vmem_shared>> -> memref<10240x128xf32, #tpu.memory_space<vmem_shared>>
        tpu.wait_indirect_dma semaphore(%run_scoped3A : memref<!tpu.dma_semaphore, #tpu.memory_space<semaphore_mem>>) src(%arg13 : memref<40x128xf32, #tpu.memory_space<vmem>>) dst(%dma_wait3A_171 : memref<10240x128xf32, #tpu.memory_space<vmem_shared>>)
        tpu.yield
      }) : () -> ()
      %add3A_74 = arith.constant 5 : i32
      %add3A_75 = arith.addi %add3A_63, %add3A_74 : i32
      %lt3A = arith.constant 250 : i32
      %lt3A_76 = arith.cmpi slt, %add3A_75, %lt3A : i32
      %convert_element_type3A = arith.extui %lt3A_76 : i1 to i32
      %cond3A = arith.constant 0 : i32
      %cond3A_77 = arith.cmpi ne, %convert_element_type3A, %cond3A : i32
      scf.if %cond3A_77 {
        %add3A_166 = arith.constant 5 : i32
        %add3A_167 = arith.addi %add3A_63, %add3A_166 : i32
        %mul3A_168 = arith.constant 40 : i32
        %mul3A_169 = arith.muli %add3A_167, %mul3A_168 : i32
        %multiple_of3A_170 = tpu.assume_multiple %mul3A_169, 8 : i32
        %add3A_171 = arith.addi %mul3A_4, %multiple_of3A_170 : i32
        %dma_start3A_172 = tpu.memref_slice %arg4[%add3A_171] : memref<320000xi32, #tpu.memory_space<hbm>> -> memref<40xi32, #tpu.memory_space<hbm>>
        %dma_start3A_173 = tpu.memref_slice %arg4[%add3A_171] : memref<320000xi32, #tpu.memory_space<hbm>> -> memref<40xi32, #tpu.memory_space<hbm>>
        tpu.enqueue_dma source(%dma_start3A_173 : memref<40xi32, #tpu.memory_space<hbm>>) target(%arg8 : memref<40xi32, #tpu.memory_space<vmem>>) target_semaphore(%arg23 : memref<!tpu.dma_semaphore, #tpu.memory_space<semaphore_mem>>)
        %dma_start3A_174 = tpu.memref_slice %arg7[%multiple_of3A_170] : memref<10000xi32, #tpu.memory_space<vmem>> -> memref<40xi32, #tpu.memory_space<vmem>>
        %dma_start3A_175 = arith.constant 0 : i32
        %dma_start3A_176 = arith.constant 0 : i32
        %dma_start3A_177 = tpu.memref_slice %arg2[%dma_start3A_175, %dma_start3A_176] : memref<40000x128xf32, #tpu.memory_space<hbm>> -> memref<40000x128xf32, #tpu.memory_space<hbm>>
        tpu.enqueue_indirect_dma source(%dma_start3A_177 : memref<40000x128xf32, #tpu.memory_space<hbm>>) target(%arg13 : memref<40x128xf32, #tpu.memory_space<vmem>>) offsets(%dma_start3A_174 : memref<40xi32, #tpu.memory_space<vmem>>) semaphore(%arg18 : memref<!tpu.dma_semaphore, #tpu.memory_space<semaphore_mem>>)
      } else {
      }
      %mul3A_78 = arith.constant 5 : i32
      %mul3A_79 = arith.muli %scan3A_59, %mul3A_78 : i32
      %add3A_80 = arith.constant 1 : i32
      %add3A_81 = arith.addi %mul3A_79, %add3A_80 : i32
      %mul3A_82 = arith.constant 40 : i32
      %mul3A_83 = arith.muli %add3A_81, %mul3A_82 : i32
      %multiple_of3A_84 = tpu.assume_multiple %mul3A_83, 8 : i32
      %dma_wait3A_85 = arith.constant 0 : i32
      %dma_wait3A_86 = tpu.memref_slice %arg4[%dma_wait3A_85] : memref<320000xi32, #tpu.memory_space<hbm>> -> memref<40xi32, #tpu.memory_space<hbm>>
      %dma_wait3A_87 = arith.constant 0 : i32
      %dma_wait3A_88 = tpu.memref_slice %arg4[%dma_wait3A_87] : memref<320000xi32, #tpu.memory_space<hbm>> -> memref<40xi32, #tpu.memory_space<hbm>>
      tpu.wait_dma2 semaphore(%arg24 : memref<!tpu.dma_semaphore, #tpu.memory_space<semaphore_mem>>) src(%dma_wait3A_88 : memref<40xi32, #tpu.memory_space<hbm>>) dst(%arg9 : memref<40xi32, #tpu.memory_space<vmem>>)
      %dma_wait3A_89 = tpu.memref_slice %arg7[%multiple_of3A_84] : memref<10000xi32, #tpu.memory_space<vmem>> -> memref<40xi32, #tpu.memory_space<vmem>>
      %dma_wait3A_90 = arith.constant 0 : i32
      %dma_wait3A_91 = arith.constant 0 : i32
      %dma_wait3A_92 = tpu.memref_slice %arg2[%dma_wait3A_90, %dma_wait3A_91] : memref<40000x128xf32, #tpu.memory_space<hbm>> -> memref<40000x128xf32, #tpu.memory_space<hbm>>
      tpu.wait_indirect_dma semaphore(%arg19 : memref<!tpu.dma_semaphore, #tpu.memory_space<semaphore_mem>>) src(%dma_wait3A_92 : memref<40000x128xf32, #tpu.memory_space<hbm>>) dst(%arg14 : memref<40x128xf32, #tpu.memory_space<vmem>>)
      "tpu.region"() ({
        %run_scoped3A = tpu.sem_alloc : memref<!tpu.dma_semaphore, #tpu.memory_space<semaphore_mem>>
        %dma_start3A_166 = arith.constant 0 : i32
        %dma_start3A_167 = arith.constant 0 : i32
        %dma_start3A_168 = tpu.memref_slice %arg28[%dma_start3A_166, %dma_start3A_167] : memref<10240x128xf32, #tpu.memory_space<vmem_shared>> -> memref<10240x128xf32, #tpu.memory_space<vmem_shared>>
        tpu.enqueue_indirect_dma source(%arg14 : memref<40x128xf32, #tpu.memory_space<vmem>>) target(%dma_start3A_168 : memref<10240x128xf32, #tpu.memory_space<vmem_shared>>) offsets(%arg9 : memref<40xi32, #tpu.memory_space<vmem>>) semaphore(%run_scoped3A : memref<!tpu.dma_semaphore, #tpu.memory_space<semaphore_mem>>) {add = true}
        %dma_wait3A_169 = arith.constant 0 : i32
        %dma_wait3A_170 = arith.constant 0 : i32
        %dma_wait3A_171 = tpu.memref_slice %arg28[%dma_wait3A_169, %dma_wait3A_170] : memref<10240x128xf32, #tpu.memory_space<vmem_shared>> -> memref<10240x128xf32, #tpu.memory_space<vmem_shared>>
        tpu.wait_indirect_dma semaphore(%run_scoped3A : memref<!tpu.dma_semaphore, #tpu.memory_space<semaphore_mem>>) src(%arg14 : memref<40x128xf32, #tpu.memory_space<vmem>>) dst(%dma_wait3A_171 : memref<10240x128xf32, #tpu.memory_space<vmem_shared>>)
        tpu.yield
      }) : () -> ()
      %add3A_93 = arith.constant 5 : i32
      %add3A_94 = arith.addi %add3A_81, %add3A_93 : i32
      %lt3A_95 = arith.constant 250 : i32
      %lt3A_96 = arith.cmpi slt, %add3A_94, %lt3A_95 : i32
      %convert_element_type3A_97 = arith.extui %lt3A_96 : i1 to i32
      %cond3A_98 = arith.constant 0 : i32
      %cond3A_99 = arith.cmpi ne, %convert_element_type3A_97, %cond3A_98 : i32
      scf.if %cond3A_99 {
        %add3A_166 = arith.constant 5 : i32
        %add3A_167 = arith.addi %add3A_81, %add3A_166 : i32
        %mul3A_168 = arith.constant 40 : i32
        %mul3A_169 = arith.muli %add3A_167, %mul3A_168 : i32
        %multiple_of3A_170 = tpu.assume_multiple %mul3A_169, 8 : i32
        %add3A_171 = arith.addi %mul3A_4, %multiple_of3A_170 : i32
        %dma_start3A_172 = tpu.memref_slice %arg4[%add3A_171] : memref<320000xi32, #tpu.memory_space<hbm>> -> memref<40xi32, #tpu.memory_space<hbm>>
        %dma_start3A_173 = tpu.memref_slice %arg4[%add3A_171] : memref<320000xi32, #tpu.memory_space<hbm>> -> memref<40xi32, #tpu.memory_space<hbm>>
        tpu.enqueue_dma source(%dma_start3A_173 : memref<40xi32, #tpu.memory_space<hbm>>) target(%arg9 : memref<40xi32, #tpu.memory_space<vmem>>) target_semaphore(%arg24 : memref<!tpu.dma_semaphore, #tpu.memory_space<semaphore_mem>>)
        %dma_start3A_174 = tpu.memref_slice %arg7[%multiple_of3A_170] : memref<10000xi32, #tpu.memory_space<vmem>> -> memref<40xi32, #tpu.memory_space<vmem>>
        %dma_start3A_175 = arith.constant 0 : i32
        %dma_start3A_176 = arith.constant 0 : i32
        %dma_start3A_177 = tpu.memref_slice %arg2[%dma_start3A_175, %dma_start3A_176] : memref<40000x128xf32, #tpu.memory_space<hbm>> -> memref<40000x128xf32, #tpu.memory_space<hbm>>
        tpu.enqueue_indirect_dma source(%dma_start3A_177 : memref<40000x128xf32, #tpu.memory_space<hbm>>) target(%arg14 : memref<40x128xf32, #tpu.memory_space<vmem>>) offsets(%dma_start3A_174 : memref<40xi32, #tpu.memory_space<vmem>>) semaphore(%arg19 : memref<!tpu.dma_semaphore, #tpu.memory_space<semaphore_mem>>)
      } else {
      }
      %mul3A_100 = arith.constant 5 : i32
      %mul3A_101 = arith.muli %scan3A_59, %mul3A_100 : i32
      %add3A_102 = arith.constant 2 : i32
      %add3A_103 = arith.addi %mul3A_101, %add3A_102 : i32
      %mul3A_104 = arith.constant 40 : i32
      %mul3A_105 = arith.muli %add3A_103, %mul3A_104 : i32
      %multiple_of3A_106 = tpu.assume_multiple %mul3A_105, 8 : i32
      %dma_wait3A_107 = arith.constant 0 : i32
      %dma_wait3A_108 = tpu.memref_slice %arg4[%dma_wait3A_107] : memref<320000xi32, #tpu.memory_space<hbm>> -> memref<40xi32, #tpu.memory_space<hbm>>
      %dma_wait3A_109 = arith.constant 0 : i32
      %dma_wait3A_110 = tpu.memref_slice %arg4[%dma_wait3A_109] : memref<320000xi32, #tpu.memory_space<hbm>> -> memref<40xi32, #tpu.memory_space<hbm>>
      tpu.wait_dma2 semaphore(%arg25 : memref<!tpu.dma_semaphore, #tpu.memory_space<semaphore_mem>>) src(%dma_wait3A_110 : memref<40xi32, #tpu.memory_space<hbm>>) dst(%arg10 : memref<40xi32, #tpu.memory_space<vmem>>)
      %dma_wait3A_111 = tpu.memref_slice %arg7[%multiple_of3A_106] : memref<10000xi32, #tpu.memory_space<vmem>> -> memref<40xi32, #tpu.memory_space<vmem>>
      %dma_wait3A_112 = arith.constant 0 : i32
      %dma_wait3A_113 = arith.constant 0 : i32
      %dma_wait3A_114 = tpu.memref_slice %arg2[%dma_wait3A_112, %dma_wait3A_113] : memref<40000x128xf32, #tpu.memory_space<hbm>> -> memref<40000x128xf32, #tpu.memory_space<hbm>>
      tpu.wait_indirect_dma semaphore(%arg20 : memref<!tpu.dma_semaphore, #tpu.memory_space<semaphore_mem>>) src(%dma_wait3A_114 : memref<40000x128xf32, #tpu.memory_space<hbm>>) dst(%arg15 : memref<40x128xf32, #tpu.memory_space<vmem>>)
      "tpu.region"() ({
        %run_scoped3A = tpu.sem_alloc : memref<!tpu.dma_semaphore, #tpu.memory_space<semaphore_mem>>
        %dma_start3A_166 = arith.constant 0 : i32
        %dma_start3A_167 = arith.constant 0 : i32
        %dma_start3A_168 = tpu.memref_slice %arg28[%dma_start3A_166, %dma_start3A_167] : memref<10240x128xf32, #tpu.memory_space<vmem_shared>> -> memref<10240x128xf32, #tpu.memory_space<vmem_shared>>
        tpu.enqueue_indirect_dma source(%arg15 : memref<40x128xf32, #tpu.memory_space<vmem>>) target(%dma_start3A_168 : memref<10240x128xf32, #tpu.memory_space<vmem_shared>>) offsets(%arg10 : memref<40xi32, #tpu.memory_space<vmem>>) semaphore(%run_scoped3A : memref<!tpu.dma_semaphore, #tpu.memory_space<semaphore_mem>>) {add = true}
        %dma_wait3A_169 = arith.constant 0 : i32
        %dma_wait3A_170 = arith.constant 0 : i32
        %dma_wait3A_171 = tpu.memref_slice %arg28[%dma_wait3A_169, %dma_wait3A_170] : memref<10240x128xf32, #tpu.memory_space<vmem_shared>> -> memref<10240x128xf32, #tpu.memory_space<vmem_shared>>
        tpu.wait_indirect_dma semaphore(%run_scoped3A : memref<!tpu.dma_semaphore, #tpu.memory_space<semaphore_mem>>) src(%arg15 : memref<40x128xf32, #tpu.memory_space<vmem>>) dst(%dma_wait3A_171 : memref<10240x128xf32, #tpu.memory_space<vmem_shared>>)
        tpu.yield
      }) : () -> ()
      %add3A_115 = arith.constant 5 : i32
      %add3A_116 = arith.addi %add3A_103, %add3A_115 : i32
      %lt3A_117 = arith.constant 250 : i32
      %lt3A_118 = arith.cmpi slt, %add3A_116, %lt3A_117 : i32
      %convert_element_type3A_119 = arith.extui %lt3A_118 : i1 to i32
      %cond3A_120 = arith.constant 0 : i32
      %cond3A_121 = arith.cmpi ne, %convert_element_type3A_119, %cond3A_120 : i32
      scf.if %cond3A_121 {
        %add3A_166 = arith.constant 5 : i32
        %add3A_167 = arith.addi %add3A_103, %add3A_166 : i32
        %mul3A_168 = arith.constant 40 : i32
        %mul3A_169 = arith.muli %add3A_167, %mul3A_168 : i32
        %multiple_of3A_170 = tpu.assume_multiple %mul3A_169, 8 : i32
        %add3A_171 = arith.addi %mul3A_4, %multiple_of3A_170 : i32
        %dma_start3A_172 = tpu.memref_slice %arg4[%add3A_171] : memref<320000xi32, #tpu.memory_space<hbm>> -> memref<40xi32, #tpu.memory_space<hbm>>
        %dma_start3A_173 = tpu.memref_slice %arg4[%add3A_171] : memref<320000xi32, #tpu.memory_space<hbm>> -> memref<40xi32, #tpu.memory_space<hbm>>
        tpu.enqueue_dma source(%dma_start3A_173 : memref<40xi32, #tpu.memory_space<hbm>>) target(%arg10 : memref<40xi32, #tpu.memory_space<vmem>>) target_semaphore(%arg25 : memref<!tpu.dma_semaphore, #tpu.memory_space<semaphore_mem>>)
        %dma_start3A_174 = tpu.memref_slice %arg7[%multiple_of3A_170] : memref<10000xi32, #tpu.memory_space<vmem>> -> memref<40xi32, #tpu.memory_space<vmem>>
        %dma_start3A_175 = arith.constant 0 : i32
        %dma_start3A_176 = arith.constant 0 : i32
        %dma_start3A_177 = tpu.memref_slice %arg2[%dma_start3A_175, %dma_start3A_176] : memref<40000x128xf32, #tpu.memory_space<hbm>> -> memref<40000x128xf32, #tpu.memory_space<hbm>>
        tpu.enqueue_indirect_dma source(%dma_start3A_177 : memref<40000x128xf32, #tpu.memory_space<hbm>>) target(%arg15 : memref<40x128xf32, #tpu.memory_space<vmem>>) offsets(%dma_start3A_174 : memref<40xi32, #tpu.memory_space<vmem>>) semaphore(%arg20 : memref<!tpu.dma_semaphore, #tpu.memory_space<semaphore_mem>>)
      } else {
      }
      %mul3A_122 = arith.constant 5 : i32
      %mul3A_123 = arith.muli %scan3A_59, %mul3A_122 : i32
      %add3A_124 = arith.constant 3 : i32
      %add3A_125 = arith.addi %mul3A_123, %add3A_124 : i32
      %mul3A_126 = arith.constant 40 : i32
      %mul3A_127 = arith.muli %add3A_125, %mul3A_126 : i32
      %multiple_of3A_128 = tpu.assume_multiple %mul3A_127, 8 : i32
      %dma_wait3A_129 = arith.constant 0 : i32
      %dma_wait3A_130 = tpu.memref_slice %arg4[%dma_wait3A_129] : memref<320000xi32, #tpu.memory_space<hbm>> -> memref<40xi32, #tpu.memory_space<hbm>>
      %dma_wait3A_131 = arith.constant 0 : i32
      %dma_wait3A_132 = tpu.memref_slice %arg4[%dma_wait3A_131] : memref<320000xi32, #tpu.memory_space<hbm>> -> memref<40xi32, #tpu.memory_space<hbm>>
      tpu.wait_dma2 semaphore(%arg26 : memref<!tpu.dma_semaphore, #tpu.memory_space<semaphore_mem>>) src(%dma_wait3A_132 : memref<40xi32, #tpu.memory_space<hbm>>) dst(%arg11 : memref<40xi32, #tpu.memory_space<vmem>>)
      %dma_wait3A_133 = tpu.memref_slice %arg7[%multiple_of3A_128] : memref<10000xi32, #tpu.memory_space<vmem>> -> memref<40xi32, #tpu.memory_space<vmem>>
      %dma_wait3A_134 = arith.constant 0 : i32
      %dma_wait3A_135 = arith.constant 0 : i32
      %dma_wait3A_136 = tpu.memref_slice %arg2[%dma_wait3A_134, %dma_wait3A_135] : memref<40000x128xf32, #tpu.memory_space<hbm>> -> memref<40000x128xf32, #tpu.memory_space<hbm>>
      tpu.wait_indirect_dma semaphore(%arg21 : memref<!tpu.dma_semaphore, #tpu.memory_space<semaphore_mem>>) src(%dma_wait3A_136 : memref<40000x128xf32, #tpu.memory_space<hbm>>) dst(%arg16 : memref<40x128xf32, #tpu.memory_space<vmem>>)
      "tpu.region"() ({
        %run_scoped3A = tpu.sem_alloc : memref<!tpu.dma_semaphore, #tpu.memory_space<semaphore_mem>>
        %dma_start3A_166 = arith.constant 0 : i32
        %dma_start3A_167 = arith.constant 0 : i32
        %dma_start3A_168 = tpu.memref_slice %arg28[%dma_start3A_166, %dma_start3A_167] : memref<10240x128xf32, #tpu.memory_space<vmem_shared>> -> memref<10240x128xf32, #tpu.memory_space<vmem_shared>>
        tpu.enqueue_indirect_dma source(%arg16 : memref<40x128xf32, #tpu.memory_space<vmem>>) target(%dma_start3A_168 : memref<10240x128xf32, #tpu.memory_space<vmem_shared>>) offsets(%arg11 : memref<40xi32, #tpu.memory_space<vmem>>) semaphore(%run_scoped3A : memref<!tpu.dma_semaphore, #tpu.memory_space<semaphore_mem>>) {add = true}
        %dma_wait3A_169 = arith.constant 0 : i32
        %dma_wait3A_170 = arith.constant 0 : i32
        %dma_wait3A_171 = tpu.memref_slice %arg28[%dma_wait3A_169, %dma_wait3A_170] : memref<10240x128xf32, #tpu.memory_space<vmem_shared>> -> memref<10240x128xf32, #tpu.memory_space<vmem_shared>>
        tpu.wait_indirect_dma semaphore(%run_scoped3A : memref<!tpu.dma_semaphore, #tpu.memory_space<semaphore_mem>>) src(%arg16 : memref<40x128xf32, #tpu.memory_space<vmem>>) dst(%dma_wait3A_171 : memref<10240x128xf32, #tpu.memory_space<vmem_shared>>)
        tpu.yield
      }) : () -> ()
      %add3A_137 = arith.constant 5 : i32
      %add3A_138 = arith.addi %add3A_125, %add3A_137 : i32
      %lt3A_139 = arith.constant 250 : i32
      %lt3A_140 = arith.cmpi slt, %add3A_138, %lt3A_139 : i32
      %convert_element_type3A_141 = arith.extui %lt3A_140 : i1 to i32
      %cond3A_142 = arith.constant 0 : i32
      %cond3A_143 = arith.cmpi ne, %convert_element_type3A_141, %cond3A_142 : i32
      scf.if %cond3A_143 {
        %add3A_166 = arith.constant 5 : i32
        %add3A_167 = arith.addi %add3A_125, %add3A_166 : i32
        %mul3A_168 = arith.constant 40 : i32
        %mul3A_169 = arith.muli %add3A_167, %mul3A_168 : i32
        %multiple_of3A_170 = tpu.assume_multiple %mul3A_169, 8 : i32
        %add3A_171 = arith.addi %mul3A_4, %multiple_of3A_170 : i32
        %dma_start3A_172 = tpu.memref_slice %arg4[%add3A_171] : memref<320000xi32, #tpu.memory_space<hbm>> -> memref<40xi32, #tpu.memory_space<hbm>>
        %dma_start3A_173 = tpu.memref_slice %arg4[%add3A_171] : memref<320000xi32, #tpu.memory_space<hbm>> -> memref<40xi32, #tpu.memory_space<hbm>>
        tpu.enqueue_dma source(%dma_start3A_173 : memref<40xi32, #tpu.memory_space<hbm>>) target(%arg11 : memref<40xi32, #tpu.memory_space<vmem>>) target_semaphore(%arg26 : memref<!tpu.dma_semaphore, #tpu.memory_space<semaphore_mem>>)
        %dma_start3A_174 = tpu.memref_slice %arg7[%multiple_of3A_170] : memref<10000xi32, #tpu.memory_space<vmem>> -> memref<40xi32, #tpu.memory_space<vmem>>
        %dma_start3A_175 = arith.constant 0 : i32
        %dma_start3A_176 = arith.constant 0 : i32
        %dma_start3A_177 = tpu.memref_slice %arg2[%dma_start3A_175, %dma_start3A_176] : memref<40000x128xf32, #tpu.memory_space<hbm>> -> memref<40000x128xf32, #tpu.memory_space<hbm>>
        tpu.enqueue_indirect_dma source(%dma_start3A_177 : memref<40000x128xf32, #tpu.memory_space<hbm>>) target(%arg16 : memref<40x128xf32, #tpu.memory_space<vmem>>) offsets(%dma_start3A_174 : memref<40xi32, #tpu.memory_space<vmem>>) semaphore(%arg21 : memref<!tpu.dma_semaphore, #tpu.memory_space<semaphore_mem>>)
      } else {
      }
      %mul3A_144 = arith.constant 5 : i32
      %mul3A_145 = arith.muli %scan3A_59, %mul3A_144 : i32
      %add3A_146 = arith.constant 4 : i32
      %add3A_147 = arith.addi %mul3A_145, %add3A_146 : i32
      %mul3A_148 = arith.constant 40 : i32
      %mul3A_149 = arith.muli %add3A_147, %mul3A_148 : i32
      %multiple_of3A_150 = tpu.assume_multiple %mul3A_149, 8 : i32
      %dma_wait3A_151 = arith.constant 0 : i32
      %dma_wait3A_152 = tpu.memref_slice %arg4[%dma_wait3A_151] : memref<320000xi32, #tpu.memory_space<hbm>> -> memref<40xi32, #tpu.memory_space<hbm>>
      %dma_wait3A_153 = arith.constant 0 : i32
      %dma_wait3A_154 = tpu.memref_slice %arg4[%dma_wait3A_153] : memref<320000xi32, #tpu.memory_space<hbm>> -> memref<40xi32, #tpu.memory_space<hbm>>
      tpu.wait_dma2 semaphore(%arg27 : memref<!tpu.dma_semaphore, #tpu.memory_space<semaphore_mem>>) src(%dma_wait3A_154 : memref<40xi32, #tpu.memory_space<hbm>>) dst(%arg12 : memref<40xi32, #tpu.memory_space<vmem>>)
      %dma_wait3A_155 = tpu.memref_slice %arg7[%multiple_of3A_150] : memref<10000xi32, #tpu.memory_space<vmem>> -> memref<40xi32, #tpu.memory_space<vmem>>
      %dma_wait3A_156 = arith.constant 0 : i32
      %dma_wait3A_157 = arith.constant 0 : i32
      %dma_wait3A_158 = tpu.memref_slice %arg2[%dma_wait3A_156, %dma_wait3A_157] : memref<40000x128xf32, #tpu.memory_space<hbm>> -> memref<40000x128xf32, #tpu.memory_space<hbm>>
      tpu.wait_indirect_dma semaphore(%arg22 : memref<!tpu.dma_semaphore, #tpu.memory_space<semaphore_mem>>) src(%dma_wait3A_158 : memref<40000x128xf32, #tpu.memory_space<hbm>>) dst(%arg17 : memref<40x128xf32, #tpu.memory_space<vmem>>)
      "tpu.region"() ({
        %run_scoped3A = tpu.sem_alloc : memref<!tpu.dma_semaphore, #tpu.memory_space<semaphore_mem>>
        %dma_start3A_166 = arith.constant 0 : i32
        %dma_start3A_167 = arith.constant 0 : i32
        %dma_start3A_168 = tpu.memref_slice %arg28[%dma_start3A_166, %dma_start3A_167] : memref<10240x128xf32, #tpu.memory_space<vmem_shared>> -> memref<10240x128xf32, #tpu.memory_space<vmem_shared>>
        tpu.enqueue_indirect_dma source(%arg17 : memref<40x128xf32, #tpu.memory_space<vmem>>) target(%dma_start3A_168 : memref<10240x128xf32, #tpu.memory_space<vmem_shared>>) offsets(%arg12 : memref<40xi32, #tpu.memory_space<vmem>>) semaphore(%run_scoped3A : memref<!tpu.dma_semaphore, #tpu.memory_space<semaphore_mem>>) {add = true}
        %dma_wait3A_169 = arith.constant 0 : i32
        %dma_wait3A_170 = arith.constant 0 : i32
        %dma_wait3A_171 = tpu.memref_slice %arg28[%dma_wait3A_169, %dma_wait3A_170] : memref<10240x128xf32, #tpu.memory_space<vmem_shared>> -> memref<10240x128xf32, #tpu.memory_space<vmem_shared>>
        tpu.wait_indirect_dma semaphore(%run_scoped3A : memref<!tpu.dma_semaphore, #tpu.memory_space<semaphore_mem>>) src(%arg17 : memref<40x128xf32, #tpu.memory_space<vmem>>) dst(%dma_wait3A_171 : memref<10240x128xf32, #tpu.memory_space<vmem_shared>>)
        tpu.yield
      }) : () -> ()
      %add3A_159 = arith.constant 5 : i32
      %add3A_160 = arith.addi %add3A_147, %add3A_159 : i32
      %lt3A_161 = arith.constant 250 : i32
      %lt3A_162 = arith.cmpi slt, %add3A_160, %lt3A_161 : i32
      %convert_element_type3A_163 = arith.extui %lt3A_162 : i1 to i32
      %cond3A_164 = arith.constant 0 : i32
      %cond3A_165 = arith.cmpi ne, %convert_element_type3A_163, %cond3A_164 : i32
      scf.if %cond3A_165 {
        %add3A_166 = arith.constant 5 : i32
        %add3A_167 = arith.addi %add3A_147, %add3A_166 : i32
        %mul3A_168 = arith.constant 40 : i32
        %mul3A_169 = arith.muli %add3A_167, %mul3A_168 : i32
        %multiple_of3A_170 = tpu.assume_multiple %mul3A_169, 8 : i32
        %add3A_171 = arith.addi %mul3A_4, %multiple_of3A_170 : i32
        %dma_start3A_172 = tpu.memref_slice %arg4[%add3A_171] : memref<320000xi32, #tpu.memory_space<hbm>> -> memref<40xi32, #tpu.memory_space<hbm>>
        %dma_start3A_173 = tpu.memref_slice %arg4[%add3A_171] : memref<320000xi32, #tpu.memory_space<hbm>> -> memref<40xi32, #tpu.memory_space<hbm>>
        tpu.enqueue_dma source(%dma_start3A_173 : memref<40xi32, #tpu.memory_space<hbm>>) target(%arg12 : memref<40xi32, #tpu.memory_space<vmem>>) target_semaphore(%arg27 : memref<!tpu.dma_semaphore, #tpu.memory_space<semaphore_mem>>)
        %dma_start3A_174 = tpu.memref_slice %arg7[%multiple_of3A_170] : memref<10000xi32, #tpu.memory_space<vmem>> -> memref<40xi32, #tpu.memory_space<vmem>>
        %dma_start3A_175 = arith.constant 0 : i32
        %dma_start3A_176 = arith.constant 0 : i32
        %dma_start3A_177 = tpu.memref_slice %arg2[%dma_start3A_175, %dma_start3A_176] : memref<40000x128xf32, #tpu.memory_space<hbm>> -> memref<40000x128xf32, #tpu.memory_space<hbm>>
        tpu.enqueue_indirect_dma source(%dma_start3A_177 : memref<40000x128xf32, #tpu.memory_space<hbm>>) target(%arg17 : memref<40x128xf32, #tpu.memory_space<vmem>>) offsets(%dma_start3A_174 : memref<40xi32, #tpu.memory_space<vmem>>) semaphore(%arg22 : memref<!tpu.dma_semaphore, #tpu.memory_space<semaphore_mem>>)
      } else {
      }
    }
    %scan3A_52 = arith.constant 50 : i32
    %barrier3A_53 = arith.constant 0 : index
    tpu.barrier barrier_id(%barrier3A_53)
    %mul3A_54 = arith.constant 10240 : i32
    %mul3A_55 = arith.muli %arg0, %mul3A_54 : i32
    %mul3A_56 = arith.constant 640 : i32
    %mul3A_57 = arith.muli %arg1, %mul3A_56 : i32
    %add3A_58 = arith.addi %mul3A_55, %mul3A_57 : i32
    "tpu.region"() ({
      %run_scoped3A = tpu.sem_alloc : memref<!tpu.dma_semaphore, #tpu.memory_space<semaphore_mem>>
      %dma_start3A_59 = arith.constant 0 : i32
      %dma_start3A_60 = tpu.memref_slice %arg6[%add3A_58, %dma_start3A_59] : memref<20480x128xf32, #tpu.memory_space<hbm>> -> memref<640x128xf32, #tpu.memory_space<hbm>>
      %dma_start3A_61 = arith.constant 0 : i32
      %dma_start3A_62 = tpu.memref_slice %arg28[%mul3A_0, %dma_start3A_61] : memref<10240x128xf32, #tpu.memory_space<vmem_shared>> -> memref<640x128xf32, #tpu.memory_space<vmem_shared>>
      tpu.enqueue_dma source(%dma_start3A_62 : memref<640x128xf32, #tpu.memory_space<vmem_shared>>) target(%dma_start3A_60 : memref<640x128xf32, #tpu.memory_space<hbm>>) target_semaphore(%run_scoped3A : memref<!tpu.dma_semaphore, #tpu.memory_space<semaphore_mem>>)
      %dma_wait3A = arith.constant 0 : i32
      %dma_wait3A_63 = tpu.memref_slice %arg6[%add3A_58, %dma_wait3A] : memref<20480x128xf32, #tpu.memory_space<hbm>> -> memref<640x128xf32, #tpu.memory_space<hbm>>
      %dma_wait3A_64 = arith.constant 0 : i32
      %dma_wait3A_65 = tpu.memref_slice %arg28[%mul3A_0, %dma_wait3A_64] : memref<10240x128xf32, #tpu.memory_space<vmem_shared>> -> memref<640x128xf32, #tpu.memory_space<vmem_shared>>
      tpu.wait_dma2 semaphore(%run_scoped3A : memref<!tpu.dma_semaphore, #tpu.memory_space<semaphore_mem>>) src(%dma_wait3A_65 : memref<640x128xf32, #tpu.memory_space<vmem_shared>>) dst(%dma_wait3A_63 : memref<640x128xf32, #tpu.memory_space<hbm>>)
      tpu.yield
    }) : () -> ()
    return
  }
}

#map = affine_map<(d0, d1) -> (0, 0)>
#map1 = affine_map<(d0, d1) -> (0)>
module attributes {stable_mosaic.version = 14 : i64} {
  func.func @_sc_edge(%arg0: i32, %arg1: i32, %arg2: memref<40000x128xf32, #tpu.memory_space<hbm>>, %arg3: memref<320000xi32, #tpu.memory_space<hbm>>, %arg4: memref<320000xi32, #tpu.memory_space<hbm>>, %arg5: memref<10240x128xf32, #tpu.memory_space<hbm>>, %arg6: memref<20480x128xf32, #tpu.memory_space<hbm>>, %arg7: memref<10000xi32, #tpu.memory_space<vmem>>, %arg8: memref<40xi32, #tpu.memory_space<vmem>>, %arg9: memref<40xi32, #tpu.memory_space<vmem>>, %arg10: memref<40xi32, #tpu.memory_space<vmem>>, %arg11: memref<40xi32, #tpu.memory_space<vmem>>, %arg12: memref<40xi32, #tpu.memory_space<vmem>>, %arg13: memref<40x128xf32, #tpu.memory_space<vmem>>, %arg14: memref<40x128xf32, #tpu.memory_space<vmem>>, %arg15: memref<40x128xf32, #tpu.memory_space<vmem>>, %arg16: memref<40x128xf32, #tpu.memory_space<vmem>>, %arg17: memref<40x128xf32, #tpu.memory_space<vmem>>, %arg18: memref<!tpu.dma_semaphore, #tpu.memory_space<semaphore_mem>>, %arg19: memref<!tpu.dma_semaphore, #tpu.memory_space<semaphore_mem>>, %arg20: memref<!tpu.dma_semaphore, #tpu.memory_space<semaphore_mem>>, %arg21: memref<!tpu.dma_semaphore, #tpu.memory_space<semaphore_mem>>, %arg22: memref<!tpu.dma_semaphore, #tpu.memory_space<semaphore_mem>>, %arg23: memref<!tpu.dma_semaphore, #tpu.memory_space<semaphore_mem>>, %arg24: memref<!tpu.dma_semaphore, #tpu.memory_space<semaphore_mem>>, %arg25: memref<!tpu.dma_semaphore, #tpu.memory_space<semaphore_mem>>, %arg26: memref<!tpu.dma_semaphore, #tpu.memory_space<semaphore_mem>>, %arg27: memref<!tpu.dma_semaphore, #tpu.memory_space<semaphore_mem>>, %arg28: memref<10240x128xf32, #tpu.memory_space<vmem_shared>>) attributes {dimension_semantics = [#tpu.dimension_semantics<core_parallel>, #tpu.dimension_semantics<subcore_parallel>], iteration_bounds = array<i64: 2, 16>, scalar_prefetch = 0 : i64, scratch_operands = 22 : i64, tpu.core_type = #tpu.core_type<sc_vector_subcore>, window_params = [{transform_indices = #map}, {transform_indices = #map1}, {transform_indices = #map1}, {transform_indices = #map}, {transform_indices = #map}]} {
    %mul3A = arith.constant 640 : i32
    %mul3A_0 = arith.muli %arg1, %mul3A : i32
    "tpu.region"() ({
      %run_scoped3A = tpu.sem_alloc : memref<!tpu.dma_semaphore, #tpu.memory_space<semaphore_mem>>
      %dma_start3A_59 = arith.constant 0 : i32
      %dma_start3A_60 = tpu.memref_slice %arg28[%mul3A_0, %dma_start3A_59] : memref<10240x128xf32, #tpu.memory_space<vmem_shared>> -> memref<640x128xf32, #tpu.memory_space<vmem_shared>>
      %dma_start3A_61 = arith.constant 0 : i32
      %dma_start3A_62 = tpu.memref_slice %arg5[%mul3A_0, %dma_start3A_61] : memref<10240x128xf32, #tpu.memory_space<hbm>> -> memref<640x128xf32, #tpu.memory_space<hbm>>
      tpu.enqueue_dma source(%dma_start3A_62 : memref<640x128xf32, #tpu.memory_space<hbm>>) target(%dma_start3A_60 : memref<640x128xf32, #tpu.memory_space<vmem_shared>>) target_semaphore(%run_scoped3A : memref<!tpu.dma_semaphore, #tpu.memory_space<semaphore_mem>>)
      %dma_wait3A = arith.constant 0 : i32
      %dma_wait3A_63 = tpu.memref_slice %arg28[%mul3A_0, %dma_wait3A] : memref<10240x128xf32, #tpu.memory_space<vmem_shared>> -> memref<640x128xf32, #tpu.memory_space<vmem_shared>>
      %dma_wait3A_64 = arith.constant 0 : i32
      %dma_wait3A_65 = tpu.memref_slice %arg5[%mul3A_0, %dma_wait3A_64] : memref<10240x128xf32, #tpu.memory_space<hbm>> -> memref<640x128xf32, #tpu.memory_space<hbm>>
      tpu.wait_dma2 semaphore(%run_scoped3A : memref<!tpu.dma_semaphore, #tpu.memory_space<semaphore_mem>>) src(%dma_wait3A_65 : memref<640x128xf32, #tpu.memory_space<hbm>>) dst(%dma_wait3A_63 : memref<640x128xf32, #tpu.memory_space<vmem_shared>>)
      tpu.yield
    }) : () -> ()
    %mul3A_1 = arith.constant 16 : i32
    %mul3A_2 = arith.muli %arg0, %mul3A_1 : i32
    %add3A = arith.addi %mul3A_2, %arg1 : i32
    %mul3A_3 = arith.constant 10000 : i32
    %mul3A_4 = arith.muli %add3A, %mul3A_3 : i32
    "tpu.region"() ({
      %run_scoped3A = tpu.sem_alloc : memref<!tpu.dma_semaphore, #tpu.memory_space<semaphore_mem>>
      %dma_start3A_59 = tpu.memref_slice %arg3[%mul3A_4] : memref<320000xi32, #tpu.memory_space<hbm>> -> memref<10000xi32, #tpu.memory_space<hbm>>
      %dma_start3A_60 = tpu.memref_slice %arg3[%mul3A_4] : memref<320000xi32, #tpu.memory_space<hbm>> -> memref<10000xi32, #tpu.memory_space<hbm>>
      tpu.enqueue_dma source(%dma_start3A_60 : memref<10000xi32, #tpu.memory_space<hbm>>) target(%arg7 : memref<10000xi32, #tpu.memory_space<vmem>>) target_semaphore(%run_scoped3A : memref<!tpu.dma_semaphore, #tpu.memory_space<semaphore_mem>>)
      %dma_wait3A = tpu.memref_slice %arg3[%mul3A_4] : memref<320000xi32, #tpu.memory_space<hbm>> -> memref<10000xi32, #tpu.memory_space<hbm>>
      %dma_wait3A_61 = tpu.memref_slice %arg3[%mul3A_4] : memref<320000xi32, #tpu.memory_space<hbm>> -> memref<10000xi32, #tpu.memory_space<hbm>>
      tpu.wait_dma2 semaphore(%run_scoped3A : memref<!tpu.dma_semaphore, #tpu.memory_space<semaphore_mem>>) src(%dma_wait3A_61 : memref<10000xi32, #tpu.memory_space<hbm>>) dst(%arg7 : memref<10000xi32, #tpu.memory_space<vmem>>)
      tpu.yield
    }) : () -> ()
    %barrier3A = arith.constant 0 : index
    tpu.barrier barrier_id(%barrier3A)
    %multiple_of3A = arith.constant 0 : i32
    %multiple_of3A_5 = tpu.assume_multiple %multiple_of3A, 8 : i32
    %add3A_6 = arith.addi %mul3A_4, %multiple_of3A_5 : i32
    %dma_start3A = tpu.memref_slice %arg4[%add3A_6] : memref<320000xi32, #tpu.memory_space<hbm>> -> memref<40xi32, #tpu.memory_space<hbm>>
    %dma_start3A_7 = tpu.memref_slice %arg4[%add3A_6] : memref<320000xi32, #tpu.memory_space<hbm>> -> memref<40xi32, #tpu.memory_space<hbm>>
    tpu.enqueue_dma source(%dma_start3A_7 : memref<40xi32, #tpu.memory_space<hbm>>) target(%arg8 : memref<40xi32, #tpu.memory_space<vmem>>) target_semaphore(%arg23 : memref<!tpu.dma_semaphore, #tpu.memory_space<semaphore_mem>>)
    %dma_start3A_8 = tpu.memref_slice %arg7[%multiple_of3A_5] : memref<10000xi32, #tpu.memory_space<vmem>> -> memref<40xi32, #tpu.memory_space<vmem>>
    %dma_start3A_9 = arith.constant 0 : i32
    %dma_start3A_10 = arith.constant 0 : i32
    %dma_start3A_11 = tpu.memref_slice %arg2[%dma_start3A_9, %dma_start3A_10] : memref<40000x128xf32, #tpu.memory_space<hbm>> -> memref<40000x128xf32, #tpu.memory_space<hbm>>
    tpu.enqueue_indirect_dma source(%dma_start3A_11 : memref<40000x128xf32, #tpu.memory_space<hbm>>) target(%arg13 : memref<40x128xf32, #tpu.memory_space<vmem>>) offsets(%dma_start3A_8 : memref<40xi32, #tpu.memory_space<vmem>>) semaphore(%arg18 : memref<!tpu.dma_semaphore, #tpu.memory_space<semaphore_mem>>)
    %multiple_of3A_12 = arith.constant 40 : i32
    %multiple_of3A_13 = tpu.assume_multiple %multiple_of3A_12, 8 : i32
    %add3A_14 = arith.addi %mul3A_4, %multiple_of3A_13 : i32
    %dma_start3A_15 = tpu.memref_slice %arg4[%add3A_14] : memref<320000xi32, #tpu.memory_space<hbm>> -> memref<40xi32, #tpu.memory_space<hbm>>
    %dma_start3A_16 = tpu.memref_slice %arg4[%add3A_14] : memref<320000xi32, #tpu.memory_space<hbm>> -> memref<40xi32, #tpu.memory_space<hbm>>
    tpu.enqueue_dma source(%dma_start3A_16 : memref<40xi32, #tpu.memory_space<hbm>>) target(%arg9 : memref<40xi32, #tpu.memory_space<vmem>>) target_semaphore(%arg24 : memref<!tpu.dma_semaphore, #tpu.memory_space<semaphore_mem>>)
    %dma_start3A_17 = tpu.memref_slice %arg7[%multiple_of3A_13] : memref<10000xi32, #tpu.memory_space<vmem>> -> memref<40xi32, #tpu.memory_space<vmem>>
    %dma_start3A_18 = arith.constant 0 : i32
    %dma_start3A_19 = arith.constant 0 : i32
    %dma_start3A_20 = tpu.memref_slice %arg2[%dma_start3A_18, %dma_start3A_19] : memref<40000x128xf32, #tpu.memory_space<hbm>> -> memref<40000x128xf32, #tpu.memory_space<hbm>>
    tpu.enqueue_indirect_dma source(%dma_start3A_20 : memref<40000x128xf32, #tpu.memory_space<hbm>>) target(%arg14 : memref<40x128xf32, #tpu.memory_space<vmem>>) offsets(%dma_start3A_17 : memref<40xi32, #tpu.memory_space<vmem>>) semaphore(%arg19 : memref<!tpu.dma_semaphore, #tpu.memory_space<semaphore_mem>>)
    %multiple_of3A_21 = arith.constant 80 : i32
    %multiple_of3A_22 = tpu.assume_multiple %multiple_of3A_21, 8 : i32
    %add3A_23 = arith.addi %mul3A_4, %multiple_of3A_22 : i32
    %dma_start3A_24 = tpu.memref_slice %arg4[%add3A_23] : memref<320000xi32, #tpu.memory_space<hbm>> -> memref<40xi32, #tpu.memory_space<hbm>>
    %dma_start3A_25 = tpu.memref_slice %arg4[%add3A_23] : memref<320000xi32, #tpu.memory_space<hbm>> -> memref<40xi32, #tpu.memory_space<hbm>>
    tpu.enqueue_dma source(%dma_start3A_25 : memref<40xi32, #tpu.memory_space<hbm>>) target(%arg10 : memref<40xi32, #tpu.memory_space<vmem>>) target_semaphore(%arg25 : memref<!tpu.dma_semaphore, #tpu.memory_space<semaphore_mem>>)
    %dma_start3A_26 = tpu.memref_slice %arg7[%multiple_of3A_22] : memref<10000xi32, #tpu.memory_space<vmem>> -> memref<40xi32, #tpu.memory_space<vmem>>
    %dma_start3A_27 = arith.constant 0 : i32
    %dma_start3A_28 = arith.constant 0 : i32
    %dma_start3A_29 = tpu.memref_slice %arg2[%dma_start3A_27, %dma_start3A_28] : memref<40000x128xf32, #tpu.memory_space<hbm>> -> memref<40000x128xf32, #tpu.memory_space<hbm>>
    tpu.enqueue_indirect_dma source(%dma_start3A_29 : memref<40000x128xf32, #tpu.memory_space<hbm>>) target(%arg15 : memref<40x128xf32, #tpu.memory_space<vmem>>) offsets(%dma_start3A_26 : memref<40xi32, #tpu.memory_space<vmem>>) semaphore(%arg20 : memref<!tpu.dma_semaphore, #tpu.memory_space<semaphore_mem>>)
    %multiple_of3A_30 = arith.constant 120 : i32
    %multiple_of3A_31 = tpu.assume_multiple %multiple_of3A_30, 8 : i32
    %add3A_32 = arith.addi %mul3A_4, %multiple_of3A_31 : i32
    %dma_start3A_33 = tpu.memref_slice %arg4[%add3A_32] : memref<320000xi32, #tpu.memory_space<hbm>> -> memref<40xi32, #tpu.memory_space<hbm>>
    %dma_start3A_34 = tpu.memref_slice %arg4[%add3A_32] : memref<320000xi32, #tpu.memory_space<hbm>> -> memref<40xi32, #tpu.memory_space<hbm>>
    tpu.enqueue_dma source(%dma_start3A_34 : memref<40xi32, #tpu.memory_space<hbm>>) target(%arg11 : memref<40xi32, #tpu.memory_space<vmem>>) target_semaphore(%arg26 : memref<!tpu.dma_semaphore, #tpu.memory_space<semaphore_mem>>)
    %dma_start3A_35 = tpu.memref_slice %arg7[%multiple_of3A_31] : memref<10000xi32, #tpu.memory_space<vmem>> -> memref<40xi32, #tpu.memory_space<vmem>>
    %dma_start3A_36 = arith.constant 0 : i32
    %dma_start3A_37 = arith.constant 0 : i32
    %dma_start3A_38 = tpu.memref_slice %arg2[%dma_start3A_36, %dma_start3A_37] : memref<40000x128xf32, #tpu.memory_space<hbm>> -> memref<40000x128xf32, #tpu.memory_space<hbm>>
    tpu.enqueue_indirect_dma source(%dma_start3A_38 : memref<40000x128xf32, #tpu.memory_space<hbm>>) target(%arg16 : memref<40x128xf32, #tpu.memory_space<vmem>>) offsets(%dma_start3A_35 : memref<40xi32, #tpu.memory_space<vmem>>) semaphore(%arg21 : memref<!tpu.dma_semaphore, #tpu.memory_space<semaphore_mem>>)
    %multiple_of3A_39 = arith.constant 160 : i32
    %multiple_of3A_40 = tpu.assume_multiple %multiple_of3A_39, 8 : i32
    %add3A_41 = arith.addi %mul3A_4, %multiple_of3A_40 : i32
    %dma_start3A_42 = tpu.memref_slice %arg4[%add3A_41] : memref<320000xi32, #tpu.memory_space<hbm>> -> memref<40xi32, #tpu.memory_space<hbm>>
    %dma_start3A_43 = tpu.memref_slice %arg4[%add3A_41] : memref<320000xi32, #tpu.memory_space<hbm>> -> memref<40xi32, #tpu.memory_space<hbm>>
    tpu.enqueue_dma source(%dma_start3A_43 : memref<40xi32, #tpu.memory_space<hbm>>) target(%arg12 : memref<40xi32, #tpu.memory_space<vmem>>) target_semaphore(%arg27 : memref<!tpu.dma_semaphore, #tpu.memory_space<semaphore_mem>>)
    %dma_start3A_44 = tpu.memref_slice %arg7[%multiple_of3A_40] : memref<10000xi32, #tpu.memory_space<vmem>> -> memref<40xi32, #tpu.memory_space<vmem>>
    %dma_start3A_45 = arith.constant 0 : i32
    %dma_start3A_46 = arith.constant 0 : i32
    %dma_start3A_47 = tpu.memref_slice %arg2[%dma_start3A_45, %dma_start3A_46] : memref<40000x128xf32, #tpu.memory_space<hbm>> -> memref<40000x128xf32, #tpu.memory_space<hbm>>
    tpu.enqueue_indirect_dma source(%dma_start3A_47 : memref<40000x128xf32, #tpu.memory_space<hbm>>) target(%arg17 : memref<40x128xf32, #tpu.memory_space<vmem>>) offsets(%dma_start3A_44 : memref<40xi32, #tpu.memory_space<vmem>>) semaphore(%arg22 : memref<!tpu.dma_semaphore, #tpu.memory_space<semaphore_mem>>)
    %scan3A = arith.constant 0 : i32
    %scan3A_48 = arith.constant 0 : i32
    %scan3A_49 = arith.constant 50 : i32
    %scan3A_50 = arith.addi %scan3A_48, %scan3A_49 : i32
    %scan3A_51 = arith.constant 1 : i32
    scf.for %scan3A_59 = %scan3A_48 to %scan3A_50 step %scan3A_51  : i32 {
      %mul3A_60 = arith.constant 5 : i32
      %mul3A_61 = arith.muli %scan3A_59, %mul3A_60 : i32
      %add3A_62 = arith.constant 0 : i32
      %add3A_63 = arith.addi %mul3A_61, %add3A_62 : i32
      %mul3A_64 = arith.constant 40 : i32
      %mul3A_65 = arith.muli %add3A_63, %mul3A_64 : i32
      %multiple_of3A_66 = tpu.assume_multiple %mul3A_65, 8 : i32
      %dma_wait3A = arith.constant 0 : i32
      %dma_wait3A_67 = tpu.memref_slice %arg4[%dma_wait3A] : memref<320000xi32, #tpu.memory_space<hbm>> -> memref<40xi32, #tpu.memory_space<hbm>>
      %dma_wait3A_68 = arith.constant 0 : i32
      %dma_wait3A_69 = tpu.memref_slice %arg4[%dma_wait3A_68] : memref<320000xi32, #tpu.memory_space<hbm>> -> memref<40xi32, #tpu.memory_space<hbm>>
      tpu.wait_dma2 semaphore(%arg23 : memref<!tpu.dma_semaphore, #tpu.memory_space<semaphore_mem>>) src(%dma_wait3A_69 : memref<40xi32, #tpu.memory_space<hbm>>) dst(%arg8 : memref<40xi32, #tpu.memory_space<vmem>>)
      %dma_wait3A_70 = tpu.memref_slice %arg7[%multiple_of3A_66] : memref<10000xi32, #tpu.memory_space<vmem>> -> memref<40xi32, #tpu.memory_space<vmem>>
      %dma_wait3A_71 = arith.constant 0 : i32
      %dma_wait3A_72 = arith.constant 0 : i32
      %dma_wait3A_73 = tpu.memref_slice %arg2[%dma_wait3A_71, %dma_wait3A_72] : memref<40000x128xf32, #tpu.memory_space<hbm>> -> memref<40000x128xf32, #tpu.memory_space<hbm>>
      tpu.wait_indirect_dma semaphore(%arg18 : memref<!tpu.dma_semaphore, #tpu.memory_space<semaphore_mem>>) src(%dma_wait3A_73 : memref<40000x128xf32, #tpu.memory_space<hbm>>) dst(%arg13 : memref<40x128xf32, #tpu.memory_space<vmem>>)
      "tpu.region"() ({
        %run_scoped3A = tpu.sem_alloc : memref<!tpu.dma_semaphore, #tpu.memory_space<semaphore_mem>>
        %dma_start3A_166 = arith.constant 0 : i32
        %dma_start3A_167 = arith.constant 0 : i32
        %dma_start3A_168 = tpu.memref_slice %arg28[%dma_start3A_166, %dma_start3A_167] : memref<10240x128xf32, #tpu.memory_space<vmem_shared>> -> memref<10240x128xf32, #tpu.memory_space<vmem_shared>>
        tpu.enqueue_indirect_dma source(%arg13 : memref<40x128xf32, #tpu.memory_space<vmem>>) target(%dma_start3A_168 : memref<10240x128xf32, #tpu.memory_space<vmem_shared>>) offsets(%arg8 : memref<40xi32, #tpu.memory_space<vmem>>) semaphore(%run_scoped3A : memref<!tpu.dma_semaphore, #tpu.memory_space<semaphore_mem>>) {add = true}
        %dma_wait3A_169 = arith.constant 0 : i32
        %dma_wait3A_170 = arith.constant 0 : i32
        %dma_wait3A_171 = tpu.memref_slice %arg28[%dma_wait3A_169, %dma_wait3A_170] : memref<10240x128xf32, #tpu.memory_space<vmem_shared>> -> memref<10240x128xf32, #tpu.memory_space<vmem_shared>>
        tpu.wait_indirect_dma semaphore(%run_scoped3A : memref<!tpu.dma_semaphore, #tpu.memory_space<semaphore_mem>>) src(%arg13 : memref<40x128xf32, #tpu.memory_space<vmem>>) dst(%dma_wait3A_171 : memref<10240x128xf32, #tpu.memory_space<vmem_shared>>)
        tpu.yield
      }) : () -> ()
      %add3A_74 = arith.constant 5 : i32
      %add3A_75 = arith.addi %add3A_63, %add3A_74 : i32
      %lt3A = arith.constant 250 : i32
      %lt3A_76 = arith.cmpi slt, %add3A_75, %lt3A : i32
      %convert_element_type3A = arith.extui %lt3A_76 : i1 to i32
      %cond3A = arith.constant 0 : i32
      %cond3A_77 = arith.cmpi ne, %convert_element_type3A, %cond3A : i32
      scf.if %cond3A_77 {
        %add3A_166 = arith.constant 5 : i32
        %add3A_167 = arith.addi %add3A_63, %add3A_166 : i32
        %mul3A_168 = arith.constant 40 : i32
        %mul3A_169 = arith.muli %add3A_167, %mul3A_168 : i32
        %multiple_of3A_170 = tpu.assume_multiple %mul3A_169, 8 : i32
        %add3A_171 = arith.addi %mul3A_4, %multiple_of3A_170 : i32
        %dma_start3A_172 = tpu.memref_slice %arg4[%add3A_171] : memref<320000xi32, #tpu.memory_space<hbm>> -> memref<40xi32, #tpu.memory_space<hbm>>
        %dma_start3A_173 = tpu.memref_slice %arg4[%add3A_171] : memref<320000xi32, #tpu.memory_space<hbm>> -> memref<40xi32, #tpu.memory_space<hbm>>
        tpu.enqueue_dma source(%dma_start3A_173 : memref<40xi32, #tpu.memory_space<hbm>>) target(%arg8 : memref<40xi32, #tpu.memory_space<vmem>>) target_semaphore(%arg23 : memref<!tpu.dma_semaphore, #tpu.memory_space<semaphore_mem>>)
        %dma_start3A_174 = tpu.memref_slice %arg7[%multiple_of3A_170] : memref<10000xi32, #tpu.memory_space<vmem>> -> memref<40xi32, #tpu.memory_space<vmem>>
        %dma_start3A_175 = arith.constant 0 : i32
        %dma_start3A_176 = arith.constant 0 : i32
        %dma_start3A_177 = tpu.memref_slice %arg2[%dma_start3A_175, %dma_start3A_176] : memref<40000x128xf32, #tpu.memory_space<hbm>> -> memref<40000x128xf32, #tpu.memory_space<hbm>>
        tpu.enqueue_indirect_dma source(%dma_start3A_177 : memref<40000x128xf32, #tpu.memory_space<hbm>>) target(%arg13 : memref<40x128xf32, #tpu.memory_space<vmem>>) offsets(%dma_start3A_174 : memref<40xi32, #tpu.memory_space<vmem>>) semaphore(%arg18 : memref<!tpu.dma_semaphore, #tpu.memory_space<semaphore_mem>>)
      } else {
      }
      %mul3A_78 = arith.constant 5 : i32
      %mul3A_79 = arith.muli %scan3A_59, %mul3A_78 : i32
      %add3A_80 = arith.constant 1 : i32
      %add3A_81 = arith.addi %mul3A_79, %add3A_80 : i32
      %mul3A_82 = arith.constant 40 : i32
      %mul3A_83 = arith.muli %add3A_81, %mul3A_82 : i32
      %multiple_of3A_84 = tpu.assume_multiple %mul3A_83, 8 : i32
      %dma_wait3A_85 = arith.constant 0 : i32
      %dma_wait3A_86 = tpu.memref_slice %arg4[%dma_wait3A_85] : memref<320000xi32, #tpu.memory_space<hbm>> -> memref<40xi32, #tpu.memory_space<hbm>>
      %dma_wait3A_87 = arith.constant 0 : i32
      %dma_wait3A_88 = tpu.memref_slice %arg4[%dma_wait3A_87] : memref<320000xi32, #tpu.memory_space<hbm>> -> memref<40xi32, #tpu.memory_space<hbm>>
      tpu.wait_dma2 semaphore(%arg24 : memref<!tpu.dma_semaphore, #tpu.memory_space<semaphore_mem>>) src(%dma_wait3A_88 : memref<40xi32, #tpu.memory_space<hbm>>) dst(%arg9 : memref<40xi32, #tpu.memory_space<vmem>>)
      %dma_wait3A_89 = tpu.memref_slice %arg7[%multiple_of3A_84] : memref<10000xi32, #tpu.memory_space<vmem>> -> memref<40xi32, #tpu.memory_space<vmem>>
      %dma_wait3A_90 = arith.constant 0 : i32
      %dma_wait3A_91 = arith.constant 0 : i32
      %dma_wait3A_92 = tpu.memref_slice %arg2[%dma_wait3A_90, %dma_wait3A_91] : memref<40000x128xf32, #tpu.memory_space<hbm>> -> memref<40000x128xf32, #tpu.memory_space<hbm>>
      tpu.wait_indirect_dma semaphore(%arg19 : memref<!tpu.dma_semaphore, #tpu.memory_space<semaphore_mem>>) src(%dma_wait3A_92 : memref<40000x128xf32, #tpu.memory_space<hbm>>) dst(%arg14 : memref<40x128xf32, #tpu.memory_space<vmem>>)
      "tpu.region"() ({
        %run_scoped3A = tpu.sem_alloc : memref<!tpu.dma_semaphore, #tpu.memory_space<semaphore_mem>>
        %dma_start3A_166 = arith.constant 0 : i32
        %dma_start3A_167 = arith.constant 0 : i32
        %dma_start3A_168 = tpu.memref_slice %arg28[%dma_start3A_166, %dma_start3A_167] : memref<10240x128xf32, #tpu.memory_space<vmem_shared>> -> memref<10240x128xf32, #tpu.memory_space<vmem_shared>>
        tpu.enqueue_indirect_dma source(%arg14 : memref<40x128xf32, #tpu.memory_space<vmem>>) target(%dma_start3A_168 : memref<10240x128xf32, #tpu.memory_space<vmem_shared>>) offsets(%arg9 : memref<40xi32, #tpu.memory_space<vmem>>) semaphore(%run_scoped3A : memref<!tpu.dma_semaphore, #tpu.memory_space<semaphore_mem>>) {add = true}
        %dma_wait3A_169 = arith.constant 0 : i32
        %dma_wait3A_170 = arith.constant 0 : i32
        %dma_wait3A_171 = tpu.memref_slice %arg28[%dma_wait3A_169, %dma_wait3A_170] : memref<10240x128xf32, #tpu.memory_space<vmem_shared>> -> memref<10240x128xf32, #tpu.memory_space<vmem_shared>>
        tpu.wait_indirect_dma semaphore(%run_scoped3A : memref<!tpu.dma_semaphore, #tpu.memory_space<semaphore_mem>>) src(%arg14 : memref<40x128xf32, #tpu.memory_space<vmem>>) dst(%dma_wait3A_171 : memref<10240x128xf32, #tpu.memory_space<vmem_shared>>)
        tpu.yield
      }) : () -> ()
      %add3A_93 = arith.constant 5 : i32
      %add3A_94 = arith.addi %add3A_81, %add3A_93 : i32
      %lt3A_95 = arith.constant 250 : i32
      %lt3A_96 = arith.cmpi slt, %add3A_94, %lt3A_95 : i32
      %convert_element_type3A_97 = arith.extui %lt3A_96 : i1 to i32
      %cond3A_98 = arith.constant 0 : i32
      %cond3A_99 = arith.cmpi ne, %convert_element_type3A_97, %cond3A_98 : i32
      scf.if %cond3A_99 {
        %add3A_166 = arith.constant 5 : i32
        %add3A_167 = arith.addi %add3A_81, %add3A_166 : i32
        %mul3A_168 = arith.constant 40 : i32
        %mul3A_169 = arith.muli %add3A_167, %mul3A_168 : i32
        %multiple_of3A_170 = tpu.assume_multiple %mul3A_169, 8 : i32
        %add3A_171 = arith.addi %mul3A_4, %multiple_of3A_170 : i32
        %dma_start3A_172 = tpu.memref_slice %arg4[%add3A_171] : memref<320000xi32, #tpu.memory_space<hbm>> -> memref<40xi32, #tpu.memory_space<hbm>>
        %dma_start3A_173 = tpu.memref_slice %arg4[%add3A_171] : memref<320000xi32, #tpu.memory_space<hbm>> -> memref<40xi32, #tpu.memory_space<hbm>>
        tpu.enqueue_dma source(%dma_start3A_173 : memref<40xi32, #tpu.memory_space<hbm>>) target(%arg9 : memref<40xi32, #tpu.memory_space<vmem>>) target_semaphore(%arg24 : memref<!tpu.dma_semaphore, #tpu.memory_space<semaphore_mem>>)
        %dma_start3A_174 = tpu.memref_slice %arg7[%multiple_of3A_170] : memref<10000xi32, #tpu.memory_space<vmem>> -> memref<40xi32, #tpu.memory_space<vmem>>
        %dma_start3A_175 = arith.constant 0 : i32
        %dma_start3A_176 = arith.constant 0 : i32
        %dma_start3A_177 = tpu.memref_slice %arg2[%dma_start3A_175, %dma_start3A_176] : memref<40000x128xf32, #tpu.memory_space<hbm>> -> memref<40000x128xf32, #tpu.memory_space<hbm>>
        tpu.enqueue_indirect_dma source(%dma_start3A_177 : memref<40000x128xf32, #tpu.memory_space<hbm>>) target(%arg14 : memref<40x128xf32, #tpu.memory_space<vmem>>) offsets(%dma_start3A_174 : memref<40xi32, #tpu.memory_space<vmem>>) semaphore(%arg19 : memref<!tpu.dma_semaphore, #tpu.memory_space<semaphore_mem>>)
      } else {
      }
      %mul3A_100 = arith.constant 5 : i32
      %mul3A_101 = arith.muli %scan3A_59, %mul3A_100 : i32
      %add3A_102 = arith.constant 2 : i32
      %add3A_103 = arith.addi %mul3A_101, %add3A_102 : i32
      %mul3A_104 = arith.constant 40 : i32
      %mul3A_105 = arith.muli %add3A_103, %mul3A_104 : i32
      %multiple_of3A_106 = tpu.assume_multiple %mul3A_105, 8 : i32
      %dma_wait3A_107 = arith.constant 0 : i32
      %dma_wait3A_108 = tpu.memref_slice %arg4[%dma_wait3A_107] : memref<320000xi32, #tpu.memory_space<hbm>> -> memref<40xi32, #tpu.memory_space<hbm>>
      %dma_wait3A_109 = arith.constant 0 : i32
      %dma_wait3A_110 = tpu.memref_slice %arg4[%dma_wait3A_109] : memref<320000xi32, #tpu.memory_space<hbm>> -> memref<40xi32, #tpu.memory_space<hbm>>
      tpu.wait_dma2 semaphore(%arg25 : memref<!tpu.dma_semaphore, #tpu.memory_space<semaphore_mem>>) src(%dma_wait3A_110 : memref<40xi32, #tpu.memory_space<hbm>>) dst(%arg10 : memref<40xi32, #tpu.memory_space<vmem>>)
      %dma_wait3A_111 = tpu.memref_slice %arg7[%multiple_of3A_106] : memref<10000xi32, #tpu.memory_space<vmem>> -> memref<40xi32, #tpu.memory_space<vmem>>
      %dma_wait3A_112 = arith.constant 0 : i32
      %dma_wait3A_113 = arith.constant 0 : i32
      %dma_wait3A_114 = tpu.memref_slice %arg2[%dma_wait3A_112, %dma_wait3A_113] : memref<40000x128xf32, #tpu.memory_space<hbm>> -> memref<40000x128xf32, #tpu.memory_space<hbm>>
      tpu.wait_indirect_dma semaphore(%arg20 : memref<!tpu.dma_semaphore, #tpu.memory_space<semaphore_mem>>) src(%dma_wait3A_114 : memref<40000x128xf32, #tpu.memory_space<hbm>>) dst(%arg15 : memref<40x128xf32, #tpu.memory_space<vmem>>)
      "tpu.region"() ({
        %run_scoped3A = tpu.sem_alloc : memref<!tpu.dma_semaphore, #tpu.memory_space<semaphore_mem>>
        %dma_start3A_166 = arith.constant 0 : i32
        %dma_start3A_167 = arith.constant 0 : i32
        %dma_start3A_168 = tpu.memref_slice %arg28[%dma_start3A_166, %dma_start3A_167] : memref<10240x128xf32, #tpu.memory_space<vmem_shared>> -> memref<10240x128xf32, #tpu.memory_space<vmem_shared>>
        tpu.enqueue_indirect_dma source(%arg15 : memref<40x128xf32, #tpu.memory_space<vmem>>) target(%dma_start3A_168 : memref<10240x128xf32, #tpu.memory_space<vmem_shared>>) offsets(%arg10 : memref<40xi32, #tpu.memory_space<vmem>>) semaphore(%run_scoped3A : memref<!tpu.dma_semaphore, #tpu.memory_space<semaphore_mem>>) {add = true}
        %dma_wait3A_169 = arith.constant 0 : i32
        %dma_wait3A_170 = arith.constant 0 : i32
        %dma_wait3A_171 = tpu.memref_slice %arg28[%dma_wait3A_169, %dma_wait3A_170] : memref<10240x128xf32, #tpu.memory_space<vmem_shared>> -> memref<10240x128xf32, #tpu.memory_space<vmem_shared>>
        tpu.wait_indirect_dma semaphore(%run_scoped3A : memref<!tpu.dma_semaphore, #tpu.memory_space<semaphore_mem>>) src(%arg15 : memref<40x128xf32, #tpu.memory_space<vmem>>) dst(%dma_wait3A_171 : memref<10240x128xf32, #tpu.memory_space<vmem_shared>>)
        tpu.yield
      }) : () -> ()
      %add3A_115 = arith.constant 5 : i32
      %add3A_116 = arith.addi %add3A_103, %add3A_115 : i32
      %lt3A_117 = arith.constant 250 : i32
      %lt3A_118 = arith.cmpi slt, %add3A_116, %lt3A_117 : i32
      %convert_element_type3A_119 = arith.extui %lt3A_118 : i1 to i32
      %cond3A_120 = arith.constant 0 : i32
      %cond3A_121 = arith.cmpi ne, %convert_element_type3A_119, %cond3A_120 : i32
      scf.if %cond3A_121 {
        %add3A_166 = arith.constant 5 : i32
        %add3A_167 = arith.addi %add3A_103, %add3A_166 : i32
        %mul3A_168 = arith.constant 40 : i32
        %mul3A_169 = arith.muli %add3A_167, %mul3A_168 : i32
        %multiple_of3A_170 = tpu.assume_multiple %mul3A_169, 8 : i32
        %add3A_171 = arith.addi %mul3A_4, %multiple_of3A_170 : i32
        %dma_start3A_172 = tpu.memref_slice %arg4[%add3A_171] : memref<320000xi32, #tpu.memory_space<hbm>> -> memref<40xi32, #tpu.memory_space<hbm>>
        %dma_start3A_173 = tpu.memref_slice %arg4[%add3A_171] : memref<320000xi32, #tpu.memory_space<hbm>> -> memref<40xi32, #tpu.memory_space<hbm>>
        tpu.enqueue_dma source(%dma_start3A_173 : memref<40xi32, #tpu.memory_space<hbm>>) target(%arg10 : memref<40xi32, #tpu.memory_space<vmem>>) target_semaphore(%arg25 : memref<!tpu.dma_semaphore, #tpu.memory_space<semaphore_mem>>)
        %dma_start3A_174 = tpu.memref_slice %arg7[%multiple_of3A_170] : memref<10000xi32, #tpu.memory_space<vmem>> -> memref<40xi32, #tpu.memory_space<vmem>>
        %dma_start3A_175 = arith.constant 0 : i32
        %dma_start3A_176 = arith.constant 0 : i32
        %dma_start3A_177 = tpu.memref_slice %arg2[%dma_start3A_175, %dma_start3A_176] : memref<40000x128xf32, #tpu.memory_space<hbm>> -> memref<40000x128xf32, #tpu.memory_space<hbm>>
        tpu.enqueue_indirect_dma source(%dma_start3A_177 : memref<40000x128xf32, #tpu.memory_space<hbm>>) target(%arg15 : memref<40x128xf32, #tpu.memory_space<vmem>>) offsets(%dma_start3A_174 : memref<40xi32, #tpu.memory_space<vmem>>) semaphore(%arg20 : memref<!tpu.dma_semaphore, #tpu.memory_space<semaphore_mem>>)
      } else {
      }
      %mul3A_122 = arith.constant 5 : i32
      %mul3A_123 = arith.muli %scan3A_59, %mul3A_122 : i32
      %add3A_124 = arith.constant 3 : i32
      %add3A_125 = arith.addi %mul3A_123, %add3A_124 : i32
      %mul3A_126 = arith.constant 40 : i32
      %mul3A_127 = arith.muli %add3A_125, %mul3A_126 : i32
      %multiple_of3A_128 = tpu.assume_multiple %mul3A_127, 8 : i32
      %dma_wait3A_129 = arith.constant 0 : i32
      %dma_wait3A_130 = tpu.memref_slice %arg4[%dma_wait3A_129] : memref<320000xi32, #tpu.memory_space<hbm>> -> memref<40xi32, #tpu.memory_space<hbm>>
      %dma_wait3A_131 = arith.constant 0 : i32
      %dma_wait3A_132 = tpu.memref_slice %arg4[%dma_wait3A_131] : memref<320000xi32, #tpu.memory_space<hbm>> -> memref<40xi32, #tpu.memory_space<hbm>>
      tpu.wait_dma2 semaphore(%arg26 : memref<!tpu.dma_semaphore, #tpu.memory_space<semaphore_mem>>) src(%dma_wait3A_132 : memref<40xi32, #tpu.memory_space<hbm>>) dst(%arg11 : memref<40xi32, #tpu.memory_space<vmem>>)
      %dma_wait3A_133 = tpu.memref_slice %arg7[%multiple_of3A_128] : memref<10000xi32, #tpu.memory_space<vmem>> -> memref<40xi32, #tpu.memory_space<vmem>>
      %dma_wait3A_134 = arith.constant 0 : i32
      %dma_wait3A_135 = arith.constant 0 : i32
      %dma_wait3A_136 = tpu.memref_slice %arg2[%dma_wait3A_134, %dma_wait3A_135] : memref<40000x128xf32, #tpu.memory_space<hbm>> -> memref<40000x128xf32, #tpu.memory_space<hbm>>
      tpu.wait_indirect_dma semaphore(%arg21 : memref<!tpu.dma_semaphore, #tpu.memory_space<semaphore_mem>>) src(%dma_wait3A_136 : memref<40000x128xf32, #tpu.memory_space<hbm>>) dst(%arg16 : memref<40x128xf32, #tpu.memory_space<vmem>>)
      "tpu.region"() ({
        %run_scoped3A = tpu.sem_alloc : memref<!tpu.dma_semaphore, #tpu.memory_space<semaphore_mem>>
        %dma_start3A_166 = arith.constant 0 : i32
        %dma_start3A_167 = arith.constant 0 : i32
        %dma_start3A_168 = tpu.memref_slice %arg28[%dma_start3A_166, %dma_start3A_167] : memref<10240x128xf32, #tpu.memory_space<vmem_shared>> -> memref<10240x128xf32, #tpu.memory_space<vmem_shared>>
        tpu.enqueue_indirect_dma source(%arg16 : memref<40x128xf32, #tpu.memory_space<vmem>>) target(%dma_start3A_168 : memref<10240x128xf32, #tpu.memory_space<vmem_shared>>) offsets(%arg11 : memref<40xi32, #tpu.memory_space<vmem>>) semaphore(%run_scoped3A : memref<!tpu.dma_semaphore, #tpu.memory_space<semaphore_mem>>) {add = true}
        %dma_wait3A_169 = arith.constant 0 : i32
        %dma_wait3A_170 = arith.constant 0 : i32
        %dma_wait3A_171 = tpu.memref_slice %arg28[%dma_wait3A_169, %dma_wait3A_170] : memref<10240x128xf32, #tpu.memory_space<vmem_shared>> -> memref<10240x128xf32, #tpu.memory_space<vmem_shared>>
        tpu.wait_indirect_dma semaphore(%run_scoped3A : memref<!tpu.dma_semaphore, #tpu.memory_space<semaphore_mem>>) src(%arg16 : memref<40x128xf32, #tpu.memory_space<vmem>>) dst(%dma_wait3A_171 : memref<10240x128xf32, #tpu.memory_space<vmem_shared>>)
        tpu.yield
      }) : () -> ()
      %add3A_137 = arith.constant 5 : i32
      %add3A_138 = arith.addi %add3A_125, %add3A_137 : i32
      %lt3A_139 = arith.constant 250 : i32
      %lt3A_140 = arith.cmpi slt, %add3A_138, %lt3A_139 : i32
      %convert_element_type3A_141 = arith.extui %lt3A_140 : i1 to i32
      %cond3A_142 = arith.constant 0 : i32
      %cond3A_143 = arith.cmpi ne, %convert_element_type3A_141, %cond3A_142 : i32
      scf.if %cond3A_143 {
        %add3A_166 = arith.constant 5 : i32
        %add3A_167 = arith.addi %add3A_125, %add3A_166 : i32
        %mul3A_168 = arith.constant 40 : i32
        %mul3A_169 = arith.muli %add3A_167, %mul3A_168 : i32
        %multiple_of3A_170 = tpu.assume_multiple %mul3A_169, 8 : i32
        %add3A_171 = arith.addi %mul3A_4, %multiple_of3A_170 : i32
        %dma_start3A_172 = tpu.memref_slice %arg4[%add3A_171] : memref<320000xi32, #tpu.memory_space<hbm>> -> memref<40xi32, #tpu.memory_space<hbm>>
        %dma_start3A_173 = tpu.memref_slice %arg4[%add3A_171] : memref<320000xi32, #tpu.memory_space<hbm>> -> memref<40xi32, #tpu.memory_space<hbm>>
        tpu.enqueue_dma source(%dma_start3A_173 : memref<40xi32, #tpu.memory_space<hbm>>) target(%arg11 : memref<40xi32, #tpu.memory_space<vmem>>) target_semaphore(%arg26 : memref<!tpu.dma_semaphore, #tpu.memory_space<semaphore_mem>>)
        %dma_start3A_174 = tpu.memref_slice %arg7[%multiple_of3A_170] : memref<10000xi32, #tpu.memory_space<vmem>> -> memref<40xi32, #tpu.memory_space<vmem>>
        %dma_start3A_175 = arith.constant 0 : i32
        %dma_start3A_176 = arith.constant 0 : i32
        %dma_start3A_177 = tpu.memref_slice %arg2[%dma_start3A_175, %dma_start3A_176] : memref<40000x128xf32, #tpu.memory_space<hbm>> -> memref<40000x128xf32, #tpu.memory_space<hbm>>
        tpu.enqueue_indirect_dma source(%dma_start3A_177 : memref<40000x128xf32, #tpu.memory_space<hbm>>) target(%arg16 : memref<40x128xf32, #tpu.memory_space<vmem>>) offsets(%dma_start3A_174 : memref<40xi32, #tpu.memory_space<vmem>>) semaphore(%arg21 : memref<!tpu.dma_semaphore, #tpu.memory_space<semaphore_mem>>)
      } else {
      }
      %mul3A_144 = arith.constant 5 : i32
      %mul3A_145 = arith.muli %scan3A_59, %mul3A_144 : i32
      %add3A_146 = arith.constant 4 : i32
      %add3A_147 = arith.addi %mul3A_145, %add3A_146 : i32
      %mul3A_148 = arith.constant 40 : i32
      %mul3A_149 = arith.muli %add3A_147, %mul3A_148 : i32
      %multiple_of3A_150 = tpu.assume_multiple %mul3A_149, 8 : i32
      %dma_wait3A_151 = arith.constant 0 : i32
      %dma_wait3A_152 = tpu.memref_slice %arg4[%dma_wait3A_151] : memref<320000xi32, #tpu.memory_space<hbm>> -> memref<40xi32, #tpu.memory_space<hbm>>
      %dma_wait3A_153 = arith.constant 0 : i32
      %dma_wait3A_154 = tpu.memref_slice %arg4[%dma_wait3A_153] : memref<320000xi32, #tpu.memory_space<hbm>> -> memref<40xi32, #tpu.memory_space<hbm>>
      tpu.wait_dma2 semaphore(%arg27 : memref<!tpu.dma_semaphore, #tpu.memory_space<semaphore_mem>>) src(%dma_wait3A_154 : memref<40xi32, #tpu.memory_space<hbm>>) dst(%arg12 : memref<40xi32, #tpu.memory_space<vmem>>)
      %dma_wait3A_155 = tpu.memref_slice %arg7[%multiple_of3A_150] : memref<10000xi32, #tpu.memory_space<vmem>> -> memref<40xi32, #tpu.memory_space<vmem>>
      %dma_wait3A_156 = arith.constant 0 : i32
      %dma_wait3A_157 = arith.constant 0 : i32
      %dma_wait3A_158 = tpu.memref_slice %arg2[%dma_wait3A_156, %dma_wait3A_157] : memref<40000x128xf32, #tpu.memory_space<hbm>> -> memref<40000x128xf32, #tpu.memory_space<hbm>>
      tpu.wait_indirect_dma semaphore(%arg22 : memref<!tpu.dma_semaphore, #tpu.memory_space<semaphore_mem>>) src(%dma_wait3A_158 : memref<40000x128xf32, #tpu.memory_space<hbm>>) dst(%arg17 : memref<40x128xf32, #tpu.memory_space<vmem>>)
      "tpu.region"() ({
        %run_scoped3A = tpu.sem_alloc : memref<!tpu.dma_semaphore, #tpu.memory_space<semaphore_mem>>
        %dma_start3A_166 = arith.constant 0 : i32
        %dma_start3A_167 = arith.constant 0 : i32
        %dma_start3A_168 = tpu.memref_slice %arg28[%dma_start3A_166, %dma_start3A_167] : memref<10240x128xf32, #tpu.memory_space<vmem_shared>> -> memref<10240x128xf32, #tpu.memory_space<vmem_shared>>
        tpu.enqueue_indirect_dma source(%arg17 : memref<40x128xf32, #tpu.memory_space<vmem>>) target(%dma_start3A_168 : memref<10240x128xf32, #tpu.memory_space<vmem_shared>>) offsets(%arg12 : memref<40xi32, #tpu.memory_space<vmem>>) semaphore(%run_scoped3A : memref<!tpu.dma_semaphore, #tpu.memory_space<semaphore_mem>>) {add = true}
        %dma_wait3A_169 = arith.constant 0 : i32
        %dma_wait3A_170 = arith.constant 0 : i32
        %dma_wait3A_171 = tpu.memref_slice %arg28[%dma_wait3A_169, %dma_wait3A_170] : memref<10240x128xf32, #tpu.memory_space<vmem_shared>> -> memref<10240x128xf32, #tpu.memory_space<vmem_shared>>
        tpu.wait_indirect_dma semaphore(%run_scoped3A : memref<!tpu.dma_semaphore, #tpu.memory_space<semaphore_mem>>) src(%arg17 : memref<40x128xf32, #tpu.memory_space<vmem>>) dst(%dma_wait3A_171 : memref<10240x128xf32, #tpu.memory_space<vmem_shared>>)
        tpu.yield
      }) : () -> ()
      %add3A_159 = arith.constant 5 : i32
      %add3A_160 = arith.addi %add3A_147, %add3A_159 : i32
      %lt3A_161 = arith.constant 250 : i32
      %lt3A_162 = arith.cmpi slt, %add3A_160, %lt3A_161 : i32
      %convert_element_type3A_163 = arith.extui %lt3A_162 : i1 to i32
      %cond3A_164 = arith.constant 0 : i32
      %cond3A_165 = arith.cmpi ne, %convert_element_type3A_163, %cond3A_164 : i32
      scf.if %cond3A_165 {
        %add3A_166 = arith.constant 5 : i32
        %add3A_167 = arith.addi %add3A_147, %add3A_166 : i32
        %mul3A_168 = arith.constant 40 : i32
        %mul3A_169 = arith.muli %add3A_167, %mul3A_168 : i32
        %multiple_of3A_170 = tpu.assume_multiple %mul3A_169, 8 : i32
        %add3A_171 = arith.addi %mul3A_4, %multiple_of3A_170 : i32
        %dma_start3A_172 = tpu.memref_slice %arg4[%add3A_171] : memref<320000xi32, #tpu.memory_space<hbm>> -> memref<40xi32, #tpu.memory_space<hbm>>
        %dma_start3A_173 = tpu.memref_slice %arg4[%add3A_171] : memref<320000xi32, #tpu.memory_space<hbm>> -> memref<40xi32, #tpu.memory_space<hbm>>
        tpu.enqueue_dma source(%dma_start3A_173 : memref<40xi32, #tpu.memory_space<hbm>>) target(%arg12 : memref<40xi32, #tpu.memory_space<vmem>>) target_semaphore(%arg27 : memref<!tpu.dma_semaphore, #tpu.memory_space<semaphore_mem>>)
        %dma_start3A_174 = tpu.memref_slice %arg7[%multiple_of3A_170] : memref<10000xi32, #tpu.memory_space<vmem>> -> memref<40xi32, #tpu.memory_space<vmem>>
        %dma_start3A_175 = arith.constant 0 : i32
        %dma_start3A_176 = arith.constant 0 : i32
        %dma_start3A_177 = tpu.memref_slice %arg2[%dma_start3A_175, %dma_start3A_176] : memref<40000x128xf32, #tpu.memory_space<hbm>> -> memref<40000x128xf32, #tpu.memory_space<hbm>>
        tpu.enqueue_indirect_dma source(%dma_start3A_177 : memref<40000x128xf32, #tpu.memory_space<hbm>>) target(%arg17 : memref<40x128xf32, #tpu.memory_space<vmem>>) offsets(%dma_start3A_174 : memref<40xi32, #tpu.memory_space<vmem>>) semaphore(%arg22 : memref<!tpu.dma_semaphore, #tpu.memory_space<semaphore_mem>>)
      } else {
      }
    }
    %scan3A_52 = arith.constant 50 : i32
    %barrier3A_53 = arith.constant 0 : index
    tpu.barrier barrier_id(%barrier3A_53)
    %mul3A_54 = arith.constant 10240 : i32
    %mul3A_55 = arith.muli %arg0, %mul3A_54 : i32
    %mul3A_56 = arith.constant 640 : i32
    %mul3A_57 = arith.muli %arg1, %mul3A_56 : i32
    %add3A_58 = arith.addi %mul3A_55, %mul3A_57 : i32
    "tpu.region"() ({
      %run_scoped3A = tpu.sem_alloc : memref<!tpu.dma_semaphore, #tpu.memory_space<semaphore_mem>>
      %dma_start3A_59 = arith.constant 0 : i32
      %dma_start3A_60 = tpu.memref_slice %arg6[%add3A_58, %dma_start3A_59] : memref<20480x128xf32, #tpu.memory_space<hbm>> -> memref<640x128xf32, #tpu.memory_space<hbm>>
      %dma_start3A_61 = arith.constant 0 : i32
      %dma_start3A_62 = tpu.memref_slice %arg28[%mul3A_0, %dma_start3A_61] : memref<10240x128xf32, #tpu.memory_space<vmem_shared>> -> memref<640x128xf32, #tpu.memory_space<vmem_shared>>
      tpu.enqueue_dma source(%dma_start3A_62 : memref<640x128xf32, #tpu.memory_space<vmem_shared>>) target(%dma_start3A_60 : memref<640x128xf32, #tpu.memory_space<hbm>>) target_semaphore(%run_scoped3A : memref<!tpu.dma_semaphore, #tpu.memory_space<semaphore_mem>>)
      %dma_wait3A = arith.constant 0 : i32
      %dma_wait3A_63 = tpu.memref_slice %arg6[%add3A_58, %dma_wait3A] : memref<20480x128xf32, #tpu.memory_space<hbm>> -> memref<640x128xf32, #tpu.memory_space<hbm>>
      %dma_wait3A_64 = arith.constant 0 : i32
      %dma_wait3A_65 = tpu.memref_slice %arg28[%mul3A_0, %dma_wait3A_64] : memref<10240x128xf32, #tpu.memory_space<vmem_shared>> -> memref<640x128xf32, #tpu.memory_space<vmem_shared>>
      tpu.wait_dma2 semaphore(%run_scoped3A : memref<!tpu.dma_semaphore, #tpu.memory_space<semaphore_mem>>) src(%dma_wait3A_65 : memref<640x128xf32, #tpu.memory_space<vmem_shared>>) dst(%dma_wait3A_63 : memref<640x128xf32, #tpu.memory_space<hbm>>)
      tpu.yield
    }) : () -> ()
    return
  }
}

#map = affine_map<(d0, d1) -> (0, 0)>
#map1 = affine_map<(d0, d1) -> (0)>
module attributes {stable_mosaic.version = 14 : i64} {
  func.func @_sc_edge(%arg0: i32, %arg1: i32, %arg2: memref<40000x128xf32, #tpu.memory_space<hbm>>, %arg3: memref<320000xi32, #tpu.memory_space<hbm>>, %arg4: memref<320000xi32, #tpu.memory_space<hbm>>, %arg5: memref<10240x128xf32, #tpu.memory_space<hbm>>, %arg6: memref<20480x128xf32, #tpu.memory_space<hbm>>, %arg7: memref<10000xi32, #tpu.memory_space<vmem>>, %arg8: memref<40xi32, #tpu.memory_space<vmem>>, %arg9: memref<40xi32, #tpu.memory_space<vmem>>, %arg10: memref<40xi32, #tpu.memory_space<vmem>>, %arg11: memref<40xi32, #tpu.memory_space<vmem>>, %arg12: memref<40xi32, #tpu.memory_space<vmem>>, %arg13: memref<40x128xf32, #tpu.memory_space<vmem>>, %arg14: memref<40x128xf32, #tpu.memory_space<vmem>>, %arg15: memref<40x128xf32, #tpu.memory_space<vmem>>, %arg16: memref<40x128xf32, #tpu.memory_space<vmem>>, %arg17: memref<40x128xf32, #tpu.memory_space<vmem>>, %arg18: memref<!tpu.dma_semaphore, #tpu.memory_space<semaphore_mem>>, %arg19: memref<!tpu.dma_semaphore, #tpu.memory_space<semaphore_mem>>, %arg20: memref<!tpu.dma_semaphore, #tpu.memory_space<semaphore_mem>>, %arg21: memref<!tpu.dma_semaphore, #tpu.memory_space<semaphore_mem>>, %arg22: memref<!tpu.dma_semaphore, #tpu.memory_space<semaphore_mem>>, %arg23: memref<!tpu.dma_semaphore, #tpu.memory_space<semaphore_mem>>, %arg24: memref<!tpu.dma_semaphore, #tpu.memory_space<semaphore_mem>>, %arg25: memref<!tpu.dma_semaphore, #tpu.memory_space<semaphore_mem>>, %arg26: memref<!tpu.dma_semaphore, #tpu.memory_space<semaphore_mem>>, %arg27: memref<!tpu.dma_semaphore, #tpu.memory_space<semaphore_mem>>, %arg28: memref<10240x128xf32, #tpu.memory_space<vmem_shared>>) attributes {dimension_semantics = [#tpu.dimension_semantics<core_parallel>, #tpu.dimension_semantics<subcore_parallel>], iteration_bounds = array<i64: 2, 16>, scalar_prefetch = 0 : i64, scratch_operands = 22 : i64, tpu.core_type = #tpu.core_type<sc_vector_subcore>, window_params = [{transform_indices = #map}, {transform_indices = #map1}, {transform_indices = #map1}, {transform_indices = #map}, {transform_indices = #map}]} {
    %mul3A = arith.constant 640 : i32
    %mul3A_0 = arith.muli %arg1, %mul3A : i32
    "tpu.region"() ({
      %run_scoped3A = tpu.sem_alloc : memref<!tpu.dma_semaphore, #tpu.memory_space<semaphore_mem>>
      %dma_start3A_59 = arith.constant 0 : i32
      %dma_start3A_60 = tpu.memref_slice %arg28[%mul3A_0, %dma_start3A_59] : memref<10240x128xf32, #tpu.memory_space<vmem_shared>> -> memref<640x128xf32, #tpu.memory_space<vmem_shared>>
      %dma_start3A_61 = arith.constant 0 : i32
      %dma_start3A_62 = tpu.memref_slice %arg5[%mul3A_0, %dma_start3A_61] : memref<10240x128xf32, #tpu.memory_space<hbm>> -> memref<640x128xf32, #tpu.memory_space<hbm>>
      tpu.enqueue_dma source(%dma_start3A_62 : memref<640x128xf32, #tpu.memory_space<hbm>>) target(%dma_start3A_60 : memref<640x128xf32, #tpu.memory_space<vmem_shared>>) target_semaphore(%run_scoped3A : memref<!tpu.dma_semaphore, #tpu.memory_space<semaphore_mem>>)
      %dma_wait3A = arith.constant 0 : i32
      %dma_wait3A_63 = tpu.memref_slice %arg28[%mul3A_0, %dma_wait3A] : memref<10240x128xf32, #tpu.memory_space<vmem_shared>> -> memref<640x128xf32, #tpu.memory_space<vmem_shared>>
      %dma_wait3A_64 = arith.constant 0 : i32
      %dma_wait3A_65 = tpu.memref_slice %arg5[%mul3A_0, %dma_wait3A_64] : memref<10240x128xf32, #tpu.memory_space<hbm>> -> memref<640x128xf32, #tpu.memory_space<hbm>>
      tpu.wait_dma2 semaphore(%run_scoped3A : memref<!tpu.dma_semaphore, #tpu.memory_space<semaphore_mem>>) src(%dma_wait3A_65 : memref<640x128xf32, #tpu.memory_space<hbm>>) dst(%dma_wait3A_63 : memref<640x128xf32, #tpu.memory_space<vmem_shared>>)
      tpu.yield
    }) : () -> ()
    %mul3A_1 = arith.constant 16 : i32
    %mul3A_2 = arith.muli %arg0, %mul3A_1 : i32
    %add3A = arith.addi %mul3A_2, %arg1 : i32
    %mul3A_3 = arith.constant 10000 : i32
    %mul3A_4 = arith.muli %add3A, %mul3A_3 : i32
    "tpu.region"() ({
      %run_scoped3A = tpu.sem_alloc : memref<!tpu.dma_semaphore, #tpu.memory_space<semaphore_mem>>
      %dma_start3A_59 = tpu.memref_slice %arg3[%mul3A_4] : memref<320000xi32, #tpu.memory_space<hbm>> -> memref<10000xi32, #tpu.memory_space<hbm>>
      %dma_start3A_60 = tpu.memref_slice %arg3[%mul3A_4] : memref<320000xi32, #tpu.memory_space<hbm>> -> memref<10000xi32, #tpu.memory_space<hbm>>
      tpu.enqueue_dma source(%dma_start3A_60 : memref<10000xi32, #tpu.memory_space<hbm>>) target(%arg7 : memref<10000xi32, #tpu.memory_space<vmem>>) target_semaphore(%run_scoped3A : memref<!tpu.dma_semaphore, #tpu.memory_space<semaphore_mem>>)
      %dma_wait3A = tpu.memref_slice %arg3[%mul3A_4] : memref<320000xi32, #tpu.memory_space<hbm>> -> memref<10000xi32, #tpu.memory_space<hbm>>
      %dma_wait3A_61 = tpu.memref_slice %arg3[%mul3A_4] : memref<320000xi32, #tpu.memory_space<hbm>> -> memref<10000xi32, #tpu.memory_space<hbm>>
      tpu.wait_dma2 semaphore(%run_scoped3A : memref<!tpu.dma_semaphore, #tpu.memory_space<semaphore_mem>>) src(%dma_wait3A_61 : memref<10000xi32, #tpu.memory_space<hbm>>) dst(%arg7 : memref<10000xi32, #tpu.memory_space<vmem>>)
      tpu.yield
    }) : () -> ()
    %barrier3A = arith.constant 0 : index
    tpu.barrier barrier_id(%barrier3A)
    %multiple_of3A = arith.constant 0 : i32
    %multiple_of3A_5 = tpu.assume_multiple %multiple_of3A, 8 : i32
    %add3A_6 = arith.addi %mul3A_4, %multiple_of3A_5 : i32
    %dma_start3A = tpu.memref_slice %arg4[%add3A_6] : memref<320000xi32, #tpu.memory_space<hbm>> -> memref<40xi32, #tpu.memory_space<hbm>>
    %dma_start3A_7 = tpu.memref_slice %arg4[%add3A_6] : memref<320000xi32, #tpu.memory_space<hbm>> -> memref<40xi32, #tpu.memory_space<hbm>>
    tpu.enqueue_dma source(%dma_start3A_7 : memref<40xi32, #tpu.memory_space<hbm>>) target(%arg8 : memref<40xi32, #tpu.memory_space<vmem>>) target_semaphore(%arg23 : memref<!tpu.dma_semaphore, #tpu.memory_space<semaphore_mem>>)
    %dma_start3A_8 = tpu.memref_slice %arg7[%multiple_of3A_5] : memref<10000xi32, #tpu.memory_space<vmem>> -> memref<40xi32, #tpu.memory_space<vmem>>
    %dma_start3A_9 = arith.constant 0 : i32
    %dma_start3A_10 = arith.constant 0 : i32
    %dma_start3A_11 = tpu.memref_slice %arg2[%dma_start3A_9, %dma_start3A_10] : memref<40000x128xf32, #tpu.memory_space<hbm>> -> memref<40000x128xf32, #tpu.memory_space<hbm>>
    tpu.enqueue_indirect_dma source(%dma_start3A_11 : memref<40000x128xf32, #tpu.memory_space<hbm>>) target(%arg13 : memref<40x128xf32, #tpu.memory_space<vmem>>) offsets(%dma_start3A_8 : memref<40xi32, #tpu.memory_space<vmem>>) semaphore(%arg18 : memref<!tpu.dma_semaphore, #tpu.memory_space<semaphore_mem>>)
    %multiple_of3A_12 = arith.constant 40 : i32
    %multiple_of3A_13 = tpu.assume_multiple %multiple_of3A_12, 8 : i32
    %add3A_14 = arith.addi %mul3A_4, %multiple_of3A_13 : i32
    %dma_start3A_15 = tpu.memref_slice %arg4[%add3A_14] : memref<320000xi32, #tpu.memory_space<hbm>> -> memref<40xi32, #tpu.memory_space<hbm>>
    %dma_start3A_16 = tpu.memref_slice %arg4[%add3A_14] : memref<320000xi32, #tpu.memory_space<hbm>> -> memref<40xi32, #tpu.memory_space<hbm>>
    tpu.enqueue_dma source(%dma_start3A_16 : memref<40xi32, #tpu.memory_space<hbm>>) target(%arg9 : memref<40xi32, #tpu.memory_space<vmem>>) target_semaphore(%arg24 : memref<!tpu.dma_semaphore, #tpu.memory_space<semaphore_mem>>)
    %dma_start3A_17 = tpu.memref_slice %arg7[%multiple_of3A_13] : memref<10000xi32, #tpu.memory_space<vmem>> -> memref<40xi32, #tpu.memory_space<vmem>>
    %dma_start3A_18 = arith.constant 0 : i32
    %dma_start3A_19 = arith.constant 0 : i32
    %dma_start3A_20 = tpu.memref_slice %arg2[%dma_start3A_18, %dma_start3A_19] : memref<40000x128xf32, #tpu.memory_space<hbm>> -> memref<40000x128xf32, #tpu.memory_space<hbm>>
    tpu.enqueue_indirect_dma source(%dma_start3A_20 : memref<40000x128xf32, #tpu.memory_space<hbm>>) target(%arg14 : memref<40x128xf32, #tpu.memory_space<vmem>>) offsets(%dma_start3A_17 : memref<40xi32, #tpu.memory_space<vmem>>) semaphore(%arg19 : memref<!tpu.dma_semaphore, #tpu.memory_space<semaphore_mem>>)
    %multiple_of3A_21 = arith.constant 80 : i32
    %multiple_of3A_22 = tpu.assume_multiple %multiple_of3A_21, 8 : i32
    %add3A_23 = arith.addi %mul3A_4, %multiple_of3A_22 : i32
    %dma_start3A_24 = tpu.memref_slice %arg4[%add3A_23] : memref<320000xi32, #tpu.memory_space<hbm>> -> memref<40xi32, #tpu.memory_space<hbm>>
    %dma_start3A_25 = tpu.memref_slice %arg4[%add3A_23] : memref<320000xi32, #tpu.memory_space<hbm>> -> memref<40xi32, #tpu.memory_space<hbm>>
    tpu.enqueue_dma source(%dma_start3A_25 : memref<40xi32, #tpu.memory_space<hbm>>) target(%arg10 : memref<40xi32, #tpu.memory_space<vmem>>) target_semaphore(%arg25 : memref<!tpu.dma_semaphore, #tpu.memory_space<semaphore_mem>>)
    %dma_start3A_26 = tpu.memref_slice %arg7[%multiple_of3A_22] : memref<10000xi32, #tpu.memory_space<vmem>> -> memref<40xi32, #tpu.memory_space<vmem>>
    %dma_start3A_27 = arith.constant 0 : i32
    %dma_start3A_28 = arith.constant 0 : i32
    %dma_start3A_29 = tpu.memref_slice %arg2[%dma_start3A_27, %dma_start3A_28] : memref<40000x128xf32, #tpu.memory_space<hbm>> -> memref<40000x128xf32, #tpu.memory_space<hbm>>
    tpu.enqueue_indirect_dma source(%dma_start3A_29 : memref<40000x128xf32, #tpu.memory_space<hbm>>) target(%arg15 : memref<40x128xf32, #tpu.memory_space<vmem>>) offsets(%dma_start3A_26 : memref<40xi32, #tpu.memory_space<vmem>>) semaphore(%arg20 : memref<!tpu.dma_semaphore, #tpu.memory_space<semaphore_mem>>)
    %multiple_of3A_30 = arith.constant 120 : i32
    %multiple_of3A_31 = tpu.assume_multiple %multiple_of3A_30, 8 : i32
    %add3A_32 = arith.addi %mul3A_4, %multiple_of3A_31 : i32
    %dma_start3A_33 = tpu.memref_slice %arg4[%add3A_32] : memref<320000xi32, #tpu.memory_space<hbm>> -> memref<40xi32, #tpu.memory_space<hbm>>
    %dma_start3A_34 = tpu.memref_slice %arg4[%add3A_32] : memref<320000xi32, #tpu.memory_space<hbm>> -> memref<40xi32, #tpu.memory_space<hbm>>
    tpu.enqueue_dma source(%dma_start3A_34 : memref<40xi32, #tpu.memory_space<hbm>>) target(%arg11 : memref<40xi32, #tpu.memory_space<vmem>>) target_semaphore(%arg26 : memref<!tpu.dma_semaphore, #tpu.memory_space<semaphore_mem>>)
    %dma_start3A_35 = tpu.memref_slice %arg7[%multiple_of3A_31] : memref<10000xi32, #tpu.memory_space<vmem>> -> memref<40xi32, #tpu.memory_space<vmem>>
    %dma_start3A_36 = arith.constant 0 : i32
    %dma_start3A_37 = arith.constant 0 : i32
    %dma_start3A_38 = tpu.memref_slice %arg2[%dma_start3A_36, %dma_start3A_37] : memref<40000x128xf32, #tpu.memory_space<hbm>> -> memref<40000x128xf32, #tpu.memory_space<hbm>>
    tpu.enqueue_indirect_dma source(%dma_start3A_38 : memref<40000x128xf32, #tpu.memory_space<hbm>>) target(%arg16 : memref<40x128xf32, #tpu.memory_space<vmem>>) offsets(%dma_start3A_35 : memref<40xi32, #tpu.memory_space<vmem>>) semaphore(%arg21 : memref<!tpu.dma_semaphore, #tpu.memory_space<semaphore_mem>>)
    %multiple_of3A_39 = arith.constant 160 : i32
    %multiple_of3A_40 = tpu.assume_multiple %multiple_of3A_39, 8 : i32
    %add3A_41 = arith.addi %mul3A_4, %multiple_of3A_40 : i32
    %dma_start3A_42 = tpu.memref_slice %arg4[%add3A_41] : memref<320000xi32, #tpu.memory_space<hbm>> -> memref<40xi32, #tpu.memory_space<hbm>>
    %dma_start3A_43 = tpu.memref_slice %arg4[%add3A_41] : memref<320000xi32, #tpu.memory_space<hbm>> -> memref<40xi32, #tpu.memory_space<hbm>>
    tpu.enqueue_dma source(%dma_start3A_43 : memref<40xi32, #tpu.memory_space<hbm>>) target(%arg12 : memref<40xi32, #tpu.memory_space<vmem>>) target_semaphore(%arg27 : memref<!tpu.dma_semaphore, #tpu.memory_space<semaphore_mem>>)
    %dma_start3A_44 = tpu.memref_slice %arg7[%multiple_of3A_40] : memref<10000xi32, #tpu.memory_space<vmem>> -> memref<40xi32, #tpu.memory_space<vmem>>
    %dma_start3A_45 = arith.constant 0 : i32
    %dma_start3A_46 = arith.constant 0 : i32
    %dma_start3A_47 = tpu.memref_slice %arg2[%dma_start3A_45, %dma_start3A_46] : memref<40000x128xf32, #tpu.memory_space<hbm>> -> memref<40000x128xf32, #tpu.memory_space<hbm>>
    tpu.enqueue_indirect_dma source(%dma_start3A_47 : memref<40000x128xf32, #tpu.memory_space<hbm>>) target(%arg17 : memref<40x128xf32, #tpu.memory_space<vmem>>) offsets(%dma_start3A_44 : memref<40xi32, #tpu.memory_space<vmem>>) semaphore(%arg22 : memref<!tpu.dma_semaphore, #tpu.memory_space<semaphore_mem>>)
    %scan3A = arith.constant 0 : i32
    %scan3A_48 = arith.constant 0 : i32
    %scan3A_49 = arith.constant 50 : i32
    %scan3A_50 = arith.addi %scan3A_48, %scan3A_49 : i32
    %scan3A_51 = arith.constant 1 : i32
    scf.for %scan3A_59 = %scan3A_48 to %scan3A_50 step %scan3A_51  : i32 {
      %mul3A_60 = arith.constant 5 : i32
      %mul3A_61 = arith.muli %scan3A_59, %mul3A_60 : i32
      %add3A_62 = arith.constant 0 : i32
      %add3A_63 = arith.addi %mul3A_61, %add3A_62 : i32
      %mul3A_64 = arith.constant 40 : i32
      %mul3A_65 = arith.muli %add3A_63, %mul3A_64 : i32
      %multiple_of3A_66 = tpu.assume_multiple %mul3A_65, 8 : i32
      %dma_wait3A = arith.constant 0 : i32
      %dma_wait3A_67 = tpu.memref_slice %arg4[%dma_wait3A] : memref<320000xi32, #tpu.memory_space<hbm>> -> memref<40xi32, #tpu.memory_space<hbm>>
      %dma_wait3A_68 = arith.constant 0 : i32
      %dma_wait3A_69 = tpu.memref_slice %arg4[%dma_wait3A_68] : memref<320000xi32, #tpu.memory_space<hbm>> -> memref<40xi32, #tpu.memory_space<hbm>>
      tpu.wait_dma2 semaphore(%arg23 : memref<!tpu.dma_semaphore, #tpu.memory_space<semaphore_mem>>) src(%dma_wait3A_69 : memref<40xi32, #tpu.memory_space<hbm>>) dst(%arg8 : memref<40xi32, #tpu.memory_space<vmem>>)
      %dma_wait3A_70 = tpu.memref_slice %arg7[%multiple_of3A_66] : memref<10000xi32, #tpu.memory_space<vmem>> -> memref<40xi32, #tpu.memory_space<vmem>>
      %dma_wait3A_71 = arith.constant 0 : i32
      %dma_wait3A_72 = arith.constant 0 : i32
      %dma_wait3A_73 = tpu.memref_slice %arg2[%dma_wait3A_71, %dma_wait3A_72] : memref<40000x128xf32, #tpu.memory_space<hbm>> -> memref<40000x128xf32, #tpu.memory_space<hbm>>
      tpu.wait_indirect_dma semaphore(%arg18 : memref<!tpu.dma_semaphore, #tpu.memory_space<semaphore_mem>>) src(%dma_wait3A_73 : memref<40000x128xf32, #tpu.memory_space<hbm>>) dst(%arg13 : memref<40x128xf32, #tpu.memory_space<vmem>>)
      "tpu.region"() ({
        %run_scoped3A = tpu.sem_alloc : memref<!tpu.dma_semaphore, #tpu.memory_space<semaphore_mem>>
        %dma_start3A_166 = arith.constant 0 : i32
        %dma_start3A_167 = arith.constant 0 : i32
        %dma_start3A_168 = tpu.memref_slice %arg28[%dma_start3A_166, %dma_start3A_167] : memref<10240x128xf32, #tpu.memory_space<vmem_shared>> -> memref<10240x128xf32, #tpu.memory_space<vmem_shared>>
        tpu.enqueue_indirect_dma source(%arg13 : memref<40x128xf32, #tpu.memory_space<vmem>>) target(%dma_start3A_168 : memref<10240x128xf32, #tpu.memory_space<vmem_shared>>) offsets(%arg8 : memref<40xi32, #tpu.memory_space<vmem>>) semaphore(%run_scoped3A : memref<!tpu.dma_semaphore, #tpu.memory_space<semaphore_mem>>) {add = true}
        %dma_wait3A_169 = arith.constant 0 : i32
        %dma_wait3A_170 = arith.constant 0 : i32
        %dma_wait3A_171 = tpu.memref_slice %arg28[%dma_wait3A_169, %dma_wait3A_170] : memref<10240x128xf32, #tpu.memory_space<vmem_shared>> -> memref<10240x128xf32, #tpu.memory_space<vmem_shared>>
        tpu.wait_indirect_dma semaphore(%run_scoped3A : memref<!tpu.dma_semaphore, #tpu.memory_space<semaphore_mem>>) src(%arg13 : memref<40x128xf32, #tpu.memory_space<vmem>>) dst(%dma_wait3A_171 : memref<10240x128xf32, #tpu.memory_space<vmem_shared>>)
        tpu.yield
      }) : () -> ()
      %add3A_74 = arith.constant 5 : i32
      %add3A_75 = arith.addi %add3A_63, %add3A_74 : i32
      %lt3A = arith.constant 250 : i32
      %lt3A_76 = arith.cmpi slt, %add3A_75, %lt3A : i32
      %convert_element_type3A = arith.extui %lt3A_76 : i1 to i32
      %cond3A = arith.constant 0 : i32
      %cond3A_77 = arith.cmpi ne, %convert_element_type3A, %cond3A : i32
      scf.if %cond3A_77 {
        %add3A_166 = arith.constant 5 : i32
        %add3A_167 = arith.addi %add3A_63, %add3A_166 : i32
        %mul3A_168 = arith.constant 40 : i32
        %mul3A_169 = arith.muli %add3A_167, %mul3A_168 : i32
        %multiple_of3A_170 = tpu.assume_multiple %mul3A_169, 8 : i32
        %add3A_171 = arith.addi %mul3A_4, %multiple_of3A_170 : i32
        %dma_start3A_172 = tpu.memref_slice %arg4[%add3A_171] : memref<320000xi32, #tpu.memory_space<hbm>> -> memref<40xi32, #tpu.memory_space<hbm>>
        %dma_start3A_173 = tpu.memref_slice %arg4[%add3A_171] : memref<320000xi32, #tpu.memory_space<hbm>> -> memref<40xi32, #tpu.memory_space<hbm>>
        tpu.enqueue_dma source(%dma_start3A_173 : memref<40xi32, #tpu.memory_space<hbm>>) target(%arg8 : memref<40xi32, #tpu.memory_space<vmem>>) target_semaphore(%arg23 : memref<!tpu.dma_semaphore, #tpu.memory_space<semaphore_mem>>)
        %dma_start3A_174 = tpu.memref_slice %arg7[%multiple_of3A_170] : memref<10000xi32, #tpu.memory_space<vmem>> -> memref<40xi32, #tpu.memory_space<vmem>>
        %dma_start3A_175 = arith.constant 0 : i32
        %dma_start3A_176 = arith.constant 0 : i32
        %dma_start3A_177 = tpu.memref_slice %arg2[%dma_start3A_175, %dma_start3A_176] : memref<40000x128xf32, #tpu.memory_space<hbm>> -> memref<40000x128xf32, #tpu.memory_space<hbm>>
        tpu.enqueue_indirect_dma source(%dma_start3A_177 : memref<40000x128xf32, #tpu.memory_space<hbm>>) target(%arg13 : memref<40x128xf32, #tpu.memory_space<vmem>>) offsets(%dma_start3A_174 : memref<40xi32, #tpu.memory_space<vmem>>) semaphore(%arg18 : memref<!tpu.dma_semaphore, #tpu.memory_space<semaphore_mem>>)
      } else {
      }
      %mul3A_78 = arith.constant 5 : i32
      %mul3A_79 = arith.muli %scan3A_59, %mul3A_78 : i32
      %add3A_80 = arith.constant 1 : i32
      %add3A_81 = arith.addi %mul3A_79, %add3A_80 : i32
      %mul3A_82 = arith.constant 40 : i32
      %mul3A_83 = arith.muli %add3A_81, %mul3A_82 : i32
      %multiple_of3A_84 = tpu.assume_multiple %mul3A_83, 8 : i32
      %dma_wait3A_85 = arith.constant 0 : i32
      %dma_wait3A_86 = tpu.memref_slice %arg4[%dma_wait3A_85] : memref<320000xi32, #tpu.memory_space<hbm>> -> memref<40xi32, #tpu.memory_space<hbm>>
      %dma_wait3A_87 = arith.constant 0 : i32
      %dma_wait3A_88 = tpu.memref_slice %arg4[%dma_wait3A_87] : memref<320000xi32, #tpu.memory_space<hbm>> -> memref<40xi32, #tpu.memory_space<hbm>>
      tpu.wait_dma2 semaphore(%arg24 : memref<!tpu.dma_semaphore, #tpu.memory_space<semaphore_mem>>) src(%dma_wait3A_88 : memref<40xi32, #tpu.memory_space<hbm>>) dst(%arg9 : memref<40xi32, #tpu.memory_space<vmem>>)
      %dma_wait3A_89 = tpu.memref_slice %arg7[%multiple_of3A_84] : memref<10000xi32, #tpu.memory_space<vmem>> -> memref<40xi32, #tpu.memory_space<vmem>>
      %dma_wait3A_90 = arith.constant 0 : i32
      %dma_wait3A_91 = arith.constant 0 : i32
      %dma_wait3A_92 = tpu.memref_slice %arg2[%dma_wait3A_90, %dma_wait3A_91] : memref<40000x128xf32, #tpu.memory_space<hbm>> -> memref<40000x128xf32, #tpu.memory_space<hbm>>
      tpu.wait_indirect_dma semaphore(%arg19 : memref<!tpu.dma_semaphore, #tpu.memory_space<semaphore_mem>>) src(%dma_wait3A_92 : memref<40000x128xf32, #tpu.memory_space<hbm>>) dst(%arg14 : memref<40x128xf32, #tpu.memory_space<vmem>>)
      "tpu.region"() ({
        %run_scoped3A = tpu.sem_alloc : memref<!tpu.dma_semaphore, #tpu.memory_space<semaphore_mem>>
        %dma_start3A_166 = arith.constant 0 : i32
        %dma_start3A_167 = arith.constant 0 : i32
        %dma_start3A_168 = tpu.memref_slice %arg28[%dma_start3A_166, %dma_start3A_167] : memref<10240x128xf32, #tpu.memory_space<vmem_shared>> -> memref<10240x128xf32, #tpu.memory_space<vmem_shared>>
        tpu.enqueue_indirect_dma source(%arg14 : memref<40x128xf32, #tpu.memory_space<vmem>>) target(%dma_start3A_168 : memref<10240x128xf32, #tpu.memory_space<vmem_shared>>) offsets(%arg9 : memref<40xi32, #tpu.memory_space<vmem>>) semaphore(%run_scoped3A : memref<!tpu.dma_semaphore, #tpu.memory_space<semaphore_mem>>) {add = true}
        %dma_wait3A_169 = arith.constant 0 : i32
        %dma_wait3A_170 = arith.constant 0 : i32
        %dma_wait3A_171 = tpu.memref_slice %arg28[%dma_wait3A_169, %dma_wait3A_170] : memref<10240x128xf32, #tpu.memory_space<vmem_shared>> -> memref<10240x128xf32, #tpu.memory_space<vmem_shared>>
        tpu.wait_indirect_dma semaphore(%run_scoped3A : memref<!tpu.dma_semaphore, #tpu.memory_space<semaphore_mem>>) src(%arg14 : memref<40x128xf32, #tpu.memory_space<vmem>>) dst(%dma_wait3A_171 : memref<10240x128xf32, #tpu.memory_space<vmem_shared>>)
        tpu.yield
      }) : () -> ()
      %add3A_93 = arith.constant 5 : i32
      %add3A_94 = arith.addi %add3A_81, %add3A_93 : i32
      %lt3A_95 = arith.constant 250 : i32
      %lt3A_96 = arith.cmpi slt, %add3A_94, %lt3A_95 : i32
      %convert_element_type3A_97 = arith.extui %lt3A_96 : i1 to i32
      %cond3A_98 = arith.constant 0 : i32
      %cond3A_99 = arith.cmpi ne, %convert_element_type3A_97, %cond3A_98 : i32
      scf.if %cond3A_99 {
        %add3A_166 = arith.constant 5 : i32
        %add3A_167 = arith.addi %add3A_81, %add3A_166 : i32
        %mul3A_168 = arith.constant 40 : i32
        %mul3A_169 = arith.muli %add3A_167, %mul3A_168 : i32
        %multiple_of3A_170 = tpu.assume_multiple %mul3A_169, 8 : i32
        %add3A_171 = arith.addi %mul3A_4, %multiple_of3A_170 : i32
        %dma_start3A_172 = tpu.memref_slice %arg4[%add3A_171] : memref<320000xi32, #tpu.memory_space<hbm>> -> memref<40xi32, #tpu.memory_space<hbm>>
        %dma_start3A_173 = tpu.memref_slice %arg4[%add3A_171] : memref<320000xi32, #tpu.memory_space<hbm>> -> memref<40xi32, #tpu.memory_space<hbm>>
        tpu.enqueue_dma source(%dma_start3A_173 : memref<40xi32, #tpu.memory_space<hbm>>) target(%arg9 : memref<40xi32, #tpu.memory_space<vmem>>) target_semaphore(%arg24 : memref<!tpu.dma_semaphore, #tpu.memory_space<semaphore_mem>>)
        %dma_start3A_174 = tpu.memref_slice %arg7[%multiple_of3A_170] : memref<10000xi32, #tpu.memory_space<vmem>> -> memref<40xi32, #tpu.memory_space<vmem>>
        %dma_start3A_175 = arith.constant 0 : i32
        %dma_start3A_176 = arith.constant 0 : i32
        %dma_start3A_177 = tpu.memref_slice %arg2[%dma_start3A_175, %dma_start3A_176] : memref<40000x128xf32, #tpu.memory_space<hbm>> -> memref<40000x128xf32, #tpu.memory_space<hbm>>
        tpu.enqueue_indirect_dma source(%dma_start3A_177 : memref<40000x128xf32, #tpu.memory_space<hbm>>) target(%arg14 : memref<40x128xf32, #tpu.memory_space<vmem>>) offsets(%dma_start3A_174 : memref<40xi32, #tpu.memory_space<vmem>>) semaphore(%arg19 : memref<!tpu.dma_semaphore, #tpu.memory_space<semaphore_mem>>)
      } else {
      }
      %mul3A_100 = arith.constant 5 : i32
      %mul3A_101 = arith.muli %scan3A_59, %mul3A_100 : i32
      %add3A_102 = arith.constant 2 : i32
      %add3A_103 = arith.addi %mul3A_101, %add3A_102 : i32
      %mul3A_104 = arith.constant 40 : i32
      %mul3A_105 = arith.muli %add3A_103, %mul3A_104 : i32
      %multiple_of3A_106 = tpu.assume_multiple %mul3A_105, 8 : i32
      %dma_wait3A_107 = arith.constant 0 : i32
      %dma_wait3A_108 = tpu.memref_slice %arg4[%dma_wait3A_107] : memref<320000xi32, #tpu.memory_space<hbm>> -> memref<40xi32, #tpu.memory_space<hbm>>
      %dma_wait3A_109 = arith.constant 0 : i32
      %dma_wait3A_110 = tpu.memref_slice %arg4[%dma_wait3A_109] : memref<320000xi32, #tpu.memory_space<hbm>> -> memref<40xi32, #tpu.memory_space<hbm>>
      tpu.wait_dma2 semaphore(%arg25 : memref<!tpu.dma_semaphore, #tpu.memory_space<semaphore_mem>>) src(%dma_wait3A_110 : memref<40xi32, #tpu.memory_space<hbm>>) dst(%arg10 : memref<40xi32, #tpu.memory_space<vmem>>)
      %dma_wait3A_111 = tpu.memref_slice %arg7[%multiple_of3A_106] : memref<10000xi32, #tpu.memory_space<vmem>> -> memref<40xi32, #tpu.memory_space<vmem>>
      %dma_wait3A_112 = arith.constant 0 : i32
      %dma_wait3A_113 = arith.constant 0 : i32
      %dma_wait3A_114 = tpu.memref_slice %arg2[%dma_wait3A_112, %dma_wait3A_113] : memref<40000x128xf32, #tpu.memory_space<hbm>> -> memref<40000x128xf32, #tpu.memory_space<hbm>>
      tpu.wait_indirect_dma semaphore(%arg20 : memref<!tpu.dma_semaphore, #tpu.memory_space<semaphore_mem>>) src(%dma_wait3A_114 : memref<40000x128xf32, #tpu.memory_space<hbm>>) dst(%arg15 : memref<40x128xf32, #tpu.memory_space<vmem>>)
      "tpu.region"() ({
        %run_scoped3A = tpu.sem_alloc : memref<!tpu.dma_semaphore, #tpu.memory_space<semaphore_mem>>
        %dma_start3A_166 = arith.constant 0 : i32
        %dma_start3A_167 = arith.constant 0 : i32
        %dma_start3A_168 = tpu.memref_slice %arg28[%dma_start3A_166, %dma_start3A_167] : memref<10240x128xf32, #tpu.memory_space<vmem_shared>> -> memref<10240x128xf32, #tpu.memory_space<vmem_shared>>
        tpu.enqueue_indirect_dma source(%arg15 : memref<40x128xf32, #tpu.memory_space<vmem>>) target(%dma_start3A_168 : memref<10240x128xf32, #tpu.memory_space<vmem_shared>>) offsets(%arg10 : memref<40xi32, #tpu.memory_space<vmem>>) semaphore(%run_scoped3A : memref<!tpu.dma_semaphore, #tpu.memory_space<semaphore_mem>>) {add = true}
        %dma_wait3A_169 = arith.constant 0 : i32
        %dma_wait3A_170 = arith.constant 0 : i32
        %dma_wait3A_171 = tpu.memref_slice %arg28[%dma_wait3A_169, %dma_wait3A_170] : memref<10240x128xf32, #tpu.memory_space<vmem_shared>> -> memref<10240x128xf32, #tpu.memory_space<vmem_shared>>
        tpu.wait_indirect_dma semaphore(%run_scoped3A : memref<!tpu.dma_semaphore, #tpu.memory_space<semaphore_mem>>) src(%arg15 : memref<40x128xf32, #tpu.memory_space<vmem>>) dst(%dma_wait3A_171 : memref<10240x128xf32, #tpu.memory_space<vmem_shared>>)
        tpu.yield
      }) : () -> ()
      %add3A_115 = arith.constant 5 : i32
      %add3A_116 = arith.addi %add3A_103, %add3A_115 : i32
      %lt3A_117 = arith.constant 250 : i32
      %lt3A_118 = arith.cmpi slt, %add3A_116, %lt3A_117 : i32
      %convert_element_type3A_119 = arith.extui %lt3A_118 : i1 to i32
      %cond3A_120 = arith.constant 0 : i32
      %cond3A_121 = arith.cmpi ne, %convert_element_type3A_119, %cond3A_120 : i32
      scf.if %cond3A_121 {
        %add3A_166 = arith.constant 5 : i32
        %add3A_167 = arith.addi %add3A_103, %add3A_166 : i32
        %mul3A_168 = arith.constant 40 : i32
        %mul3A_169 = arith.muli %add3A_167, %mul3A_168 : i32
        %multiple_of3A_170 = tpu.assume_multiple %mul3A_169, 8 : i32
        %add3A_171 = arith.addi %mul3A_4, %multiple_of3A_170 : i32
        %dma_start3A_172 = tpu.memref_slice %arg4[%add3A_171] : memref<320000xi32, #tpu.memory_space<hbm>> -> memref<40xi32, #tpu.memory_space<hbm>>
        %dma_start3A_173 = tpu.memref_slice %arg4[%add3A_171] : memref<320000xi32, #tpu.memory_space<hbm>> -> memref<40xi32, #tpu.memory_space<hbm>>
        tpu.enqueue_dma source(%dma_start3A_173 : memref<40xi32, #tpu.memory_space<hbm>>) target(%arg10 : memref<40xi32, #tpu.memory_space<vmem>>) target_semaphore(%arg25 : memref<!tpu.dma_semaphore, #tpu.memory_space<semaphore_mem>>)
        %dma_start3A_174 = tpu.memref_slice %arg7[%multiple_of3A_170] : memref<10000xi32, #tpu.memory_space<vmem>> -> memref<40xi32, #tpu.memory_space<vmem>>
        %dma_start3A_175 = arith.constant 0 : i32
        %dma_start3A_176 = arith.constant 0 : i32
        %dma_start3A_177 = tpu.memref_slice %arg2[%dma_start3A_175, %dma_start3A_176] : memref<40000x128xf32, #tpu.memory_space<hbm>> -> memref<40000x128xf32, #tpu.memory_space<hbm>>
        tpu.enqueue_indirect_dma source(%dma_start3A_177 : memref<40000x128xf32, #tpu.memory_space<hbm>>) target(%arg15 : memref<40x128xf32, #tpu.memory_space<vmem>>) offsets(%dma_start3A_174 : memref<40xi32, #tpu.memory_space<vmem>>) semaphore(%arg20 : memref<!tpu.dma_semaphore, #tpu.memory_space<semaphore_mem>>)
      } else {
      }
      %mul3A_122 = arith.constant 5 : i32
      %mul3A_123 = arith.muli %scan3A_59, %mul3A_122 : i32
      %add3A_124 = arith.constant 3 : i32
      %add3A_125 = arith.addi %mul3A_123, %add3A_124 : i32
      %mul3A_126 = arith.constant 40 : i32
      %mul3A_127 = arith.muli %add3A_125, %mul3A_126 : i32
      %multiple_of3A_128 = tpu.assume_multiple %mul3A_127, 8 : i32
      %dma_wait3A_129 = arith.constant 0 : i32
      %dma_wait3A_130 = tpu.memref_slice %arg4[%dma_wait3A_129] : memref<320000xi32, #tpu.memory_space<hbm>> -> memref<40xi32, #tpu.memory_space<hbm>>
      %dma_wait3A_131 = arith.constant 0 : i32
      %dma_wait3A_132 = tpu.memref_slice %arg4[%dma_wait3A_131] : memref<320000xi32, #tpu.memory_space<hbm>> -> memref<40xi32, #tpu.memory_space<hbm>>
      tpu.wait_dma2 semaphore(%arg26 : memref<!tpu.dma_semaphore, #tpu.memory_space<semaphore_mem>>) src(%dma_wait3A_132 : memref<40xi32, #tpu.memory_space<hbm>>) dst(%arg11 : memref<40xi32, #tpu.memory_space<vmem>>)
      %dma_wait3A_133 = tpu.memref_slice %arg7[%multiple_of3A_128] : memref<10000xi32, #tpu.memory_space<vmem>> -> memref<40xi32, #tpu.memory_space<vmem>>
      %dma_wait3A_134 = arith.constant 0 : i32
      %dma_wait3A_135 = arith.constant 0 : i32
      %dma_wait3A_136 = tpu.memref_slice %arg2[%dma_wait3A_134, %dma_wait3A_135] : memref<40000x128xf32, #tpu.memory_space<hbm>> -> memref<40000x128xf32, #tpu.memory_space<hbm>>
      tpu.wait_indirect_dma semaphore(%arg21 : memref<!tpu.dma_semaphore, #tpu.memory_space<semaphore_mem>>) src(%dma_wait3A_136 : memref<40000x128xf32, #tpu.memory_space<hbm>>) dst(%arg16 : memref<40x128xf32, #tpu.memory_space<vmem>>)
      "tpu.region"() ({
        %run_scoped3A = tpu.sem_alloc : memref<!tpu.dma_semaphore, #tpu.memory_space<semaphore_mem>>
        %dma_start3A_166 = arith.constant 0 : i32
        %dma_start3A_167 = arith.constant 0 : i32
        %dma_start3A_168 = tpu.memref_slice %arg28[%dma_start3A_166, %dma_start3A_167] : memref<10240x128xf32, #tpu.memory_space<vmem_shared>> -> memref<10240x128xf32, #tpu.memory_space<vmem_shared>>
        tpu.enqueue_indirect_dma source(%arg16 : memref<40x128xf32, #tpu.memory_space<vmem>>) target(%dma_start3A_168 : memref<10240x128xf32, #tpu.memory_space<vmem_shared>>) offsets(%arg11 : memref<40xi32, #tpu.memory_space<vmem>>) semaphore(%run_scoped3A : memref<!tpu.dma_semaphore, #tpu.memory_space<semaphore_mem>>) {add = true}
        %dma_wait3A_169 = arith.constant 0 : i32
        %dma_wait3A_170 = arith.constant 0 : i32
        %dma_wait3A_171 = tpu.memref_slice %arg28[%dma_wait3A_169, %dma_wait3A_170] : memref<10240x128xf32, #tpu.memory_space<vmem_shared>> -> memref<10240x128xf32, #tpu.memory_space<vmem_shared>>
        tpu.wait_indirect_dma semaphore(%run_scoped3A : memref<!tpu.dma_semaphore, #tpu.memory_space<semaphore_mem>>) src(%arg16 : memref<40x128xf32, #tpu.memory_space<vmem>>) dst(%dma_wait3A_171 : memref<10240x128xf32, #tpu.memory_space<vmem_shared>>)
        tpu.yield
      }) : () -> ()
      %add3A_137 = arith.constant 5 : i32
      %add3A_138 = arith.addi %add3A_125, %add3A_137 : i32
      %lt3A_139 = arith.constant 250 : i32
      %lt3A_140 = arith.cmpi slt, %add3A_138, %lt3A_139 : i32
      %convert_element_type3A_141 = arith.extui %lt3A_140 : i1 to i32
      %cond3A_142 = arith.constant 0 : i32
      %cond3A_143 = arith.cmpi ne, %convert_element_type3A_141, %cond3A_142 : i32
      scf.if %cond3A_143 {
        %add3A_166 = arith.constant 5 : i32
        %add3A_167 = arith.addi %add3A_125, %add3A_166 : i32
        %mul3A_168 = arith.constant 40 : i32
        %mul3A_169 = arith.muli %add3A_167, %mul3A_168 : i32
        %multiple_of3A_170 = tpu.assume_multiple %mul3A_169, 8 : i32
        %add3A_171 = arith.addi %mul3A_4, %multiple_of3A_170 : i32
        %dma_start3A_172 = tpu.memref_slice %arg4[%add3A_171] : memref<320000xi32, #tpu.memory_space<hbm>> -> memref<40xi32, #tpu.memory_space<hbm>>
        %dma_start3A_173 = tpu.memref_slice %arg4[%add3A_171] : memref<320000xi32, #tpu.memory_space<hbm>> -> memref<40xi32, #tpu.memory_space<hbm>>
        tpu.enqueue_dma source(%dma_start3A_173 : memref<40xi32, #tpu.memory_space<hbm>>) target(%arg11 : memref<40xi32, #tpu.memory_space<vmem>>) target_semaphore(%arg26 : memref<!tpu.dma_semaphore, #tpu.memory_space<semaphore_mem>>)
        %dma_start3A_174 = tpu.memref_slice %arg7[%multiple_of3A_170] : memref<10000xi32, #tpu.memory_space<vmem>> -> memref<40xi32, #tpu.memory_space<vmem>>
        %dma_start3A_175 = arith.constant 0 : i32
        %dma_start3A_176 = arith.constant 0 : i32
        %dma_start3A_177 = tpu.memref_slice %arg2[%dma_start3A_175, %dma_start3A_176] : memref<40000x128xf32, #tpu.memory_space<hbm>> -> memref<40000x128xf32, #tpu.memory_space<hbm>>
        tpu.enqueue_indirect_dma source(%dma_start3A_177 : memref<40000x128xf32, #tpu.memory_space<hbm>>) target(%arg16 : memref<40x128xf32, #tpu.memory_space<vmem>>) offsets(%dma_start3A_174 : memref<40xi32, #tpu.memory_space<vmem>>) semaphore(%arg21 : memref<!tpu.dma_semaphore, #tpu.memory_space<semaphore_mem>>)
      } else {
      }
      %mul3A_144 = arith.constant 5 : i32
      %mul3A_145 = arith.muli %scan3A_59, %mul3A_144 : i32
      %add3A_146 = arith.constant 4 : i32
      %add3A_147 = arith.addi %mul3A_145, %add3A_146 : i32
      %mul3A_148 = arith.constant 40 : i32
      %mul3A_149 = arith.muli %add3A_147, %mul3A_148 : i32
      %multiple_of3A_150 = tpu.assume_multiple %mul3A_149, 8 : i32
      %dma_wait3A_151 = arith.constant 0 : i32
      %dma_wait3A_152 = tpu.memref_slice %arg4[%dma_wait3A_151] : memref<320000xi32, #tpu.memory_space<hbm>> -> memref<40xi32, #tpu.memory_space<hbm>>
      %dma_wait3A_153 = arith.constant 0 : i32
      %dma_wait3A_154 = tpu.memref_slice %arg4[%dma_wait3A_153] : memref<320000xi32, #tpu.memory_space<hbm>> -> memref<40xi32, #tpu.memory_space<hbm>>
      tpu.wait_dma2 semaphore(%arg27 : memref<!tpu.dma_semaphore, #tpu.memory_space<semaphore_mem>>) src(%dma_wait3A_154 : memref<40xi32, #tpu.memory_space<hbm>>) dst(%arg12 : memref<40xi32, #tpu.memory_space<vmem>>)
      %dma_wait3A_155 = tpu.memref_slice %arg7[%multiple_of3A_150] : memref<10000xi32, #tpu.memory_space<vmem>> -> memref<40xi32, #tpu.memory_space<vmem>>
      %dma_wait3A_156 = arith.constant 0 : i32
      %dma_wait3A_157 = arith.constant 0 : i32
      %dma_wait3A_158 = tpu.memref_slice %arg2[%dma_wait3A_156, %dma_wait3A_157] : memref<40000x128xf32, #tpu.memory_space<hbm>> -> memref<40000x128xf32, #tpu.memory_space<hbm>>
      tpu.wait_indirect_dma semaphore(%arg22 : memref<!tpu.dma_semaphore, #tpu.memory_space<semaphore_mem>>) src(%dma_wait3A_158 : memref<40000x128xf32, #tpu.memory_space<hbm>>) dst(%arg17 : memref<40x128xf32, #tpu.memory_space<vmem>>)
      "tpu.region"() ({
        %run_scoped3A = tpu.sem_alloc : memref<!tpu.dma_semaphore, #tpu.memory_space<semaphore_mem>>
        %dma_start3A_166 = arith.constant 0 : i32
        %dma_start3A_167 = arith.constant 0 : i32
        %dma_start3A_168 = tpu.memref_slice %arg28[%dma_start3A_166, %dma_start3A_167] : memref<10240x128xf32, #tpu.memory_space<vmem_shared>> -> memref<10240x128xf32, #tpu.memory_space<vmem_shared>>
        tpu.enqueue_indirect_dma source(%arg17 : memref<40x128xf32, #tpu.memory_space<vmem>>) target(%dma_start3A_168 : memref<10240x128xf32, #tpu.memory_space<vmem_shared>>) offsets(%arg12 : memref<40xi32, #tpu.memory_space<vmem>>) semaphore(%run_scoped3A : memref<!tpu.dma_semaphore, #tpu.memory_space<semaphore_mem>>) {add = true}
        %dma_wait3A_169 = arith.constant 0 : i32
        %dma_wait3A_170 = arith.constant 0 : i32
        %dma_wait3A_171 = tpu.memref_slice %arg28[%dma_wait3A_169, %dma_wait3A_170] : memref<10240x128xf32, #tpu.memory_space<vmem_shared>> -> memref<10240x128xf32, #tpu.memory_space<vmem_shared>>
        tpu.wait_indirect_dma semaphore(%run_scoped3A : memref<!tpu.dma_semaphore, #tpu.memory_space<semaphore_mem>>) src(%arg17 : memref<40x128xf32, #tpu.memory_space<vmem>>) dst(%dma_wait3A_171 : memref<10240x128xf32, #tpu.memory_space<vmem_shared>>)
        tpu.yield
      }) : () -> ()
      %add3A_159 = arith.constant 5 : i32
      %add3A_160 = arith.addi %add3A_147, %add3A_159 : i32
      %lt3A_161 = arith.constant 250 : i32
      %lt3A_162 = arith.cmpi slt, %add3A_160, %lt3A_161 : i32
      %convert_element_type3A_163 = arith.extui %lt3A_162 : i1 to i32
      %cond3A_164 = arith.constant 0 : i32
      %cond3A_165 = arith.cmpi ne, %convert_element_type3A_163, %cond3A_164 : i32
      scf.if %cond3A_165 {
        %add3A_166 = arith.constant 5 : i32
        %add3A_167 = arith.addi %add3A_147, %add3A_166 : i32
        %mul3A_168 = arith.constant 40 : i32
        %mul3A_169 = arith.muli %add3A_167, %mul3A_168 : i32
        %multiple_of3A_170 = tpu.assume_multiple %mul3A_169, 8 : i32
        %add3A_171 = arith.addi %mul3A_4, %multiple_of3A_170 : i32
        %dma_start3A_172 = tpu.memref_slice %arg4[%add3A_171] : memref<320000xi32, #tpu.memory_space<hbm>> -> memref<40xi32, #tpu.memory_space<hbm>>
        %dma_start3A_173 = tpu.memref_slice %arg4[%add3A_171] : memref<320000xi32, #tpu.memory_space<hbm>> -> memref<40xi32, #tpu.memory_space<hbm>>
        tpu.enqueue_dma source(%dma_start3A_173 : memref<40xi32, #tpu.memory_space<hbm>>) target(%arg12 : memref<40xi32, #tpu.memory_space<vmem>>) target_semaphore(%arg27 : memref<!tpu.dma_semaphore, #tpu.memory_space<semaphore_mem>>)
        %dma_start3A_174 = tpu.memref_slice %arg7[%multiple_of3A_170] : memref<10000xi32, #tpu.memory_space<vmem>> -> memref<40xi32, #tpu.memory_space<vmem>>
        %dma_start3A_175 = arith.constant 0 : i32
        %dma_start3A_176 = arith.constant 0 : i32
        %dma_start3A_177 = tpu.memref_slice %arg2[%dma_start3A_175, %dma_start3A_176] : memref<40000x128xf32, #tpu.memory_space<hbm>> -> memref<40000x128xf32, #tpu.memory_space<hbm>>
        tpu.enqueue_indirect_dma source(%dma_start3A_177 : memref<40000x128xf32, #tpu.memory_space<hbm>>) target(%arg17 : memref<40x128xf32, #tpu.memory_space<vmem>>) offsets(%dma_start3A_174 : memref<40xi32, #tpu.memory_space<vmem>>) semaphore(%arg22 : memref<!tpu.dma_semaphore, #tpu.memory_space<semaphore_mem>>)
      } else {
      }
    }
    %scan3A_52 = arith.constant 50 : i32
    %barrier3A_53 = arith.constant 0 : index
    tpu.barrier barrier_id(%barrier3A_53)
    %mul3A_54 = arith.constant 10240 : i32
    %mul3A_55 = arith.muli %arg0, %mul3A_54 : i32
    %mul3A_56 = arith.constant 640 : i32
    %mul3A_57 = arith.muli %arg1, %mul3A_56 : i32
    %add3A_58 = arith.addi %mul3A_55, %mul3A_57 : i32
    "tpu.region"() ({
      %run_scoped3A = tpu.sem_alloc : memref<!tpu.dma_semaphore, #tpu.memory_space<semaphore_mem>>
      %dma_start3A_59 = arith.constant 0 : i32
      %dma_start3A_60 = tpu.memref_slice %arg6[%add3A_58, %dma_start3A_59] : memref<20480x128xf32, #tpu.memory_space<hbm>> -> memref<640x128xf32, #tpu.memory_space<hbm>>
      %dma_start3A_61 = arith.constant 0 : i32
      %dma_start3A_62 = tpu.memref_slice %arg28[%mul3A_0, %dma_start3A_61] : memref<10240x128xf32, #tpu.memory_space<vmem_shared>> -> memref<640x128xf32, #tpu.memory_space<vmem_shared>>
      tpu.enqueue_dma source(%dma_start3A_62 : memref<640x128xf32, #tpu.memory_space<vmem_shared>>) target(%dma_start3A_60 : memref<640x128xf32, #tpu.memory_space<hbm>>) target_semaphore(%run_scoped3A : memref<!tpu.dma_semaphore, #tpu.memory_space<semaphore_mem>>)
      %dma_wait3A = arith.constant 0 : i32
      %dma_wait3A_63 = tpu.memref_slice %arg6[%add3A_58, %dma_wait3A] : memref<20480x128xf32, #tpu.memory_space<hbm>> -> memref<640x128xf32, #tpu.memory_space<hbm>>
      %dma_wait3A_64 = arith.constant 0 : i32
      %dma_wait3A_65 = tpu.memref_slice %arg28[%mul3A_0, %dma_wait3A_64] : memref<10240x128xf32, #tpu.memory_space<vmem_shared>> -> memref<640x128xf32, #tpu.memory_space<vmem_shared>>
      tpu.wait_dma2 semaphore(%run_scoped3A : memref<!tpu.dma_semaphore, #tpu.memory_space<semaphore_mem>>) src(%dma_wait3A_65 : memref<640x128xf32, #tpu.memory_space<vmem_shared>>) dst(%dma_wait3A_63 : memref<640x128xf32, #tpu.memory_space<hbm>>)
      tpu.yield
    }) : () -> ()
    return
  }
}

module attributes {stable_mosaic.version = 14 : i64} {
  func.func @_tc_table_body(%arg0: i32, %arg1: memref<2000x128xf32, #tpu.memory_space<vmem>>, %arg2: memref<128x512xf32, #tpu.memory_space<vmem>>, %arg3: memref<1x512xf32, #tpu.memory_space<vmem>>, %arg4: memref<2000x512xf32, #tpu.memory_space<vmem>>) attributes {dimension_semantics = [#tpu.dimension_semantics<arbitrary>], iteration_bounds = array<i64: 5>, scalar_prefetch = 0 : i64, scratch_operands = 0 : i64, tpu.core_type = #tpu.core_type<tc>, window_params = [{transform_indices = @transform_0, window_bounds = array<i64: 2000, 128>}, {pipeline_mode = #tpu.pipeline_mode<synchronous>, transform_indices = @transform_1, window_bounds = array<i64: 128, 512>}, {pipeline_mode = #tpu.pipeline_mode<synchronous>, transform_indices = @transform_2, window_bounds = array<i64: 1, 512>}, {transform_indices = @transform_3, window_bounds = array<i64: 2000, 512>}]} {
    %get3A = arith.constant 0 : index
    %get3A_0 = arith.constant 0 : index
    %get3A_1 = vector.load %arg1[%get3A, %get3A_0] : memref<2000x128xf32, #tpu.memory_space<vmem>>, vector<2000x128xf32>
    %get3A_2 = arith.constant 0 : index
    %get3A_3 = arith.constant 0 : index
    %get3A_4 = vector.load %arg2[%get3A_2, %get3A_3] : memref<128x512xf32, #tpu.memory_space<vmem>>, vector<128x512xf32>
    %dot_general3A = arith.constant dense<0.000000e+00> : vector<2000x512xf32>
    %dot_general3A_5 = tpu.matmul %get3A_1, %get3A_4, %dot_general3A {dimension_numbers = #tpu.dot_dimension_numbers<[1], [0], [0], [1], [0, 0, 1, 1], [], []>, transpose_lhs_hint = false} : vector<2000x128xf32>, vector<128x512xf32>, vector<2000x512xf32> -> vector<2000x512xf32>
    %get3A_6 = arith.constant 0 : index
    %get3A_7 = arith.constant 0 : index
    %get3A_8 = vector.load %arg3[%get3A_6, %get3A_7] : memref<1x512xf32, #tpu.memory_space<vmem>>, vector<1x512xf32>
    %add3A = vector.broadcast %get3A_8 : vector<1x512xf32> to vector<2000x512xf32>
    %add3A_9 = arith.addf %dot_general3A_5, %add3A : vector<2000x512xf32>
    %swap3A = arith.constant 0 : index
    %swap3A_10 = arith.constant 0 : index
    %swap3A_11 = vector.load %arg4[%swap3A, %swap3A_10] : memref<2000x512xf32, #tpu.memory_space<vmem>>, vector<2000x512xf32>
    tpu.vector_store %arg4[%swap3A, %swap3A_10], %add3A_9 {strides = array<i32>} : memref<2000x512xf32, #tpu.memory_space<vmem>>, vector<2000x512xf32>,
    return
  }
  func.func @transform_0(%arg0: i32) -> (i32, i32) {
    %c0_i32 = arith.constant 0 : i32
    %c0_i32_0 = arith.constant 0 : i32
    return %arg0, %c0_i32 : i32, i32
  }
  func.func @transform_1(%arg0: i32) -> (i32, i32) {
    %c0_i32 = arith.constant 0 : i32
    %c0_i32_0 = arith.constant 0 : i32
    %c0_i32_1 = arith.constant 0 : i32
    return %c0_i32, %c0_i32_0 : i32, i32
  }
  func.func @transform_2(%arg0: i32) -> (i32, i32) {
    %c0_i32 = arith.constant 0 : i32
    %c0_i32_0 = arith.constant 0 : i32
    %c0_i32_1 = arith.constant 0 : i32
    return %c0_i32, %c0_i32_0 : i32, i32
  }
  func.func @transform_3(%arg0: i32) -> (i32, i32) {
    %c0_i32 = arith.constant 0 : i32
    %c0_i32_0 = arith.constant 0 : i32
    return %arg0, %c0_i32 : i32, i32
  }
}

module attributes {stable_mosaic.version = 14 : i64} {
  func.func @_tc_gru_body(%arg0: i32, %arg1: memref<2x2000x128xf32, #tpu.memory_space<vmem>>, %arg2: memref<2000x128xf32, #tpu.memory_space<vmem>>, %arg3: memref<128x384xf32, #tpu.memory_space<vmem>>, %arg4: memref<128x384xf32, #tpu.memory_space<vmem>>, %arg5: memref<2x384xf32, #tpu.memory_space<vmem>>, %arg6: memref<2000x128xf32, #tpu.memory_space<vmem>>) attributes {dimension_semantics = [#tpu.dimension_semantics<arbitrary>], iteration_bounds = array<i64: 5>, scalar_prefetch = 0 : i64, scratch_operands = 0 : i64, tpu.core_type = #tpu.core_type<tc>, window_params = [{transform_indices = @transform_0, window_bounds = array<i64: 2, 2000, 128>}, {transform_indices = @transform_1, window_bounds = array<i64: 2000, 128>}, {pipeline_mode = #tpu.pipeline_mode<synchronous>, transform_indices = @transform_2, window_bounds = array<i64: 128, 384>}, {pipeline_mode = #tpu.pipeline_mode<synchronous>, transform_indices = @transform_3, window_bounds = array<i64: 128, 384>}, {pipeline_mode = #tpu.pipeline_mode<synchronous>, transform_indices = @transform_4, window_bounds = array<i64: 2, 384>}, {transform_indices = @transform_5, window_bounds = array<i64: 2000, 128>}]} {
    %get3A = arith.constant 0 : index
    %get3A_0 = arith.constant 0 : index
    %get3A_1 = arith.constant 0 : index
    %get3A_2 = vector.load %arg1[%get3A, %get3A_0, %get3A_1] : memref<2x2000x128xf32, #tpu.memory_space<vmem>>, vector<1x2000x128xf32>
    %get3A_3 = vector.shape_cast %get3A_2 : vector<1x2000x128xf32> to vector<2000x128xf32>
    %get3A_4 = arith.constant 1 : index
    %get3A_5 = arith.constant 0 : index
    %get3A_6 = arith.constant 0 : index
    %get3A_7 = vector.load %arg1[%get3A_4, %get3A_5, %get3A_6] : memref<2x2000x128xf32, #tpu.memory_space<vmem>>, vector<1x2000x128xf32>
    %get3A_8 = vector.shape_cast %get3A_7 : vector<1x2000x128xf32> to vector<2000x128xf32>
    %add3A = arith.addf %get3A_3, %get3A_8 : vector<2000x128xf32>
    %get3A_9 = arith.constant 0 : index
    %get3A_10 = arith.constant 0 : index
    %get3A_11 = vector.load %arg2[%get3A_9, %get3A_10] : memref<2000x128xf32, #tpu.memory_space<vmem>>, vector<2000x128xf32>
    %get3A_12 = arith.constant 0 : index
    %get3A_13 = arith.constant 0 : index
    %get3A_14 = vector.load %arg3[%get3A_12, %get3A_13] : memref<128x384xf32, #tpu.memory_space<vmem>>, vector<128x384xf32>
    %dot_general3A = arith.constant dense<0.000000e+00> : vector<2000x384xf32>
    %dot_general3A_15 = tpu.matmul %add3A, %get3A_14, %dot_general3A {dimension_numbers = #tpu.dot_dimension_numbers<[1], [0], [0], [1], [0, 0, 1, 1], [], []>, transpose_lhs_hint = false} : vector<2000x128xf32>, vector<128x384xf32>, vector<2000x384xf32> -> vector<2000x384xf32>
    %get3A_16 = arith.constant 0 : index
    %get3A_17 = arith.constant 0 : index
    %get3A_18 = vector.load %arg5[%get3A_16, %get3A_17] : memref<2x384xf32, #tpu.memory_space<vmem>>, vector<1x384xf32>
    %add3A_19 = vector.broadcast %get3A_18 : vector<1x384xf32> to vector<2000x384xf32>
    %add3A_20 = arith.addf %dot_general3A_15, %add3A_19 : vector<2000x384xf32>
    %get3A_21 = arith.constant 0 : index
    %get3A_22 = arith.constant 0 : index
    %get3A_23 = vector.load %arg4[%get3A_21, %get3A_22] : memref<128x384xf32, #tpu.memory_space<vmem>>, vector<128x384xf32>
    %dot_general3A_24 = arith.constant dense<0.000000e+00> : vector<2000x384xf32>
    %dot_general3A_25 = tpu.matmul %get3A_11, %get3A_23, %dot_general3A_24 {dimension_numbers = #tpu.dot_dimension_numbers<[1], [0], [0], [1], [0, 0, 1, 1], [], []>, transpose_lhs_hint = false} : vector<2000x128xf32>, vector<128x384xf32>, vector<2000x384xf32> -> vector<2000x384xf32>
    %get3A_26 = arith.constant 1 : index
    %get3A_27 = arith.constant 0 : index
    %get3A_28 = vector.load %arg5[%get3A_26, %get3A_27] : memref<2x384xf32, #tpu.memory_space<vmem>>, vector<1x384xf32>
    %add3A_29 = vector.broadcast %get3A_28 : vector<1x384xf32> to vector<2000x384xf32>
    %add3A_30 = arith.addf %dot_general3A_25, %add3A_29 : vector<2000x384xf32>
    %slice3A = vector.extract_strided_slice %add3A_20 {offsets = [0, 0], sizes = [2000, 128], strides = [1, 1]} : vector<2000x384xf32> to vector<2000x128xf32>
    %slice3A_31 = vector.extract_strided_slice %add3A_30 {offsets = [0, 0], sizes = [2000, 128], strides = [1, 1]} : vector<2000x384xf32> to vector<2000x128xf32>
    %add3A_32 = arith.addf %slice3A, %slice3A_31 : vector<2000x128xf32>
    %logistic3A = arith.negf %add3A_32 : vector<2000x128xf32>
    %logistic3A_33 = math.exp %logistic3A : vector<2000x128xf32>
    %logistic3A_34 = arith.constant 1.000000e+00 : f32
    %logistic3A_35 = vector.broadcast %logistic3A_34 : f32 to vector<2000x128xf32>
    %logistic3A_36 = arith.addf %logistic3A_35, %logistic3A_33 : vector<2000x128xf32>
    %logistic3A_37 = arith.divf %logistic3A_35, %logistic3A_36 : vector<2000x128xf32>
    %slice3A_38 = vector.extract_strided_slice %add3A_20 {offsets = [0, 128], sizes = [2000, 128], strides = [1, 1]} : vector<2000x384xf32> to vector<2000x128xf32>
    %slice3A_39 = vector.extract_strided_slice %add3A_30 {offsets = [0, 128], sizes = [2000, 128], strides = [1, 1]} : vector<2000x384xf32> to vector<2000x128xf32>
    %add3A_40 = arith.addf %slice3A_38, %slice3A_39 : vector<2000x128xf32>
    %logistic3A_41 = arith.negf %add3A_40 : vector<2000x128xf32>
    %logistic3A_42 = math.exp %logistic3A_41 : vector<2000x128xf32>
    %logistic3A_43 = arith.constant 1.000000e+00 : f32
    %logistic3A_44 = vector.broadcast %logistic3A_43 : f32 to vector<2000x128xf32>
    %logistic3A_45 = arith.addf %logistic3A_44, %logistic3A_42 : vector<2000x128xf32>
    %logistic3A_46 = arith.divf %logistic3A_44, %logistic3A_45 : vector<2000x128xf32>
    %slice3A_47 = vector.extract_strided_slice %add3A_20 {offsets = [0, 256], sizes = [2000, 128], strides = [1, 1]} : vector<2000x384xf32> to vector<2000x128xf32>
    %slice3A_48 = vector.extract_strided_slice %add3A_30 {offsets = [0, 256], sizes = [2000, 128], strides = [1, 1]} : vector<2000x384xf32> to vector<2000x128xf32>
    %mul3A = arith.mulf %logistic3A_46, %slice3A_48 : vector<2000x128xf32>
    %add3A_49 = arith.addf %slice3A_47, %mul3A : vector<2000x128xf32>
    %tanh3A = math.tanh %add3A_49 : vector<2000x128xf32>
    %mul3A_50 = arith.mulf %logistic3A_37, %get3A_11 : vector<2000x128xf32>
    %sub3A = arith.constant 1.000000e+00 : f32
    %sub3A_51 = vector.broadcast %sub3A : f32 to vector<2000x128xf32>
    %sub3A_52 = arith.subf %sub3A_51, %logistic3A_37 : vector<2000x128xf32>
    %mul3A_53 = arith.mulf %sub3A_52, %tanh3A : vector<2000x128xf32>
    %add3A_54 = arith.addf %mul3A_50, %mul3A_53 : vector<2000x128xf32>
    %swap3A = arith.constant 0 : index
    %swap3A_55 = arith.constant 0 : index
    %swap3A_56 = vector.load %arg6[%swap3A, %swap3A_55] : memref<2000x128xf32, #tpu.memory_space<vmem>>, vector<2000x128xf32>
    tpu.vector_store %arg6[%swap3A, %swap3A_55], %add3A_54 {strides = array<i32>} : memref<2000x128xf32, #tpu.memory_space<vmem>>, vector<2000x128xf32>,
    return
  }
  func.func @transform_0(%arg0: i32) -> (i32, i32, i32) {
    %c0_i32 = arith.constant 0 : i32
    %c0_i32_0 = arith.constant 0 : i32
    %c0_i32_1 = arith.constant 0 : i32
    return %c0_i32, %arg0, %c0_i32_0 : i32, i32, i32
  }
  func.func @transform_1(%arg0: i32) -> (i32, i32) {
    %c0_i32 = arith.constant 0 : i32
    %c0_i32_0 = arith.constant 0 : i32
    return %arg0, %c0_i32 : i32, i32
  }
  func.func @transform_2(%arg0: i32) -> (i32, i32) {
    %c0_i32 = arith.constant 0 : i32
    %c0_i32_0 = arith.constant 0 : i32
    %c0_i32_1 = arith.constant 0 : i32
    return %c0_i32, %c0_i32_0 : i32, i32
  }
  func.func @transform_3(%arg0: i32) -> (i32, i32) {
    %c0_i32 = arith.constant 0 : i32
    %c0_i32_0 = arith.constant 0 : i32
    %c0_i32_1 = arith.constant 0 : i32
    return %c0_i32, %c0_i32_0 : i32, i32
  }
  func.func @transform_4(%arg0: i32) -> (i32, i32) {
    %c0_i32 = arith.constant 0 : i32
    %c0_i32_0 = arith.constant 0 : i32
    %c0_i32_1 = arith.constant 0 : i32
    return %c0_i32, %c0_i32_0 : i32, i32
  }
  func.func @transform_5(%arg0: i32) -> (i32, i32) {
    %c0_i32 = arith.constant 0 : i32
    %c0_i32_0 = arith.constant 0 : i32
    return %arg0, %c0_i32 : i32, i32
  }
}

module attributes {stable_mosaic.version = 14 : i64} {
  func.func @_tc_gru_table_body(%arg0: i32, %arg1: memref<2x2000x128xf32, #tpu.memory_space<vmem>>, %arg2: memref<2000x128xf32, #tpu.memory_space<vmem>>, %arg3: memref<128x384xf32, #tpu.memory_space<vmem>>, %arg4: memref<128x384xf32, #tpu.memory_space<vmem>>, %arg5: memref<2x384xf32, #tpu.memory_space<vmem>>, %arg6: memref<128x512xf32, #tpu.memory_space<vmem>>, %arg7: memref<1x512xf32, #tpu.memory_space<vmem>>, %arg8: memref<2000x128xf32, #tpu.memory_space<vmem>>, %arg9: memref<2000x512xf32, #tpu.memory_space<vmem>>) attributes {dimension_semantics = [#tpu.dimension_semantics<arbitrary>], iteration_bounds = array<i64: 5>, scalar_prefetch = 0 : i64, scratch_operands = 0 : i64, tpu.core_type = #tpu.core_type<tc>, window_params = [{transform_indices = @transform_0, window_bounds = array<i64: 2, 2000, 128>}, {transform_indices = @transform_1, window_bounds = array<i64: 2000, 128>}, {pipeline_mode = #tpu.pipeline_mode<synchronous>, transform_indices = @transform_2, window_bounds = array<i64: 128, 384>}, {pipeline_mode = #tpu.pipeline_mode<synchronous>, transform_indices = @transform_3, window_bounds = array<i64: 128, 384>}, {pipeline_mode = #tpu.pipeline_mode<synchronous>, transform_indices = @transform_4, window_bounds = array<i64: 2, 384>}, {pipeline_mode = #tpu.pipeline_mode<synchronous>, transform_indices = @transform_5, window_bounds = array<i64: 128, 512>}, {pipeline_mode = #tpu.pipeline_mode<synchronous>, transform_indices = @transform_6, window_bounds = array<i64: 1, 512>}, {transform_indices = @transform_7, window_bounds = array<i64: 2000, 128>}, {transform_indices = @transform_8, window_bounds = array<i64: 2000, 512>}]} {
    %get3A = arith.constant 0 : index
    %get3A_0 = arith.constant 0 : index
    %get3A_1 = arith.constant 0 : index
    %get3A_2 = vector.load %arg1[%get3A, %get3A_0, %get3A_1] : memref<2x2000x128xf32, #tpu.memory_space<vmem>>, vector<1x2000x128xf32>
    %get3A_3 = vector.shape_cast %get3A_2 : vector<1x2000x128xf32> to vector<2000x128xf32>
    %get3A_4 = arith.constant 1 : index
    %get3A_5 = arith.constant 0 : index
    %get3A_6 = arith.constant 0 : index
    %get3A_7 = vector.load %arg1[%get3A_4, %get3A_5, %get3A_6] : memref<2x2000x128xf32, #tpu.memory_space<vmem>>, vector<1x2000x128xf32>
    %get3A_8 = vector.shape_cast %get3A_7 : vector<1x2000x128xf32> to vector<2000x128xf32>
    %add3A = arith.addf %get3A_3, %get3A_8 : vector<2000x128xf32>
    %get3A_9 = arith.constant 0 : index
    %get3A_10 = arith.constant 0 : index
    %get3A_11 = vector.load %arg2[%get3A_9, %get3A_10] : memref<2000x128xf32, #tpu.memory_space<vmem>>, vector<2000x128xf32>
    %get3A_12 = arith.constant 0 : index
    %get3A_13 = arith.constant 0 : index
    %get3A_14 = vector.load %arg3[%get3A_12, %get3A_13] : memref<128x384xf32, #tpu.memory_space<vmem>>, vector<128x384xf32>
    %dot_general3A = arith.constant dense<0.000000e+00> : vector<2000x384xf32>
    %dot_general3A_15 = tpu.matmul %add3A, %get3A_14, %dot_general3A {dimension_numbers = #tpu.dot_dimension_numbers<[1], [0], [0], [1], [0, 0, 1, 1], [], []>, transpose_lhs_hint = false} : vector<2000x128xf32>, vector<128x384xf32>, vector<2000x384xf32> -> vector<2000x384xf32>
    %get3A_16 = arith.constant 0 : index
    %get3A_17 = arith.constant 0 : index
    %get3A_18 = vector.load %arg5[%get3A_16, %get3A_17] : memref<2x384xf32, #tpu.memory_space<vmem>>, vector<1x384xf32>
    %add3A_19 = vector.broadcast %get3A_18 : vector<1x384xf32> to vector<2000x384xf32>
    %add3A_20 = arith.addf %dot_general3A_15, %add3A_19 : vector<2000x384xf32>
    %get3A_21 = arith.constant 0 : index
    %get3A_22 = arith.constant 0 : index
    %get3A_23 = vector.load %arg4[%get3A_21, %get3A_22] : memref<128x384xf32, #tpu.memory_space<vmem>>, vector<128x384xf32>
    %dot_general3A_24 = arith.constant dense<0.000000e+00> : vector<2000x384xf32>
    %dot_general3A_25 = tpu.matmul %get3A_11, %get3A_23, %dot_general3A_24 {dimension_numbers = #tpu.dot_dimension_numbers<[1], [0], [0], [1], [0, 0, 1, 1], [], []>, transpose_lhs_hint = false} : vector<2000x128xf32>, vector<128x384xf32>, vector<2000x384xf32> -> vector<2000x384xf32>
    %get3A_26 = arith.constant 1 : index
    %get3A_27 = arith.constant 0 : index
    %get3A_28 = vector.load %arg5[%get3A_26, %get3A_27] : memref<2x384xf32, #tpu.memory_space<vmem>>, vector<1x384xf32>
    %add3A_29 = vector.broadcast %get3A_28 : vector<1x384xf32> to vector<2000x384xf32>
    %add3A_30 = arith.addf %dot_general3A_25, %add3A_29 : vector<2000x384xf32>
    %slice3A = vector.extract_strided_slice %add3A_20 {offsets = [0, 0], sizes = [2000, 128], strides = [1, 1]} : vector<2000x384xf32> to vector<2000x128xf32>
    %slice3A_31 = vector.extract_strided_slice %add3A_30 {offsets = [0, 0], sizes = [2000, 128], strides = [1, 1]} : vector<2000x384xf32> to vector<2000x128xf32>
    %add3A_32 = arith.addf %slice3A, %slice3A_31 : vector<2000x128xf32>
    %logistic3A = arith.negf %add3A_32 : vector<2000x128xf32>
    %logistic3A_33 = math.exp %logistic3A : vector<2000x128xf32>
    %logistic3A_34 = arith.constant 1.000000e+00 : f32
    %logistic3A_35 = vector.broadcast %logistic3A_34 : f32 to vector<2000x128xf32>
    %logistic3A_36 = arith.addf %logistic3A_35, %logistic3A_33 : vector<2000x128xf32>
    %logistic3A_37 = arith.divf %logistic3A_35, %logistic3A_36 : vector<2000x128xf32>
    %slice3A_38 = vector.extract_strided_slice %add3A_20 {offsets = [0, 128], sizes = [2000, 128], strides = [1, 1]} : vector<2000x384xf32> to vector<2000x128xf32>
    %slice3A_39 = vector.extract_strided_slice %add3A_30 {offsets = [0, 128], sizes = [2000, 128], strides = [1, 1]} : vector<2000x384xf32> to vector<2000x128xf32>
    %add3A_40 = arith.addf %slice3A_38, %slice3A_39 : vector<2000x128xf32>
    %logistic3A_41 = arith.negf %add3A_40 : vector<2000x128xf32>
    %logistic3A_42 = math.exp %logistic3A_41 : vector<2000x128xf32>
    %logistic3A_43 = arith.constant 1.000000e+00 : f32
    %logistic3A_44 = vector.broadcast %logistic3A_43 : f32 to vector<2000x128xf32>
    %logistic3A_45 = arith.addf %logistic3A_44, %logistic3A_42 : vector<2000x128xf32>
    %logistic3A_46 = arith.divf %logistic3A_44, %logistic3A_45 : vector<2000x128xf32>
    %slice3A_47 = vector.extract_strided_slice %add3A_20 {offsets = [0, 256], sizes = [2000, 128], strides = [1, 1]} : vector<2000x384xf32> to vector<2000x128xf32>
    %slice3A_48 = vector.extract_strided_slice %add3A_30 {offsets = [0, 256], sizes = [2000, 128], strides = [1, 1]} : vector<2000x384xf32> to vector<2000x128xf32>
    %mul3A = arith.mulf %logistic3A_46, %slice3A_48 : vector<2000x128xf32>
    %add3A_49 = arith.addf %slice3A_47, %mul3A : vector<2000x128xf32>
    %tanh3A = math.tanh %add3A_49 : vector<2000x128xf32>
    %mul3A_50 = arith.mulf %logistic3A_37, %get3A_11 : vector<2000x128xf32>
    %sub3A = arith.constant 1.000000e+00 : f32
    %sub3A_51 = vector.broadcast %sub3A : f32 to vector<2000x128xf32>
    %sub3A_52 = arith.subf %sub3A_51, %logistic3A_37 : vector<2000x128xf32>
    %mul3A_53 = arith.mulf %sub3A_52, %tanh3A : vector<2000x128xf32>
    %add3A_54 = arith.addf %mul3A_50, %mul3A_53 : vector<2000x128xf32>
    %swap3A = arith.constant 0 : index
    %swap3A_55 = arith.constant 0 : index
    %swap3A_56 = vector.load %arg8[%swap3A, %swap3A_55] : memref<2000x128xf32, #tpu.memory_space<vmem>>, vector<2000x128xf32>
    tpu.vector_store %arg8[%swap3A, %swap3A_55], %add3A_54 {strides = array<i32>} : memref<2000x128xf32, #tpu.memory_space<vmem>>, vector<2000x128xf32>,
    %get3A_57 = arith.constant 0 : index
    %get3A_58 = arith.constant 0 : index
    %get3A_59 = vector.load %arg6[%get3A_57, %get3A_58] : memref<128x512xf32, #tpu.memory_space<vmem>>, vector<128x512xf32>
    %dot_general3A_60 = arith.constant dense<0.000000e+00> : vector<2000x512xf32>
    %dot_general3A_61 = tpu.matmul %add3A_54, %get3A_59, %dot_general3A_60 {dimension_numbers = #tpu.dot_dimension_numbers<[1], [0], [0], [1], [0, 0, 1, 1], [], []>, transpose_lhs_hint = false} : vector<2000x128xf32>, vector<128x512xf32>, vector<2000x512xf32> -> vector<2000x512xf32>
    %get3A_62 = arith.constant 0 : index
    %get3A_63 = arith.constant 0 : index
    %get3A_64 = vector.load %arg7[%get3A_62, %get3A_63] : memref<1x512xf32, #tpu.memory_space<vmem>>, vector<1x512xf32>
    %add3A_65 = vector.broadcast %get3A_64 : vector<1x512xf32> to vector<2000x512xf32>
    %add3A_66 = arith.addf %dot_general3A_61, %add3A_65 : vector<2000x512xf32>
    %swap3A_67 = arith.constant 0 : index
    %swap3A_68 = arith.constant 0 : index
    %swap3A_69 = vector.load %arg9[%swap3A_67, %swap3A_68] : memref<2000x512xf32, #tpu.memory_space<vmem>>, vector<2000x512xf32>
    tpu.vector_store %arg9[%swap3A_67, %swap3A_68], %add3A_66 {strides = array<i32>} : memref<2000x512xf32, #tpu.memory_space<vmem>>, vector<2000x512xf32>,
    return
  }
  func.func @transform_0(%arg0: i32) -> (i32, i32, i32) {
    %c0_i32 = arith.constant 0 : i32
    %c0_i32_0 = arith.constant 0 : i32
    %c0_i32_1 = arith.constant 0 : i32
    return %c0_i32, %arg0, %c0_i32_0 : i32, i32, i32
  }
  func.func @transform_1(%arg0: i32) -> (i32, i32) {
    %c0_i32 = arith.constant 0 : i32
    %c0_i32_0 = arith.constant 0 : i32
    return %arg0, %c0_i32 : i32, i32
  }
  func.func @transform_2(%arg0: i32) -> (i32, i32) {
    %c0_i32 = arith.constant 0 : i32
    %c0_i32_0 = arith.constant 0 : i32
    %c0_i32_1 = arith.constant 0 : i32
    return %c0_i32, %c0_i32_0 : i32, i32
  }
  func.func @transform_3(%arg0: i32) -> (i32, i32) {
    %c0_i32 = arith.constant 0 : i32
    %c0_i32_0 = arith.constant 0 : i32
    %c0_i32_1 = arith.constant 0 : i32
    return %c0_i32, %c0_i32_0 : i32, i32
  }
  func.func @transform_4(%arg0: i32) -> (i32, i32) {
    %c0_i32 = arith.constant 0 : i32
    %c0_i32_0 = arith.constant 0 : i32
    %c0_i32_1 = arith.constant 0 : i32
    return %c0_i32, %c0_i32_0 : i32, i32
  }
  func.func @transform_5(%arg0: i32) -> (i32, i32) {
    %c0_i32 = arith.constant 0 : i32
    %c0_i32_0 = arith.constant 0 : i32
    %c0_i32_1 = arith.constant 0 : i32
    return %c0_i32, %c0_i32_0 : i32, i32
  }
  func.func @transform_6(%arg0: i32) -> (i32, i32) {
    %c0_i32 = arith.constant 0 : i32
    %c0_i32_0 = arith.constant 0 : i32
    %c0_i32_1 = arith.constant 0 : i32
    return %c0_i32, %c0_i32_0 : i32, i32
  }
  func.func @transform_7(%arg0: i32) -> (i32, i32) {
    %c0_i32 = arith.constant 0 : i32
    %c0_i32_0 = arith.constant 0 : i32
    return %arg0, %c0_i32 : i32, i32
  }
  func.func @transform_8(%arg0: i32) -> (i32, i32) {
    %c0_i32 = arith.constant 0 : i32
    %c0_i32_0 = arith.constant 0 : i32
    return %arg0, %c0_i32 : i32, i32
  }
}

</mosaic_0001>

<sc_bundles>
// kernel: kernel.11.cloned.1.call-start
scs
__scs_entry_jumppad:
0x0: {  	(pc) =	sbr.rel $0x88, $3  }
0x1: {  	(tag) =	ssettag $0x0;
	lr =	simm.s32 $0x1  }
0x2: {  	[smem:$0x3F9A] =	sst lr;
	_ =	strace $0xD0000000  }
0x3: {  	_ = 	snop  }
0x4: {  	_ = 	snop  }
0x5: {  	_ = 	snop  }
0x6: {  	_ = 	snop  }
0x7: {  	_ = 	snop  }
__scs_overlays_trampoline_lowered:
0x8: {  	[smem:$0x3FA9] =	sst s0  }
0x9: {  	[smem:$0x3FAA] =	sst s1  }
0xa: {  	[smem:$0x3FAB] =	sst s2  }
0xb: {  	[smem:$0x3FAC] =	sst s3  }
0xc: {  	[smem:$0x3FAD] =	sst s4  }
0xd: {  	[smem:$0x3FAE] =	sst s5  }
0xe: {  	[smem:$0x3FAF] =	sst s6  }
0xf: {  	[smem:$0x3FB0] =	sst s7  }
0x10: {  	[smem:$0x3FB1] =	sst s8  }
0x11: {  	[smem:$0x3FB2] =	sst s9;
	s0 =	simm.s32 @!p0 $0x0  }
0x12: {  	s1 =	sld [smem:$0x3F98];
	s0 =	simm.s32 @p0 $0x1  }
0x13: {  	[smem:$0x3FB3] =	sst s0;
	s0 =	simm.s32 @!p1 $0x0  }
0x14: {  	s2 =	sld [smem:$0x3F97];
	s0 =	simm.s32 @p1 $0x1  }
0x15: {  	[smem:$0x3FB4] =	sst s0;
	s0 =	simm.s32 @!p2 $0x0  }
0x16: {  	s3 =	sld [smem:$0x3FDB];
	s0 =	simm.s32 @p2 $0x1  }
0x17: {  	s4 =	simm.s32 $0x1BF5;
	[smem:$0x3FB6] =	sst s0  }
0x18: {  	s0 =	sld [smem:$0x3F99];
	_ =	swait.ge [sflag:s4], $0x0  }
0x19: {  	s7 =	sld [smem:$0x3F9A]  }
0x1a: {  	s8 =	sadd.s32 $0xFFFFE003, lr  }
0x1b: {  	s9 =	sadd.s32 $0xFFFFFEF7, lr;
	s5 =	simm.s32 $0xFFFFFFFF;
	p2 =	slt.u32 s8, $0xFFFFF086  }
0x1c: {  	p1 =	slt.u32 s9, $0xF7A;
	s5 =	simm.s32 @!p2 $0x0  }
0x1d: {  	s5 =	simm.s32 @p1 $0x1;
	p0 =	seq.s32 s7, s2  }
0x1e: {  	s7 =	smul.u32 @!p0 $0xF7A, s2;
	p2 =	seq.s32 @!p0 s5, $0x0  }
0x1f: {  	s9 =	smul.u32 $0xF7A, s1;
	s8 =	simm.s32 @!p0 $0x1BF5;
	p2 =	por !p2, p0  }
0x20: {  	[sflag:s8] =	ssyncset.s32 @!p0 $0xFFFFF086;
	s6 =	sadd.s32 @!p0 s3, s7;
	s7 =	simm.s32 @!p0 $0x108  }
0x21: {  	s3 =	sadd.s32 s3, s9;
	s6 =	sadd.s32 @!p0 $0x88, s6;
	s7 =	simm.s32 @p2 $0x1082  }
0x22: {  	[simem:s7], [sflag:s8] =	dma.local @!p0 [hbm:s6], $0xF7A  }
0x23: {  	s9 =	sor.u32 $0xD0000000, s2;
	s6 =	simm.s32 $0x108;
	_ =	swait.ge @!p0 [sflag:s8], $0x0  }
0x24: {  	s3 =	sadd.s32 $0x88, s3;
	s6 =	simm.s32 @!p1 $0x1082;
	[sflag:s4] =	ssyncset.s32 $0xFFFFF086  }
0x25: {  	[simem:s6], [sflag:s4] =	dma.local [hbm:s3], $0xF7A  }
0x26: {  	[smem:$0x3F9A] =	sst s1;
	(tag) =	ssettag s2;
	_ =	strace s9  }
0x27: {  	s1 =	sld [smem:$0x3FAA]  }
0x28: {  	s2 =	sld [smem:$0x3FAB]  }
0x29: {  	s4 =	sld [smem:$0x3FAD]  }
0x2a: {  	p0 =	seq.s32 s5, $0x0;
	s5 =	sld [smem:$0x3FAE]  }
0x2b: {  	s6 =	sld [smem:$0x3FAF]  }
0x2c: {  	s7 =	sld [smem:$0x3FB0]  }
0x2d: {  	s3 =	simm.s32 $0x108;
	s8 =	sld [smem:$0x3FB1]  }
0x2e: {  	s3 =	simm.s32 @!p0 $0x1082;
	s9 =	sld [smem:$0x3FB2]  }
0x2f: {  	lr =	sadd.s32 s0, s3;
	s0 =	sld [smem:$0x3FA9]  }
0x30: {  	s3 =	sld [smem:$0x3FAC]  }
0x31: {  	[smem:$0x3FB5] =	sst s10  }
0x32: {  	s10 =	sld [smem:$0x3FB3];
	_ =	sdelay $0x3  }
0x33: {  	p0 =	seq.s32 s10, $0x1;
	s10 =	sld [smem:$0x3FB5];
	_ =	sdelay $0x3  }
0x34: {  	[smem:$0x3FB5] =	sst s10  }
0x35: {  	s10 =	sld [smem:$0x3FB4];
	_ =	sdelay $0x3  }
0x36: {  	p1 =	seq.s32 s10, $0x1;
	s10 =	sld [smem:$0x3FB5];
	_ =	sdelay $0x3  }
0x37: {  	[smem:$0x3FB5] =	sst s10  }
0x38: {  	s10 =	sld [smem:$0x3FB6]  }
0x39: {  	_ = 	snop;
	(pc) =	sbr.ind lr, $3  }
0x3a: {  	_ = 	snop  }
0x3b: {  	_ = 	snop  }
0x3c: {  	p2 =	seq.s32 s10, $0x1;
	s10 =	sld [smem:$0x3FB5]  }
0x3d: {  	_ =	shalt  }
0x3e: {  	_ =	shalt  }
0x3f: {  	_ =	shalt  }
0x40: {  	_ =	shalt  }
0x41: {  	_ =	shalt  }
0x42: {  	_ =	shalt  }
0x43: {  	_ =	shalt  }
0x44: {  	_ =	shalt  }
0x45: {  	_ =	shalt  }
0x46: {  	_ =	shalt  }
0x47: {  	_ =	shalt  }
0x48: {  	_ =	shalt  }
0x49: {  	_ =	shalt  }
0x4a: {  	_ =	shalt  }
0x4b: {  	_ =	shalt  }
0x4c: {  	_ =	shalt  }
0x4d: {  	_ =	shalt  }
0x4e: {  	_ =	shalt  }
0x4f: {  	_ =	shalt  }
0x50: {  	_ =	shalt  }
0x51: {  	_ =	shalt  }
0x52: {  	_ =	shalt  }
0x53: {  	_ =	shalt  }
0x54: {  	_ =	shalt  }
0x55: {  	_ =	shalt  }
0x56: {  	_ =	shalt  }
0x57: {  	_ =	shalt  }
0x58: {  	_ =	shalt  }
0x59: {  	_ =	shalt  }
0x5a: {  	_ =	shalt  }
0x5b: {  	_ =	shalt  }
0x5c: {  	_ =	shalt  }
0x5d: {  	_ =	shalt  }
0x5e: {  	_ =	shalt  }
0x5f: {  	_ =	shalt  }
0x60: {  	_ =	shalt  }
0x61: {  	_ =	shalt  }
0x62: {  	_ =	shalt  }
0x63: {  	_ =	shalt  }
0x64: {  	_ =	shalt  }
0x65: {  	_ =	shalt  }
0x66: {  	_ =	shalt  }
0x67: {  	_ =	shalt  }
0x68: {  	_ =	shalt  }
0x69: {  	_ =	shalt  }
0x6a: {  	_ =	shalt  }
0x6b: {  	_ =	shalt  }
0x6c: {  	_ =	shalt  }
0x6d: {  	_ =	shalt  }
0x6e: {  	_ =	shalt  }
0x6f: {  	_ =	shalt  }
0x70: {  	_ =	shalt  }
0x71: {  	_ =	shalt  }
0x72: {  	_ =	shalt  }
0x73: {  	_ =	shalt  }
0x74: {  	_ =	shalt  }
0x75: {  	_ =	shalt  }
0x76: {  	_ =	shalt  }
0x77: {  	_ =	shalt  }
0x78: {  	_ =	shalt  }
0x79: {  	_ =	shalt  }
0x7a: {  	_ =	shalt  }
0x7b: {  	_ =	shalt  }
0x7c: {  	_ =	shalt  }
0x7d: {  	_ =	shalt  }
0x7e: {  	_ =	shalt  }
0x7f: {  	_ =	shalt  }
0x80: {  	_ =	shalt  }
0x81: {  	_ =	shalt  }
0x82: {  	_ =	shalt  }
0x83: {  	_ =	shalt  }
0x84: {  	_ =	shalt  }
0x85: {  	_ =	shalt  }
0x86: {  	_ =	shalt  }
0x87: {  	_ =	shalt  }
.Lfunc_end0:
.L_simem_size_0:
called_computation_lowered:
.L_overlay_start_0:
0x88: {  	s2 =	sld [smem:$0x3FD9]  }
0x89: {  	s3 =	sld [smem:$0x3FFE];
	_ =	sdelay $0x1  }
0x8a: {  	s1 =	srdreg.scid  }
0x8b: {  	s0 =	sand.u32 $0x1, s1  }
0x8c: {  	s17 =	sshll.u32 s0, $0xA;
	s2 =	sadd.s32 s3, s2  }
0x8d: {  	s2 =	sadd.s32 s2, s17  }
0x8e: {  	[smem:$0x3FC1] =	sst s2  }
0x8f: {  	_ = 	snop  }
0x90: {  	s2 =	sld [smem:$0x3FD0];
	(tm) =	ssettm $0x1  }
0x91: {  	s18 =	sld [smem:$0x3FFB];
	_ =	sdelay $0x3  }
0x92: {  	_ =	strace s18  }
0x93: {  	s3 =	sld [smem:$0x3FFC];
	_ =	sdelay $0x3  }
0x94: {  	_ =	strace s3  }
0x95: {  	s3 =	sld [smem:$0x3FFD];
	_ =	sdelay $0x3  }
0x96: {  	_ =	strace s3  }
0x97: {  	_ =	strace $0x8FFFFFFF  }
0x98: {  	s19 =	sld [smem:$0x3FDB];
	_ =	sdelay $0x1  }
0x99: {  	s4 =	simm.s32 $_scs_section_size  }
0x9a: {  	s5 =	simm.s32 $_size__tile_overlayer_lowered;
	s6 =	simm.s32 $_tile_overlayer_lowered  }
0x9b: {  	s22 =	simm.s32 $0x1BFF;
	s21 =	sshll.u32 s6, $0x1;
	s3 =	sadd.s32 s4, s19  }
0x9c: {  	s7 =	simm.s32 $0x0;
	s20 =	sshll.u32 s5, $0x1;
	s5 =	sadd.s32 s21, s3  }
0x9d: {  	[timem:s7], [sflag:s22] =	dma.local [hbm:s5], s20  }
0x9e: {  	_ =	swait.ge [sflag:s22], s20  }
0x9f: {  	s4 =	ssub.s32 $0x0, s20;
	[sflag:s22] =	ssyncset.done $0x0  }
0xa0: {  	[sflag:s22] =	ssyncadd.s32 s4;
	_ =	sdelay $0x1  }
0xa1: {  	s23 =	simm.s32 $0x1B8B  }
0xa2: {  	_ =	swait.ge [sflag:s23], $0x1  }
0xa3: {  	[sflag:s23] =	ssyncset.done $0x0  }
0xa4: {  	s25 =	simm.s32 $0x1B8E;
	s24 =	sld [smem:$0x3FFE];
	[sflag:s23] =	ssyncadd.s32 $0xFFFFFFFF  }
0xa5: {  	s26 =	simm.s32 $execute0_lowered;
	[smem:$0x3FD2] =	sst s25  }
0xa6: {  	s5 =	sshll.u32 s26, $0x1;
	_ =	strace $0x80000046;
	[dreg:$0x1] =	wrdreg $0xFFFFFFFF  }
0xa7: {  	s28 =	simm.s32 $_size_execute0_lowered;
	s3 =	sadd.s32 s3, s5;
	[dreg:$0x0] =	wrdreg $0x0  }
0xa8: {  	s5 =	sshll.u32 s28, $0x1;
	[dreg:$0x2] =	wrdreg s3  }
0xa9: {  	[dreg:$0x3] =	wrdreg s5  }
0xaa: {  	[dreg:$0x4] =	wrdreg $0xC0  }
0xab: {  	_ =	task [dreg:s7], $0x5FFFF  }
0xac: {  	[dreg:$0x1] =	wrdreg $0xFFFFFFFF  }
0xad: {  	[dreg:$0x0] =	wrdreg $0x60  }
0xae: {  	[dreg:$0x2] =	wrdreg s24  }
0xaf: {  	[dreg:$0x3] =	wrdreg s2  }
0xb0: {  	[dreg:$0x4] =	wrdreg $0x8E000  }
0xb1: {  	[dreg:$0x5] =	wrdreg $0x9  }
0xb2: {  	_ =	task.clear_ibuf [dreg:s7], $0x6FFFF;
	_ =	strace $0x90000046  }
0xb3: {  	s29 =	simm.s32 $0x9;
	_ =	strace $0x80000048  }
0xb4: {  	_ =	swait.ge [sflag:s29], $0x1  }
0xb5: {  	[sflag:s29] =	ssyncadd.s32 $0xFFFFFFFF  }
0xb6: {  	_ =	strace $0x90000048  }
0xb7: {  	_ =	sfence  }
0xb8: {  	s30 =	sld [smem:$0x0];
	_ =	sdelay $0x2  }
0xb9: {  	s31 =	sshll.u32 s1, $0xD;
	s1 =	sshrl.u32 s1, $0x2  }
0xba: {  	s3 =	sand.u32 $0x4000, s31;
	s1 =	sadd.s32 s1, s30  }
0xbb: {  	s0 =	sor.u32 s3, s0;
	s1 =	sshll.u32 s1, $0x11  }
0xbc: {  	s0 =	sor.u32 s1, s0  }
0xbd: {  	s0 =	sadd.s32 $0x8F2B, s0  }
0xbe: {  	[sflag:s0] =	ssyncadd.remote.s32 $0x1  }
0xbf: {  	_ =	sfence.sel $0xFFFF  }
0xc0: {  	[dreg:$0x0] =	wrdreg $0xFFFFFFFF;
	(pc) =	sbr.abs _section_cstart, $3  }
0xc1: {  	[dreg:$0x1] =	wrdreg $0xFFFFFFFF  }
0xc2: {  	_ =	task.clear_ibuf [dreg:s7], $0x2FFFF;
	_ =	strace $0x9FFFFFFF  }
0xc3: {  	(tm) =	ssettm $0x7FFFFFFF  }
tec
execute0_lowered:
.L_overlay_start_1:
0x0: {  	(tag) =	ssettag $0x1  }
0x1: {  	s1 =	rddreg [dreg:$0x0]  }
0x2: {  	s0 =	srdreg.scid;
	s14 =	rddreg [dreg:$0x1]  }
0x3: {  	s2 =	stileid.u32;
	s3 =	rddreg [dreg:$0x2];
	s21 =	simm.s32 $0x0  }
0x4: {  	s29 =	simm.s32 $0x2880;
	s31 =	simm.s32 $0x5200;
	s7 =	smul.u32 $0x2800, s2  }
0x5: {  	s28 =	simm.s32 $0x2980;
	s30 =	simm.s32 $0x8;
	s10 =	smul.u32 $0x50000, s2  }
0x6: {  	s0 =	sand.u32 $0x1, s0;
	[smem:$0x7FF] =	sst s21;
	s26 =	smul.u32 $0x2710, s2  }
0x7: {  	s24 =	sshll.u32 s2, $0x6;
	s4 =	sshll.u32 s0, $0x4;
	s8 =	smul.u32 $0x28000, s0  }
0x8: {  	_ =	strace $0x80000047;
	s13 =	ssub.s32 $0x2, s0;
	s0 =	smul.u32 $0x27100, s0  }
0x9: {  	s5 =	sor.u32 s2, s4;
	s12 =	sadd.s32 s7, s1;
	s22 =	sshrl.u32 s13, $0x1  }
0xa: {  	s10 =	sshrl.u32 s10, $0x2;
	s4 =	sor.u32 $0x1C0B, s24;
	s6 =	smul.u32 $0x2710, s5  }
0xb: {  	s5 =	sadd.s32 $0xAB600, s1;
	s7 =	sadd.s32 s7, s8;
	s8 =	ssub.s32 s13, s22  }
0xc: {  	s23 =	sadd.s32 $0xF200, s12;
	s0 =	sadd.s32 s26, s0;
	[dreg:$0x5] =	wrdreg s4  }
0xd: {  	s10 =	sadd.s32 s10, s3;
	[dreg:$0x4] =	wrdreg s23;
	s18 =	sadd.s32 $0x168, s0  }
0xe: {  	s20 =	smax.u32 s8, $0x1;
	s22 =	sadd.s32 $0x140, s0;
	s23 =	sadd.s32 $0x118, s0  }
0xf: {  	s24 =	sadd.s32 $0xF0, s0;
	s0 =	sadd.s32 $0xC8, s0;
	s9 =	sshrl.u32 s6, $0x3  }
0x10: {  	s25 =	sadd.s32 $0x28, s6;
	s6 =	sadd.s32 $0x78, s6;
	[dreg:$0xd] =	wrdreg s20  }
0x11: {  	s19 =	sshrl.u32 s18, $0x3;
	s8 =	sshrl.u32 s24, $0x3;
	[dreg:$0x12] =	wrdreg s0  }
0x12: {  	s24 =	simm.s32 $0x28;
	s0 =	simm.s32 $0x6;
	s11 =	sadd.s32 s9, s1  }
0x13: {  	s1 =	sadd.s32 s7, s1;
	s15 =	sshrl.u32 s25, $0x3;
	s21 =	sadd.s32 s19, s14  }
0x14: {  	s6 =	sshrl.u32 s6, $0x3;
	s26 =	sadd.s32 s8, s14;
	[dreg:$0xe] =	wrdreg s21  }
0x15: {  	s8 =	simm.s32 $0xA;
	s7 =	sadd.s32 $0x3400, s11;
	[dreg:$0x11] =	wrdreg s26  }
0x16: {  	s11 =	sadd.s32 s14, s9;
	s16 =	sadd.s32 s14, s15;
	[dreg:$0x6] =	wrdreg s7  }
0x17: {  	s6 =	sadd.s32 s14, s6;
	s1 =	sadd.s32 $0x37200, s1;
	[dreg:$0x8] =	wrdreg s16  }
0x18: {  	s26 =	simm.s32 $0x1;
	s9 =	simm.s32 $0x0;
	[dreg:$0xa] =	wrdreg s6  }
0x19: {  	s17 =	sadd.s32 $0xA, s11;
	[dreg:$0x7] =	wrdreg s11;
	s2 =	sadd.s32 $0x14, s11  }
0x1a: {  	[dreg:$0xc] =	wrdreg s1;
	s1 =	sshrl.u32 s22, $0x3;
	s6 =	sshrl.u32 s23, $0x3  }
.Ltmp0:
0x1b: {  	s7 =	sshrl.u32 s10, $0x3;
	[dreg:$0x9] =	wrdreg s17;
	(pc) =	sbr.rel .LBB2_1-.Ltmp0, $4  }
0x1c: {  	s22 =	simm.s32 $0xB;
	s23 =	simm.s32 $0x2780;
	[dreg:$0xb] =	wrdreg s2  }
0x1d: {  	s10 =	simm.s32 $0x5;
	s1 =	sadd.s32 s1, s14;
	[dreg:$0x13] =	wrdreg s7  }
0x1e: {  	s25 =	sadd.s32 s6, s14;
	s6 =	simm.s32 $0x3;
	[dreg:$0xf] =	wrdreg s1  }
0x1f: {  	[dreg:$0x10] =	wrdreg s25;
	s25 =	simm.s32 $0x2A00;
	s1 =	simm.s32 $0x7A00  }
.LBB2_4:
0x20: {  	[bflag:$0x0] =	sbarrier.arrive $0xFFFF  }
0x21: {  	s4 =	rddreg [dreg:$0x5]  }
0x22: {  	s2 =	rddreg [dreg:$0xc]  }
0x23: {  	s7 =	rddreg [dreg:$0x13]  }
0x24: {  	[hbm:s2], [sflag:s4] =	dma.local [spmem:s7], $0x2800  }
0x25: {  	_ =	swait.ge [sflag:s22], $0x2800  }
0x26: {  	s9 =	rddreg [dreg:$0x14]  }
0x27: {  	s21 =	rddreg [dreg:$0xd];
	s9 =	sadd.s32 $0x1, s9  }
0x28: {  	p0 =	sne.s32 s9, s21  }
.Ltmp1:
0x29: {  	_ = 	snop;
	(pc) =	sbr.rel @!p0 .LBB2_5-.Ltmp1, $3  }
0x2a: {  	_ =	sdelay $0x1  }
0x2b: {  	[sflag:s22] =	ssyncset.done $0x0  }
0x2c: {  	[sflag:s22] =	ssyncadd.s32 $0xFFFFD800  }
.LBB2_1:
0x2d: {  	[dreg:$0x14] =	wrdreg s9  }
0x2e: {  	s2 =	rddreg [dreg:$0x4]  }
0x2f: {  	[spmem:s7], [sflag:s4] =	dma.local [hbm:s2], $0x2800  }
0x30: {  	_ =	swait.ge [sflag:s22], $0x2800  }
0x31: {  	[sflag:s22] =	ssyncset.done $0x0  }
0x32: {  	s21 =	simm.s32 $0x0;
	s7 =	rddreg [dreg:$0x6];
	[sflag:s22] =	ssyncadd.s32 $0xFFFFD800  }
0x33: {  	[tilespmem:s21], [sflag:$0xB] =	stream.linear.gather [hbm4b:s7+s21], $0x2710, $0x38;
	[tilespmem:$0x1CE00] =	vst v63  }
0x34: {  	_ =	swait.ge [sflag:s22], $0x2710  }
0x35: {  	[sflag:s22] =	ssyncset.done $0x0  }
0x36: {  	[sflag:s22] =	ssyncadd.s32 $0xFFFFD8F0  }
0x37: {  	[bflag:$0x0] =	sbarrier.arrive $0xFFFF  }
0x38: {  	s9 =	rddreg [dreg:$0x7]  }
0x39: {  	[tilespmem:s23], [sflag:$0x6] =	stream.linear.gather [hbm4b:s9+s21], $0x28, $0x38;
	[tilespmem:$0x1CE00] =	vst v63  }
0x3a: {  	_ = 	snop  }
0x3b: {  	[tilespmem:s25], [sflag:$0x1] =	stream.indirect.gather [hbm4b:s5+s24], $0x80, s21, s24, $0xb8;
	[tilespmem:$0x1CE00] =	vst v63  }
0x3c: {  	s12 =	simm.s32 $0x2800;
	s11 =	rddreg [dreg:$0x8]  }
0x3d: {  	[tilespmem:s12], [sflag:$0x7] =	stream.linear.gather [hbm4b:s11+s21], $0x28, $0x38;
	[tilespmem:$0x1CE00] =	vst v63  }
0x3e: {  	s13 =	simm.s32 $0x3E00  }
0x3f: {  	[tilespmem:s13], [sflag:$0x2] =	stream.indirect.gather [hbm4b:s5+s24], $0x80, s24, s24, $0xb8;
	[tilespmem:$0x1CE00] =	vst v63  }
0x40: {  	s14 =	rddreg [dreg:$0x9]  }
0x41: {  	[tilespmem:s29], [sflag:$0x8] =	stream.linear.gather [hbm4b:s14+s21], $0x28, $0x38;
	[tilespmem:$0x1CE00] =	vst v63  }
0x42: {  	s15 =	simm.s32 $0x50;
	s16 =	rddreg [dreg:$0xa]  }
0x43: {  	[tilespmem:s31], [sflag:$0x3] =	stream.indirect.gather [hbm4b:s5+s24], $0x80, s15, s24, $0xb8;
	[tilespmem:$0x1CE00] =	vst v63  }
0x44: {  	s17 =	simm.s32 $0x2900;
	s20 =	rddreg [dreg:$0xb]  }
0x45: {  	[tilespmem:s17], [sflag:$0x9] =	stream.linear.gather [hbm4b:s16+s21], $0x28, $0x38;
	[tilespmem:$0x1CE00] =	vst v63  }
0x46: {  	s17 =	rddreg [dreg:$0xf]  }
0x47: {  	s18 =	simm.s32 $0x78;
	s19 =	simm.s32 $0x6600;
	s16 =	rddreg [dreg:$0xe]  }
0x48: {  	[tilespmem:s19], [sflag:$0x4] =	stream.indirect.gather [hbm4b:s5+s24], $0x80, s18, s24, $0xb8;
	[tilespmem:$0x1CE00] =	vst v63  }
0x49: {  	s19 =	rddreg [dreg:$0x11]  }
0x4a: {  	s4 =	simm.s32 $0x0;
	s18 =	rddreg [dreg:$0x10]  }
0x4b: {  	[tilespmem:s28], [sflag:$0xA] =	stream.linear.gather [hbm4b:s20+s21], $0x28, $0x38;
	[tilespmem:$0x1CE00] =	vst v63  }
0x4c: {  	s9 =	simm.s32 $0x0;
	s21 =	simm.s32 $0xA0;
	s20 =	rddreg [dreg:$0x12]  }
0x4d: {  	[tilespmem:s1], [sflag:$0x5] =	stream.indirect.gather [hbm4b:s5+s24], $0x80, s21, s24, $0xb8;
	[tilespmem:$0x1CE00] =	vst v63  }
.LBB2_2:
0x4e: {  	_ =	swait.ge [sflag:s0], $0x28  }
0x4f: {  	[sflag:s0] =	ssyncset.done $0x0  }
0x50: {  	[sflag:s0] =	ssyncadd.s32 $0xFFFFFFD8  }
0x51: {  	_ =	swait.ge [sflag:s26], $0x1400  }
0x52: {  	[sflag:s26] =	ssyncset.done $0x0  }
0x53: {  	[sflag:s26] =	ssyncadd.s32 $0xFFFFEC00  }
0x54: {  	[spmem:s3] =	stream.indirect.scatter.add.f32 [tilespmem:s25], [sflag:$0xB], $0x80, s23, s24, $0xb8;
	[tilespmem:$0x1CE00] =	vst v63  }
0x55: {  	_ =	swait.ge [sflag:s22], $0x1400  }
0x56: {  	p0 =	seq.s32 s9, $0x9920;
	[sflag:s22] =	ssyncset.done $0x0  }
0x57: {  	s13 =	simm.s32 @p0 $0x7;
	[sflag:s22] =	ssyncadd.s32 $0xFFFFEC00  }
0x58: {  	_ =	swait.ge @p0 [sflag:s13], $0x28  }
0x59: {  	[sflag:s13] =	ssyncset.done @p0 $0x0  }
0x5a: {  	[sflag:s13] =	ssyncadd.s32 @p0 $0xFFFFFFD8;
	s13 =	simm.s32 @p0 $0x2  }
0x5b: {  	_ =	swait.ge @p0 [sflag:s13], $0x1400  }
0x5c: {  	s12 =	simm.s32 @p0 $0x28;
	s14 =	simm.s32 @p0 $0x3E00;
	[sflag:s13] =	ssyncset.done @p0 $0x0  }
0x5d: {  	s7 =	simm.s32 @p0 $0xB;
	[sflag:s13] =	ssyncadd.s32 @p0 $0xFFFFEC00;
	s13 =	simm.s32 @p0 $0x2800  }
0x5e: {  	[spmem:s3] =	stream.indirect.scatter.add.f32 @p0 [tilespmem:s14], [sflag:$0xB], $0x80, s13, s12, $0xb8;
	[tilespmem:$0x1CE00] =	vst v63  }
0x5f: {  	_ =	swait.ge @p0 [sflag:s7], $0x1400  }
0x60: {  	[sflag:s7] =	ssyncset.done @p0 $0x0  }
0x61: {  	[sflag:s7] =	ssyncadd.s32 @p0 $0xFFFFEC00  }
0x62: {  	s13 =	sshrl.u32 @!p0 s20, $0x3;
	s2 =	rddreg [dreg:$0x1]  }
0x63: {  	s15 =	simm.s32 @!p0 $0x0;
	s14 =	simm.s32 @!p0 $0x2780;
	s13 =	sadd.s32 @!p0 s2, s13  }
0x64: {  	[tilespmem:s14], [sflag:$0x6] =	stream.linear.gather @!p0 [hbm4b:s13+s15], $0x28, $0x38;
	[tilespmem:$0x1CE00] =	vst v63  }
0x65: {  	s14 =	sshra.s32 @!p0 s9, $0x2  }
0x66: {  	s11 =	simm.s32 @!p0 $0x2A00;
	s13 =	simm.s32 @!p0 $0x28;
	s21 =	sadd.s32 @!p0 $0xC8, s14  }
0x67: {  	[tilespmem:s11], [sflag:$0x1] =	stream.indirect.gather @!p0 [hbm4b:s5+s13], $0x80, s21, s13, $0xb8;
	[tilespmem:$0x1CE00] =	vst v63  }
0x68: {  	s11 =	simm.s32 @!p0 $0x7  }
0x69: {  	_ =	swait.ge @!p0 [sflag:s11], $0x28  }
0x6a: {  	[sflag:s11] =	ssyncset.done @!p0 $0x0  }
0x6b: {  	[sflag:s11] =	ssyncadd.s32 @!p0 $0xFFFFFFD8;
	s11 =	simm.s32 @!p0 $0x2  }
0x6c: {  	_ =	swait.ge @!p0 [sflag:s11], $0x1400  }
0x6d: {  	s2 =	simm.s32 @!p0 $0xB;
	[sflag:s11] =	ssyncset.done @!p0 $0x0  }
0x6e: {  	s21 =	simm.s32 @!p0 $0x3E00;
	[sflag:s11] =	ssyncadd.s32 @!p0 $0xFFFFEC00;
	s11 =	simm.s32 @!p0 $0x2800  }
0x6f: {  	[spmem:s3] =	stream.indirect.scatter.add.f32 @!p0 [tilespmem:s21], [sflag:$0xB], $0x80, s11, s13, $0xb8;
	[tilespmem:$0x1CE00] =	vst v63  }
0x70: {  	_ =	swait.ge @!p0 [sflag:s2], $0x1400  }
0x71: {  	[sflag:s2] =	ssyncset.done @!p0 $0x0  }
0x72: {  	[sflag:s2] =	ssyncadd.s32 @!p0 $0xFFFFEC00  }
0x73: {  	[tilespmem:s11], [sflag:$0x7] =	stream.linear.gather @!p0 [hbm4b:s19+s15], $0x28, $0x38;
	[tilespmem:$0x1CE00] =	vst v63  }
0x74: {  	s11 =	sadd.s32 @!p0 $0xF0, s14  }
0x75: {  	[tilespmem:s21], [sflag:$0x2] =	stream.indirect.gather @!p0 [hbm4b:s5+s13], $0x80, s11, s13, $0xb8;
	[tilespmem:$0x1CE00] =	vst v63  }
0x76: {  	_ =	swait.ge [sflag:s30], $0x28  }
0x77: {  	[sflag:s30] =	ssyncset.done $0x0  }
0x78: {  	[sflag:s30] =	ssyncadd.s32 $0xFFFFFFD8  }
0x79: {  	_ =	swait.ge [sflag:s6], $0x1400  }
0x7a: {  	[sflag:s6] =	ssyncset.done $0x0  }
0x7b: {  	[sflag:s6] =	ssyncadd.s32 $0xFFFFEC00  }
0x7c: {  	[spmem:s3] =	stream.indirect.scatter.add.f32 [tilespmem:s31], [sflag:$0xB], $0x80, s29, s24, $0xb8;
	[tilespmem:$0x1CE00] =	vst v63  }
0x7d: {  	_ =	swait.ge [sflag:s22], $0x1400  }
0x7e: {  	[sflag:s22] =	ssyncset.done $0x0  }
0x7f: {  	s11 =	simm.s32 @p0 $0x9;
	[sflag:s22] =	ssyncadd.s32 $0xFFFFEC00  }
0x80: {  	_ =	swait.ge @p0 [sflag:s11], $0x28  }
0x81: {  	[sflag:s11] =	ssyncset.done @p0 $0x0  }
0x82: {  	[sflag:s11] =	ssyncadd.s32 @p0 $0xFFFFFFD8;
	s11 =	simm.s32 @p0 $0x4  }
0x83: {  	_ =	swait.ge @p0 [sflag:s11], $0x1400  }
0x84: {  	[sflag:s11] =	ssyncset.done @p0 $0x0  }
0x85: {  	s21 =	simm.s32 @p0 $0x6600;
	[sflag:s11] =	ssyncadd.s32 @p0 $0xFFFFEC00;
	s11 =	simm.s32 @p0 $0x2900  }
0x86: {  	[spmem:s3] =	stream.indirect.scatter.add.f32 @p0 [tilespmem:s21], [sflag:$0xB], $0x80, s11, s12, $0xb8;
	[tilespmem:$0x1CE00] =	vst v63  }
0x87: {  	_ =	swait.ge @p0 [sflag:s7], $0x1400  }
0x88: {  	[sflag:s7] =	ssyncset.done @p0 $0x0  }
0x89: {  	[sflag:s7] =	ssyncadd.s32 @p0 $0xFFFFEC00;
	s7 =	simm.s32 @!p0 $0x2880  }
0x8a: {  	[tilespmem:s7], [sflag:$0x8] =	stream.linear.gather @!p0 [hbm4b:s18+s15], $0x28, $0x38;
	[tilespmem:$0x1CE00] =	vst v63  }
0x8b: {  	s11 =	simm.s32 @!p0 $0x5200;
	s7 =	sadd.s32 @!p0 $0x118, s14  }
0x8c: {  	[tilespmem:s11], [sflag:$0x3] =	stream.indirect.gather @!p0 [hbm4b:s5+s13], $0x80, s7, s13, $0xb8;
	[tilespmem:$0x1CE00] =	vst v63  }
0x8d: {  	s7 =	simm.s32 @!p0 $0x9  }
0x8e: {  	_ =	swait.ge @!p0 [sflag:s7], $0x28  }
0x8f: {  	[sflag:s7] =	ssyncset.done @!p0 $0x0  }
0x90: {  	[sflag:s7] =	ssyncadd.s32 @!p0 $0xFFFFFFD8;
	s7 =	simm.s32 @!p0 $0x4  }
0x91: {  	_ =	swait.ge @!p0 [sflag:s7], $0x1400  }
0x92: {  	[sflag:s7] =	ssyncset.done @!p0 $0x0  }
0x93: {  	s11 =	simm.s32 @!p0 $0x6600;
	[sflag:s7] =	ssyncadd.s32 @!p0 $0xFFFFEC00;
	s7 =	simm.s32 @!p0 $0x2900  }
0x94: {  	[spmem:s3] =	stream.indirect.scatter.add.f32 @!p0 [tilespmem:s11], [sflag:$0xB], $0x80, s7, s13, $0xb8;
	[tilespmem:$0x1CE00] =	vst v63  }
0x95: {  	_ =	swait.ge @!p0 [sflag:s2], $0x1400  }
0x96: {  	[sflag:s2] =	ssyncset.done @!p0 $0x0  }
0x97: {  	[sflag:s2] =	ssyncadd.s32 @!p0 $0xFFFFEC00  }
0x98: {  	[tilespmem:s7], [sflag:$0x9] =	stream.linear.gather @!p0 [hbm4b:s17+s15], $0x28, $0x38;
	[tilespmem:$0x1CE00] =	vst v63  }
0x99: {  	s2 =	sadd.s32 @!p0 $0x140, s14  }
0x9a: {  	[tilespmem:s11], [sflag:$0x4] =	stream.indirect.gather @!p0 [hbm4b:s5+s13], $0x80, s2, s13, $0xb8;
	[tilespmem:$0x1CE00] =	vst v63  }
0x9b: {  	_ =	swait.ge [sflag:s8], $0x28  }
0x9c: {  	[sflag:s8] =	ssyncset.done $0x0  }
0x9d: {  	[sflag:s8] =	ssyncadd.s32 $0xFFFFFFD8  }
0x9e: {  	_ =	swait.ge [sflag:s10], $0x1400  }
0x9f: {  	[sflag:s10] =	ssyncset.done $0x0  }
.Ltmp2:
0xa0: {  	[sflag:s10] =	ssyncadd.s32 $0xFFFFEC00;
	(pc) =	sbr.rel @p0 .LBB2_4-.Ltmp2, $4  }
0xa1: {  	[spmem:s3] =	stream.indirect.scatter.add.f32 [tilespmem:s1], [sflag:$0xB], $0x80, s28, s24, $0xb8;
	[tilespmem:$0x1CE00] =	vst v63  }
0xa2: {  	_ =	swait.ge [sflag:s22], $0x1400  }
0xa3: {  	[sflag:s22] =	ssyncset.done $0x0  }
0xa4: {  	[sflag:s22] =	ssyncadd.s32 $0xFFFFEC00  }
0xa5: {  	[tilespmem:s28], [sflag:$0xA] =	stream.linear.gather [hbm4b:s16+s4], $0x28, $0x38;
	[tilespmem:$0x1CE00] =	vst v63  }
.Ltmp3:
0xa6: {  	_ = 	snop;
	(pc) =	sbr.rel .LBB2_2-.Ltmp3, $4  }
0xa7: {  	s2 =	sshra.s32 s9, $0x2;
	s16 =	sadd.s32 $0x19, s16  }
0xa8: {  	s9 =	sadd.s32 $0x320, s9;
	s17 =	sadd.s32 $0x19, s17;
	s18 =	sadd.s32 $0x19, s18  }
0xa9: {  	s19 =	sadd.s32 $0x19, s19;
	s20 =	sadd.s32 $0xC8, s20;
	s2 =	sadd.s32 $0x168, s2  }
0xaa: {  	[tilespmem:s1], [sflag:$0x5] =	stream.indirect.gather [hbm4b:s5+s24], $0x80, s2, s24, $0xb8;
	[tilespmem:$0x1CE00] =	vst v63  }
.LBB2_5:
0xab: {  	_ =	sfence.sel $0x180000  }
0xac: {  	[bflag:$0x0] =	sbarrier.arrive $0xFFFF  }
0xad: {  	_ =	strace $0x90000047  }
0xae: {  	s0 =	stileid.u32;
	[bflag:$0x2] =	sbarrier.arrive $0xFFFF  }
0xaf: {  	p0 =	sne.s32 s0, $0x0;
	s0 =	rddreg [dreg:$0x3]  }
0xb0: {  	s0 =	sadd.s32 @!p0 $0x100000, s0  }
0xb1: {  	[sflag:s0] =	ssyncadd.tile.s32 @!p0 $0x1;
	_ =	shalt  }
.Lfunc_end2:
_tile_overlayer_lowered:
.L_overlay_start_2:
0xb2: {  	(tag) =	ssettag $0x2  }
0xb3: {  	s0 =	rddreg [dreg:$0x0];
	s2 =	stileid.u32  }
0xb4: {  	s1 =	rddreg [dreg:$0x1];
	p0 =	sne.s32 s2, $0x0  }
0xb5: {  	s3 =	rddreg [dreg:$0x2];
	[bflag:$0x3] =	sbarrier.arrive $0xFFFF;
	s2 =	simm.s32 @!p0 $0x1C0B  }
0xb6: {  	[timem:s3], [sflag:s2] =	dma.local @!p0 [hbm:s0], s1  }
0xb7: {  	s0 =	simm.s32 @!p0 $0xB  }
0xb8: {  	_ =	swait.ge @!p0 [sflag:s0], s1  }
0xb9: {  	s1 =	ssub.s32 @!p0 $0x0, s1;
	[sflag:s0] =	ssyncset.done @!p0 $0x0  }
0xba: {  	[sflag:s0] =	ssyncadd.s32 @!p0 s1  }
0xbb: {  	[bflag:$0x3] =	sbarrier.arrive $0xFFFF  }
0xbc: {  	_ =	shalt  }

// kernel: kernel.14.cloned.1.call-start
scs
__scs_entry_jumppad:
0x0: {  	(pc) =	sbr.rel $0x88, $3  }
0x1: {  	(tag) =	ssettag $0x0;
	lr =	simm.s32 $0x1  }
0x2: {  	[smem:$0x3F9A] =	sst lr;
	_ =	strace $0xD0000000  }
0x3: {  	_ = 	snop  }
0x4: {  	_ = 	snop  }
0x5: {  	_ = 	snop  }
0x6: {  	_ = 	snop  }
0x7: {  	_ = 	snop  }
__scs_overlays_trampoline_lowered:
0x8: {  	[smem:$0x3FA9] =	sst s0  }
0x9: {  	[smem:$0x3FAA] =	sst s1  }
0xa: {  	[smem:$0x3FAB] =	sst s2  }
0xb: {  	[smem:$0x3FAC] =	sst s3  }
0xc: {  	[smem:$0x3FAD] =	sst s4  }
0xd: {  	[smem:$0x3FAE] =	sst s5  }
0xe: {  	[smem:$0x3FAF] =	sst s6  }
0xf: {  	[smem:$0x3FB0] =	sst s7  }
0x10: {  	[smem:$0x3FB1] =	sst s8  }
0x11: {  	[smem:$0x3FB2] =	sst s9;
	s0 =	simm.s32 @!p0 $0x0  }
0x12: {  	s1 =	sld [smem:$0x3F98];
	s0 =	simm.s32 @p0 $0x1  }
0x13: {  	[smem:$0x3FB3] =	sst s0;
	s0 =	simm.s32 @!p1 $0x0  }
0x14: {  	s2 =	sld [smem:$0x3F97];
	s0 =	simm.s32 @p1 $0x1  }
0x15: {  	[smem:$0x3FB4] =	sst s0;
	s0 =	simm.s32 @!p2 $0x0  }
0x16: {  	s3 =	sld [smem:$0x3FDB];
	s0 =	simm.s32 @p2 $0x1  }
0x17: {  	s4 =	simm.s32 $0x1BF5;
	[smem:$0x3FB6] =	sst s0  }
0x18: {  	s0 =	sld [smem:$0x3F99];
	_ =	swait.ge [sflag:s4], $0x0  }
0x19: {  	s7 =	sld [smem:$0x3F9A]  }
0x1a: {  	s8 =	sadd.s32 $0xFFFFE003, lr  }
0x1b: {  	s9 =	sadd.s32 $0xFFFFFEF7, lr;
	s5 =	simm.s32 $0xFFFFFFFF;
	p2 =	slt.u32 s8, $0xFFFFF086  }
0x1c: {  	p1 =	slt.u32 s9, $0xF7A;
	s5 =	simm.s32 @!p2 $0x0  }
0x1d: {  	s5 =	simm.s32 @p1 $0x1;
	p0 =	seq.s32 s7, s2  }
0x1e: {  	s7 =	smul.u32 @!p0 $0xF7A, s2;
	p2 =	seq.s32 @!p0 s5, $0x0  }
0x1f: {  	s9 =	smul.u32 $0xF7A, s1;
	s8 =	simm.s32 @!p0 $0x1BF5;
	p2 =	por !p2, p0  }
0x20: {  	[sflag:s8] =	ssyncset.s32 @!p0 $0xFFFFF086;
	s6 =	sadd.s32 @!p0 s3, s7;
	s7 =	simm.s32 @!p0 $0x108  }
0x21: {  	s3 =	sadd.s32 s3, s9;
	s6 =	sadd.s32 @!p0 $0x88, s6;
	s7 =	simm.s32 @p2 $0x1082  }
0x22: {  	[simem:s7], [sflag:s8] =	dma.local @!p0 [hbm:s6], $0xF7A  }
0x23: {  	s9 =	sor.u32 $0xD0000000, s2;
	s6 =	simm.s32 $0x108;
	_ =	swait.ge @!p0 [sflag:s8], $0x0  }
0x24: {  	s3 =	sadd.s32 $0x88, s3;
	s6 =	simm.s32 @!p1 $0x1082;
	[sflag:s4] =	ssyncset.s32 $0xFFFFF086  }
0x25: {  	[simem:s6], [sflag:s4] =	dma.local [hbm:s3], $0xF7A  }
0x26: {  	[smem:$0x3F9A] =	sst s1;
	(tag) =	ssettag s2;
	_ =	strace s9  }
0x27: {  	s1 =	sld [smem:$0x3FAA]  }
0x28: {  	s2 =	sld [smem:$0x3FAB]  }
0x29: {  	s4 =	sld [smem:$0x3FAD]  }
0x2a: {  	p0 =	seq.s32 s5, $0x0;
	s5 =	sld [smem:$0x3FAE]  }
0x2b: {  	s6 =	sld [smem:$0x3FAF]  }
0x2c: {  	s7 =	sld [smem:$0x3FB0]  }
0x2d: {  	s3 =	simm.s32 $0x108;
	s8 =	sld [smem:$0x3FB1]  }
0x2e: {  	s3 =	simm.s32 @!p0 $0x1082;
	s9 =	sld [smem:$0x3FB2]  }
0x2f: {  	lr =	sadd.s32 s0, s3;
	s0 =	sld [smem:$0x3FA9]  }
0x30: {  	s3 =	sld [smem:$0x3FAC]  }
0x31: {  	[smem:$0x3FB5] =	sst s10  }
0x32: {  	s10 =	sld [smem:$0x3FB3];
	_ =	sdelay $0x3  }
0x33: {  	p0 =	seq.s32 s10, $0x1;
	s10 =	sld [smem:$0x3FB5];
	_ =	sdelay $0x3  }
0x34: {  	[smem:$0x3FB5] =	sst s10  }
0x35: {  	s10 =	sld [smem:$0x3FB4];
	_ =	sdelay $0x3  }
0x36: {  	p1 =	seq.s32 s10, $0x1;
	s10 =	sld [smem:$0x3FB5];
	_ =	sdelay $0x3  }
0x37: {  	[smem:$0x3FB5] =	sst s10  }
0x38: {  	s10 =	sld [smem:$0x3FB6]  }
0x39: {  	_ = 	snop;
	(pc) =	sbr.ind lr, $3  }
0x3a: {  	_ = 	snop  }
0x3b: {  	_ = 	snop  }
0x3c: {  	p2 =	seq.s32 s10, $0x1;
	s10 =	sld [smem:$0x3FB5]  }
0x3d: {  	_ =	shalt  }
0x3e: {  	_ =	shalt  }
0x3f: {  	_ =	shalt  }
0x40: {  	_ =	shalt  }
0x41: {  	_ =	shalt  }
0x42: {  	_ =	shalt  }
0x43: {  	_ =	shalt  }
0x44: {  	_ =	shalt  }
0x45: {  	_ =	shalt  }
0x46: {  	_ =	shalt  }
0x47: {  	_ =	shalt  }
0x48: {  	_ =	shalt  }
0x49: {  	_ =	shalt  }
0x4a: {  	_ =	shalt  }
0x4b: {  	_ =	shalt  }
0x4c: {  	_ =	shalt  }
0x4d: {  	_ =	shalt  }
0x4e: {  	_ =	shalt  }
0x4f: {  	_ =	shalt  }
0x50: {  	_ =	shalt  }
0x51: {  	_ =	shalt  }
0x52: {  	_ =	shalt  }
0x53: {  	_ =	shalt  }
0x54: {  	_ =	shalt  }
0x55: {  	_ =	shalt  }
0x56: {  	_ =	shalt  }
0x57: {  	_ =	shalt  }
0x58: {  	_ =	shalt  }
0x59: {  	_ =	shalt  }
0x5a: {  	_ =	shalt  }
0x5b: {  	_ =	shalt  }
0x5c: {  	_ =	shalt  }
0x5d: {  	_ =	shalt  }
0x5e: {  	_ =	shalt  }
0x5f: {  	_ =	shalt  }
0x60: {  	_ =	shalt  }
0x61: {  	_ =	shalt  }
0x62: {  	_ =	shalt  }
0x63: {  	_ =	shalt  }
0x64: {  	_ =	shalt  }
0x65: {  	_ =	shalt  }
0x66: {  	_ =	shalt  }
0x67: {  	_ =	shalt  }
0x68: {  	_ =	shalt  }
0x69: {  	_ =	shalt  }
0x6a: {  	_ =	shalt  }
0x6b: {  	_ =	shalt  }
0x6c: {  	_ =	shalt  }
0x6d: {  	_ =	shalt  }
0x6e: {  	_ =	shalt  }
0x6f: {  	_ =	shalt  }
0x70: {  	_ =	shalt  }
0x71: {  	_ =	shalt  }
0x72: {  	_ =	shalt  }
0x73: {  	_ =	shalt  }
0x74: {  	_ =	shalt  }
0x75: {  	_ =	shalt  }
0x76: {  	_ =	shalt  }
0x77: {  	_ =	shalt  }
0x78: {  	_ =	shalt  }
0x79: {  	_ =	shalt  }
0x7a: {  	_ =	shalt  }
0x7b: {  	_ =	shalt  }
0x7c: {  	_ =	shalt  }
0x7d: {  	_ =	shalt  }
0x7e: {  	_ =	shalt  }
0x7f: {  	_ =	shalt  }
0x80: {  	_ =	shalt  }
0x81: {  	_ =	shalt  }
0x82: {  	_ =	shalt  }
0x83: {  	_ =	shalt  }
0x84: {  	_ =	shalt  }
0x85: {  	_ =	shalt  }
0x86: {  	_ =	shalt  }
0x87: {  	_ =	shalt  }
.Lfunc_end0:
.L_simem_size_0:
called_computation.1_lowered:
.L_overlay_start_0:
0x88: {  	s2 =	sld [smem:$0x3FD9]  }
0x89: {  	s3 =	sld [smem:$0x3FFE];
	_ =	sdelay $0x1  }
0x8a: {  	s1 =	srdreg.scid  }
0x8b: {  	s0 =	sand.u32 $0x1, s1  }
0x8c: {  	s17 =	sshll.u32 s0, $0xA;
	s2 =	sadd.s32 s3, s2  }
0x8d: {  	s2 =	sadd.s32 s2, s17  }
0x8e: {  	[smem:$0x3FC1] =	sst s2  }
0x8f: {  	_ = 	snop  }
0x90: {  	s2 =	sld [smem:$0x3FD0];
	(tm) =	ssettm $0x1  }
0x91: {  	s18 =	sld [smem:$0x3FFB];
	_ =	sdelay $0x3  }
0x92: {  	_ =	strace s18  }
0x93: {  	s3 =	sld [smem:$0x3FFC];
	_ =	sdelay $0x3  }
0x94: {  	_ =	strace s3  }
0x95: {  	s3 =	sld [smem:$0x3FFD];
	_ =	sdelay $0x3  }
0x96: {  	_ =	strace s3  }
0x97: {  	_ =	strace $0x8FFFFFFF  }
0x98: {  	s19 =	sld [smem:$0x3FDB];
	_ =	sdelay $0x1  }
0x99: {  	s4 =	simm.s32 $_scs_section_size  }
0x9a: {  	s5 =	simm.s32 $_size__tile_overlayer_lowered;
	s6 =	simm.s32 $_tile_overlayer_lowered  }
0x9b: {  	s22 =	simm.s32 $0x1BFF;
	s21 =	sshll.u32 s6, $0x1;
	s3 =	sadd.s32 s4, s19  }
0x9c: {  	s7 =	simm.s32 $0x0;
	s20 =	sshll.u32 s5, $0x1;
	s5 =	sadd.s32 s21, s3  }
0x9d: {  	[timem:s7], [sflag:s22] =	dma.local [hbm:s5], s20  }
0x9e: {  	_ =	swait.ge [sflag:s22], s20  }
0x9f: {  	s4 =	ssub.s32 $0x0, s20;
	[sflag:s22] =	ssyncset.done $0x0  }
0xa0: {  	[sflag:s22] =	ssyncadd.s32 s4;
	_ =	sdelay $0x1  }
0xa1: {  	s23 =	simm.s32 $0x1B8B  }
0xa2: {  	_ =	swait.ge [sflag:s23], $0x1  }
0xa3: {  	[sflag:s23] =	ssyncset.done $0x0  }
0xa4: {  	s25 =	simm.s32 $0x1B8E;
	s24 =	sld [smem:$0x3FFE];
	[sflag:s23] =	ssyncadd.s32 $0xFFFFFFFF  }
0xa5: {  	s26 =	simm.s32 $execute0_lowered;
	[smem:$0x3FD2] =	sst s25  }
0xa6: {  	s5 =	sshll.u32 s26, $0x1;
	_ =	strace $0x80000049;
	[dreg:$0x1] =	wrdreg $0xFFFFFFFF  }
0xa7: {  	s28 =	simm.s32 $_size_execute0_lowered;
	s3 =	sadd.s32 s3, s5;
	[dreg:$0x0] =	wrdreg $0x0  }
0xa8: {  	s5 =	sshll.u32 s28, $0x1;
	[dreg:$0x2] =	wrdreg s3  }
0xa9: {  	[dreg:$0x3] =	wrdreg s5  }
0xaa: {  	[dreg:$0x4] =	wrdreg $0xC0  }
0xab: {  	_ =	task [dreg:s7], $0x5FFFF  }
0xac: {  	[dreg:$0x1] =	wrdreg $0xFFFFFFFF  }
0xad: {  	[dreg:$0x0] =	wrdreg $0x60  }
0xae: {  	[dreg:$0x2] =	wrdreg s24  }
0xaf: {  	[dreg:$0x3] =	wrdreg s2  }
0xb0: {  	[dreg:$0x4] =	wrdreg $0x8E000  }
0xb1: {  	[dreg:$0x5] =	wrdreg $0x9  }
0xb2: {  	_ =	task.clear_ibuf [dreg:s7], $0x6FFFF;
	_ =	strace $0x90000049  }
0xb3: {  	s29 =	simm.s32 $0x9;
	_ =	strace $0x8000004B  }
0xb4: {  	_ =	swait.ge [sflag:s29], $0x1  }
0xb5: {  	[sflag:s29] =	ssyncadd.s32 $0xFFFFFFFF  }
0xb6: {  	_ =	strace $0x9000004B  }
0xb7: {  	_ =	sfence  }
0xb8: {  	s30 =	sld [smem:$0x0];
	_ =	sdelay $0x2  }
0xb9: {  	s31 =	sshll.u32 s1, $0xD;
	s1 =	sshrl.u32 s1, $0x2  }
0xba: {  	s3 =	sand.u32 $0x4000, s31;
	s1 =	sadd.s32 s1, s30  }
0xbb: {  	s0 =	sor.u32 s3, s0;
	s1 =	sshll.u32 s1, $0x11  }
0xbc: {  	s0 =	sor.u32 s1, s0  }
0xbd: {  	s0 =	sadd.s32 $0x8F2B, s0  }
0xbe: {  	[sflag:s0] =	ssyncadd.remote.s32 $0x1  }
0xbf: {  	_ =	sfence.sel $0xFFFF  }
0xc0: {  	[dreg:$0x0] =	wrdreg $0xFFFFFFFF;
	(pc) =	sbr.abs _section_cstart, $3  }
0xc1: {  	[dreg:$0x1] =	wrdreg $0xFFFFFFFF  }
0xc2: {  	_ =	task.clear_ibuf [dreg:s7], $0x2FFFF;
	_ =	strace $0x9FFFFFFF  }
0xc3: {  	(tm) =	ssettm $0x7FFFFFFF  }
tec
execute0_lowered:
.L_overlay_start_1:
0x0: {  	(tag) =	ssettag $0x1  }
0x1: {  	s1 =	rddreg [dreg:$0x0]  }
0x2: {  	s0 =	srdreg.scid;
	s14 =	rddreg [dreg:$0x1]  }
0x3: {  	s2 =	stileid.u32;
	s3 =	rddreg [dreg:$0x2];
	s21 =	simm.s32 $0x0  }
0x4: {  	s29 =	simm.s32 $0x2880;
	s31 =	simm.s32 $0x5200;
	s7 =	smul.u32 $0x2800, s2  }
0x5: {  	s28 =	simm.s32 $0x2980;
	s30 =	simm.s32 $0x8;
	s10 =	smul.u32 $0x50000, s2  }
0x6: {  	s0 =	sand.u32 $0x1, s0;
	[smem:$0x7FF] =	sst s21;
	s26 =	smul.u32 $0x2710, s2  }
0x7: {  	s24 =	sshll.u32 s2, $0x6;
	s4 =	sshll.u32 s0, $0x4;
	s8 =	smul.u32 $0x28000, s0  }
0x8: {  	_ =	strace $0x8000004A;
	s13 =	ssub.s32 $0x2, s0;
	s0 =	smul.u32 $0x27100, s0  }
0x9: {  	s5 =	sor.u32 s2, s4;
	s12 =	sadd.s32 s7, s1;
	s22 =	sshrl.u32 s13, $0x1  }
0xa: {  	s10 =	sshrl.u32 s10, $0x2;
	s4 =	sor.u32 $0x1C0B, s24;
	s6 =	smul.u32 $0x2710, s5  }
0xb: {  	s5 =	sadd.s32 $0x126800, s1;
	s7 =	sadd.s32 s7, s8;
	s8 =	ssub.s32 s13, s22  }
0xc: {  	s23 =	sadd.s32 $0xF200, s12;
	s0 =	sadd.s32 s26, s0;
	[dreg:$0x5] =	wrdreg s4  }
0xd: {  	s10 =	sadd.s32 s10, s3;
	[dreg:$0x4] =	wrdreg s23;
	s18 =	sadd.s32 $0x168, s0  }
0xe: {  	s20 =	smax.u32 s8, $0x1;
	s22 =	sadd.s32 $0x140, s0;
	s23 =	sadd.s32 $0x118, s0  }
0xf: {  	s24 =	sadd.s32 $0xF0, s0;
	s0 =	sadd.s32 $0xC8, s0;
	s9 =	sshrl.u32 s6, $0x3  }
0x10: {  	s25 =	sadd.s32 $0x28, s6;
	s6 =	sadd.s32 $0x78, s6;
	[dreg:$0xd] =	wrdreg s20  }
0x11: {  	s19 =	sshrl.u32 s18, $0x3;
	s8 =	sshrl.u32 s24, $0x3;
	[dreg:$0x12] =	wrdreg s0  }
0x12: {  	s24 =	simm.s32 $0x28;
	s0 =	simm.s32 $0x6;
	s11 =	sadd.s32 s9, s1  }
0x13: {  	s1 =	sadd.s32 s7, s1;
	s15 =	sshrl.u32 s25, $0x3;
	s21 =	sadd.s32 s19, s14  }
0x14: {  	s6 =	sshrl.u32 s6, $0x3;
	s26 =	sadd.s32 s8, s14;
	[dreg:$0xe] =	wrdreg s21  }
0x15: {  	s8 =	simm.s32 $0xA;
	s7 =	sadd.s32 $0x3400, s11;
	[dreg:$0x11] =	wrdreg s26  }
0x16: {  	s11 =	sadd.s32 s14, s9;
	s16 =	sadd.s32 s14, s15;
	[dreg:$0x6] =	wrdreg s7  }
0x17: {  	s6 =	sadd.s32 s14, s6;
	s1 =	sadd.s32 $0x37200, s1;
	[dreg:$0x8] =	wrdreg s16  }
0x18: {  	s26 =	simm.s32 $0x1;
	s9 =	simm.s32 $0x0;
	[dreg:$0xa] =	wrdreg s6  }
0x19: {  	s17 =	sadd.s32 $0xA, s11;
	[dreg:$0x7] =	wrdreg s11;
	s2 =	sadd.s32 $0x14, s11  }
0x1a: {  	[dreg:$0xc] =	wrdreg s1;
	s1 =	sshrl.u32 s22, $0x3;
	s6 =	sshrl.u32 s23, $0x3  }
.Ltmp0:
0x1b: {  	s7 =	sshrl.u32 s10, $0x3;
	[dreg:$0x9] =	wrdreg s17;
	(pc) =	sbr.rel .LBB2_1-.Ltmp0, $4  }
0x1c: {  	s22 =	simm.s32 $0xB;
	s23 =	simm.s32 $0x2780;
	[dreg:$0xb] =	wrdreg s2  }
0x1d: {  	s10 =	simm.s32 $0x5;
	s1 =	sadd.s32 s1, s14;
	[dreg:$0x13] =	wrdreg s7  }
0x1e: {  	s25 =	sadd.s32 s6, s14;
	s6 =	simm.s32 $0x3;
	[dreg:$0xf] =	wrdreg s1  }
0x1f: {  	[dreg:$0x10] =	wrdreg s25;
	s25 =	simm.s32 $0x2A00;
	s1 =	simm.s32 $0x7A00  }
.LBB2_4:
0x20: {  	[bflag:$0x0] =	sbarrier.arrive $0xFFFF  }
0x21: {  	s4 =	rddreg [dreg:$0x5]  }
0x22: {  	s2 =	rddreg [dreg:$0xc]  }
0x23: {  	s7 =	rddreg [dreg:$0x13]  }
0x24: {  	[hbm:s2], [sflag:s4] =	dma.local [spmem:s7], $0x2800  }
0x25: {  	_ =	swait.ge [sflag:s22], $0x2800  }
0x26: {  	s9 =	rddreg [dreg:$0x14]  }
0x27: {  	s21 =	rddreg [dreg:$0xd];
	s9 =	sadd.s32 $0x1, s9  }
0x28: {  	p0 =	sne.s32 s9, s21  }
.Ltmp1:
0x29: {  	_ = 	snop;
	(pc) =	sbr.rel @!p0 .LBB2_5-.Ltmp1, $3  }
0x2a: {  	_ =	sdelay $0x1  }
0x2b: {  	[sflag:s22] =	ssyncset.done $0x0  }
0x2c: {  	[sflag:s22] =	ssyncadd.s32 $0xFFFFD800  }
.LBB2_1:
0x2d: {  	[dreg:$0x14] =	wrdreg s9  }
0x2e: {  	s2 =	rddreg [dreg:$0x4]  }
0x2f: {  	[spmem:s7], [sflag:s4] =	dma.local [hbm:s2], $0x2800  }
0x30: {  	_ =	swait.ge [sflag:s22], $0x2800  }
0x31: {  	[sflag:s22] =	ssyncset.done $0x0  }
0x32: {  	s21 =	simm.s32 $0x0;
	s7 =	rddreg [dreg:$0x6];
	[sflag:s22] =	ssyncadd.s32 $0xFFFFD800  }
0x33: {  	[tilespmem:s21], [sflag:$0xB] =	stream.linear.gather [hbm4b:s7+s21], $0x2710, $0x38;
	[tilespmem:$0x1CE00] =	vst v63  }
0x34: {  	_ =	swait.ge [sflag:s22], $0x2710  }
0x35: {  	[sflag:s22] =	ssyncset.done $0x0  }
0x36: {  	[sflag:s22] =	ssyncadd.s32 $0xFFFFD8F0  }
0x37: {  	[bflag:$0x0] =	sbarrier.arrive $0xFFFF  }
0x38: {  	s9 =	rddreg [dreg:$0x7]  }
0x39: {  	[tilespmem:s23], [sflag:$0x6] =	stream.linear.gather [hbm4b:s9+s21], $0x28, $0x38;
	[tilespmem:$0x1CE00] =	vst v63  }
0x3a: {  	_ = 	snop  }
0x3b: {  	[tilespmem:s25], [sflag:$0x1] =	stream.indirect.gather [hbm4b:s5+s24], $0x80, s21, s24, $0xb8;
	[tilespmem:$0x1CE00] =	vst v63  }
0x3c: {  	s12 =	simm.s32 $0x2800;
	s11 =	rddreg [dreg:$0x8]  }
0x3d: {  	[tilespmem:s12], [sflag:$0x7] =	stream.linear.gather [hbm4b:s11+s21], $0x28, $0x38;
	[tilespmem:$0x1CE00] =	vst v63  }
0x3e: {  	s13 =	simm.s32 $0x3E00  }
0x3f: {  	[tilespmem:s13], [sflag:$0x2] =	stream.indirect.gather [hbm4b:s5+s24], $0x80, s24, s24, $0xb8;
	[tilespmem:$0x1CE00] =	vst v63  }
0x40: {  	s14 =	rddreg [dreg:$0x9]  }
0x41: {  	[tilespmem:s29], [sflag:$0x8] =	stream.linear.gather [hbm4b:s14+s21], $0x28, $0x38;
	[tilespmem:$0x1CE00] =	vst v63  }
0x42: {  	s15 =	simm.s32 $0x50;
	s16 =	rddreg [dreg:$0xa]  }
0x43: {  	[tilespmem:s31], [sflag:$0x3] =	stream.indirect.gather [hbm4b:s5+s24], $0x80, s15, s24, $0xb8;
	[tilespmem:$0x1CE00] =	vst v63  }
0x44: {  	s17 =	simm.s32 $0x2900;
	s20 =	rddreg [dreg:$0xb]  }
0x45: {  	[tilespmem:s17], [sflag:$0x9] =	stream.linear.gather [hbm4b:s16+s21], $0x28, $0x38;
	[tilespmem:$0x1CE00] =	vst v63  }
0x46: {  	s17 =	rddreg [dreg:$0xf]  }
0x47: {  	s18 =	simm.s32 $0x78;
	s19 =	simm.s32 $0x6600;
	s16 =	rddreg [dreg:$0xe]  }
0x48: {  	[tilespmem:s19], [sflag:$0x4] =	stream.indirect.gather [hbm4b:s5+s24], $0x80, s18, s24, $0xb8;
	[tilespmem:$0x1CE00] =	vst v63  }
0x49: {  	s19 =	rddreg [dreg:$0x11]  }
0x4a: {  	s4 =	simm.s32 $0x0;
	s18 =	rddreg [dreg:$0x10]  }
0x4b: {  	[tilespmem:s28], [sflag:$0xA] =	stream.linear.gather [hbm4b:s20+s21], $0x28, $0x38;
	[tilespmem:$0x1CE00] =	vst v63  }
0x4c: {  	s9 =	simm.s32 $0x0;
	s21 =	simm.s32 $0xA0;
	s20 =	rddreg [dreg:$0x12]  }
0x4d: {  	[tilespmem:s1], [sflag:$0x5] =	stream.indirect.gather [hbm4b:s5+s24], $0x80, s21, s24, $0xb8;
	[tilespmem:$0x1CE00] =	vst v63  }
.LBB2_2:
0x4e: {  	_ =	swait.ge [sflag:s0], $0x28  }
0x4f: {  	[sflag:s0] =	ssyncset.done $0x0  }
0x50: {  	[sflag:s0] =	ssyncadd.s32 $0xFFFFFFD8  }
0x51: {  	_ =	swait.ge [sflag:s26], $0x1400  }
0x52: {  	[sflag:s26] =	ssyncset.done $0x0  }
0x53: {  	[sflag:s26] =	ssyncadd.s32 $0xFFFFEC00  }
0x54: {  	[spmem:s3] =	stream.indirect.scatter.add.f32 [tilespmem:s25], [sflag:$0xB], $0x80, s23, s24, $0xb8;
	[tilespmem:$0x1CE00] =	vst v63  }
0x55: {  	_ =	swait.ge [sflag:s22], $0x1400  }
0x56: {  	p0 =	seq.s32 s9, $0x9920;
	[sflag:s22] =	ssyncset.done $0x0  }
0x57: {  	s13 =	simm.s32 @p0 $0x7;
	[sflag:s22] =	ssyncadd.s32 $0xFFFFEC00  }
0x58: {  	_ =	swait.ge @p0 [sflag:s13], $0x28  }
0x59: {  	[sflag:s13] =	ssyncset.done @p0 $0x0  }
0x5a: {  	[sflag:s13] =	ssyncadd.s32 @p0 $0xFFFFFFD8;
	s13 =	simm.s32 @p0 $0x2  }
0x5b: {  	_ =	swait.ge @p0 [sflag:s13], $0x1400  }
0x5c: {  	s12 =	simm.s32 @p0 $0x28;
	s14 =	simm.s32 @p0 $0x3E00;
	[sflag:s13] =	ssyncset.done @p0 $0x0  }
0x5d: {  	s7 =	simm.s32 @p0 $0xB;
	[sflag:s13] =	ssyncadd.s32 @p0 $0xFFFFEC00;
	s13 =	simm.s32 @p0 $0x2800  }
0x5e: {  	[spmem:s3] =	stream.indirect.scatter.add.f32 @p0 [tilespmem:s14], [sflag:$0xB], $0x80, s13, s12, $0xb8;
	[tilespmem:$0x1CE00] =	vst v63  }
0x5f: {  	_ =	swait.ge @p0 [sflag:s7], $0x1400  }
0x60: {  	[sflag:s7] =	ssyncset.done @p0 $0x0  }
0x61: {  	[sflag:s7] =	ssyncadd.s32 @p0 $0xFFFFEC00  }
0x62: {  	s13 =	sshrl.u32 @!p0 s20, $0x3;
	s2 =	rddreg [dreg:$0x1]  }
0x63: {  	s15 =	simm.s32 @!p0 $0x0;
	s14 =	simm.s32 @!p0 $0x2780;
	s13 =	sadd.s32 @!p0 s2, s13  }
0x64: {  	[tilespmem:s14], [sflag:$0x6] =	stream.linear.gather @!p0 [hbm4b:s13+s15], $0x28, $0x38;
	[tilespmem:$0x1CE00] =	vst v63  }
0x65: {  	s14 =	sshra.s32 @!p0 s9, $0x2  }
0x66: {  	s11 =	simm.s32 @!p0 $0x2A00;
	s13 =	simm.s32 @!p0 $0x28;
	s21 =	sadd.s32 @!p0 $0xC8, s14  }
0x67: {  	[tilespmem:s11], [sflag:$0x1] =	stream.indirect.gather @!p0 [hbm4b:s5+s13], $0x80, s21, s13, $0xb8;
	[tilespmem:$0x1CE00] =	vst v63  }
0x68: {  	s11 =	simm.s32 @!p0 $0x7  }
0x69: {  	_ =	swait.ge @!p0 [sflag:s11], $0x28  }
0x6a: {  	[sflag:s11] =	ssyncset.done @!p0 $0x0  }
0x6b: {  	[sflag:s11] =	ssyncadd.s32 @!p0 $0xFFFFFFD8;
	s11 =	simm.s32 @!p0 $0x2  }
0x6c: {  	_ =	swait.ge @!p0 [sflag:s11], $0x1400  }
0x6d: {  	s2 =	simm.s32 @!p0 $0xB;
	[sflag:s11] =	ssyncset.done @!p0 $0x0  }
0x6e: {  	s21 =	simm.s32 @!p0 $0x3E00;
	[sflag:s11] =	ssyncadd.s32 @!p0 $0xFFFFEC00;
	s11 =	simm.s32 @!p0 $0x2800  }
0x6f: {  	[spmem:s3] =	stream.indirect.scatter.add.f32 @!p0 [tilespmem:s21], [sflag:$0xB], $0x80, s11, s13, $0xb8;
	[tilespmem:$0x1CE00] =	vst v63  }
0x70: {  	_ =	swait.ge @!p0 [sflag:s2], $0x1400  }
0x71: {  	[sflag:s2] =	ssyncset.done @!p0 $0x0  }
0x72: {  	[sflag:s2] =	ssyncadd.s32 @!p0 $0xFFFFEC00  }
0x73: {  	[tilespmem:s11], [sflag:$0x7] =	stream.linear.gather @!p0 [hbm4b:s19+s15], $0x28, $0x38;
	[tilespmem:$0x1CE00] =	vst v63  }
0x74: {  	s11 =	sadd.s32 @!p0 $0xF0, s14  }
0x75: {  	[tilespmem:s21], [sflag:$0x2] =	stream.indirect.gather @!p0 [hbm4b:s5+s13], $0x80, s11, s13, $0xb8;
	[tilespmem:$0x1CE00] =	vst v63  }
0x76: {  	_ =	swait.ge [sflag:s30], $0x28  }
0x77: {  	[sflag:s30] =	ssyncset.done $0x0  }
0x78: {  	[sflag:s30] =	ssyncadd.s32 $0xFFFFFFD8  }
0x79: {  	_ =	swait.ge [sflag:s6], $0x1400  }
0x7a: {  	[sflag:s6] =	ssyncset.done $0x0  }
0x7b: {  	[sflag:s6] =	ssyncadd.s32 $0xFFFFEC00  }
0x7c: {  	[spmem:s3] =	stream.indirect.scatter.add.f32 [tilespmem:s31], [sflag:$0xB], $0x80, s29, s24, $0xb8;
	[tilespmem:$0x1CE00] =	vst v63  }
0x7d: {  	_ =	swait.ge [sflag:s22], $0x1400  }
0x7e: {  	[sflag:s22] =	ssyncset.done $0x0  }
0x7f: {  	s11 =	simm.s32 @p0 $0x9;
	[sflag:s22] =	ssyncadd.s32 $0xFFFFEC00  }
0x80: {  	_ =	swait.ge @p0 [sflag:s11], $0x28  }
0x81: {  	[sflag:s11] =	ssyncset.done @p0 $0x0  }
0x82: {  	[sflag:s11] =	ssyncadd.s32 @p0 $0xFFFFFFD8;
	s11 =	simm.s32 @p0 $0x4  }
0x83: {  	_ =	swait.ge @p0 [sflag:s11], $0x1400  }
0x84: {  	[sflag:s11] =	ssyncset.done @p0 $0x0  }
0x85: {  	s21 =	simm.s32 @p0 $0x6600;
	[sflag:s11] =	ssyncadd.s32 @p0 $0xFFFFEC00;
	s11 =	simm.s32 @p0 $0x2900  }
0x86: {  	[spmem:s3] =	stream.indirect.scatter.add.f32 @p0 [tilespmem:s21], [sflag:$0xB], $0x80, s11, s12, $0xb8;
	[tilespmem:$0x1CE00] =	vst v63  }
0x87: {  	_ =	swait.ge @p0 [sflag:s7], $0x1400  }
0x88: {  	[sflag:s7] =	ssyncset.done @p0 $0x0  }
0x89: {  	[sflag:s7] =	ssyncadd.s32 @p0 $0xFFFFEC00;
	s7 =	simm.s32 @!p0 $0x2880  }
0x8a: {  	[tilespmem:s7], [sflag:$0x8] =	stream.linear.gather @!p0 [hbm4b:s18+s15], $0x28, $0x38;
	[tilespmem:$0x1CE00] =	vst v63  }
0x8b: {  	s11 =	simm.s32 @!p0 $0x5200;
	s7 =	sadd.s32 @!p0 $0x118, s14  }
0x8c: {  	[tilespmem:s11], [sflag:$0x3] =	stream.indirect.gather @!p0 [hbm4b:s5+s13], $0x80, s7, s13, $0xb8;
	[tilespmem:$0x1CE00] =	vst v63  }
0x8d: {  	s7 =	simm.s32 @!p0 $0x9  }
0x8e: {  	_ =	swait.ge @!p0 [sflag:s7], $0x28  }
0x8f: {  	[sflag:s7] =	ssyncset.done @!p0 $0x0  }
0x90: {  	[sflag:s7] =	ssyncadd.s32 @!p0 $0xFFFFFFD8;
	s7 =	simm.s32 @!p0 $0x4  }
0x91: {  	_ =	swait.ge @!p0 [sflag:s7], $0x1400  }
0x92: {  	[sflag:s7] =	ssyncset.done @!p0 $0x0  }
0x93: {  	s11 =	simm.s32 @!p0 $0x6600;
	[sflag:s7] =	ssyncadd.s32 @!p0 $0xFFFFEC00;
	s7 =	simm.s32 @!p0 $0x2900  }
0x94: {  	[spmem:s3] =	stream.indirect.scatter.add.f32 @!p0 [tilespmem:s11], [sflag:$0xB], $0x80, s7, s13, $0xb8;
	[tilespmem:$0x1CE00] =	vst v63  }
0x95: {  	_ =	swait.ge @!p0 [sflag:s2], $0x1400  }
0x96: {  	[sflag:s2] =	ssyncset.done @!p0 $0x0  }
0x97: {  	[sflag:s2] =	ssyncadd.s32 @!p0 $0xFFFFEC00  }
0x98: {  	[tilespmem:s7], [sflag:$0x9] =	stream.linear.gather @!p0 [hbm4b:s17+s15], $0x28, $0x38;
	[tilespmem:$0x1CE00] =	vst v63  }
0x99: {  	s2 =	sadd.s32 @!p0 $0x140, s14  }
0x9a: {  	[tilespmem:s11], [sflag:$0x4] =	stream.indirect.gather @!p0 [hbm4b:s5+s13], $0x80, s2, s13, $0xb8;
	[tilespmem:$0x1CE00] =	vst v63  }
0x9b: {  	_ =	swait.ge [sflag:s8], $0x28  }
0x9c: {  	[sflag:s8] =	ssyncset.done $0x0  }
0x9d: {  	[sflag:s8] =	ssyncadd.s32 $0xFFFFFFD8  }
0x9e: {  	_ =	swait.ge [sflag:s10], $0x1400  }
0x9f: {  	[sflag:s10] =	ssyncset.done $0x0  }
.Ltmp2:
0xa0: {  	[sflag:s10] =	ssyncadd.s32 $0xFFFFEC00;
	(pc) =	sbr.rel @p0 .LBB2_4-.Ltmp2, $4  }
0xa1: {  	[spmem:s3] =	stream.indirect.scatter.add.f32 [tilespmem:s1], [sflag:$0xB], $0x80, s28, s24, $0xb8;
	[tilespmem:$0x1CE00] =	vst v63  }
0xa2: {  	_ =	swait.ge [sflag:s22], $0x1400  }
0xa3: {  	[sflag:s22] =	ssyncset.done $0x0  }
0xa4: {  	[sflag:s22] =	ssyncadd.s32 $0xFFFFEC00  }
0xa5: {  	[tilespmem:s28], [sflag:$0xA] =	stream.linear.gather [hbm4b:s16+s4], $0x28, $0x38;
	[tilespmem:$0x1CE00] =	vst v63  }
.Ltmp3:
0xa6: {  	_ = 	snop;
	(pc) =	sbr.rel .LBB2_2-.Ltmp3, $4  }
0xa7: {  	s2 =	sshra.s32 s9, $0x2;
	s16 =	sadd.s32 $0x19, s16  }
0xa8: {  	s9 =	sadd.s32 $0x320, s9;
	s17 =	sadd.s32 $0x19, s17;
	s18 =	sadd.s32 $0x19, s18  }
0xa9: {  	s19 =	sadd.s32 $0x19, s19;
	s20 =	sadd.s32 $0xC8, s20;
	s2 =	sadd.s32 $0x168, s2  }
0xaa: {  	[tilespmem:s1], [sflag:$0x5] =	stream.indirect.gather [hbm4b:s5+s24], $0x80, s2, s24, $0xb8;
	[tilespmem:$0x1CE00] =	vst v63  }
.LBB2_5:
0xab: {  	_ =	sfence.sel $0x180000  }
0xac: {  	[bflag:$0x0] =	sbarrier.arrive $0xFFFF  }
0xad: {  	_ =	strace $0x9000004A  }
0xae: {  	s0 =	stileid.u32;
	[bflag:$0x2] =	sbarrier.arrive $0xFFFF  }
0xaf: {  	p0 =	sne.s32 s0, $0x0;
	s0 =	rddreg [dreg:$0x3]  }
0xb0: {  	s0 =	sadd.s32 @!p0 $0x100000, s0  }
0xb1: {  	[sflag:s0] =	ssyncadd.tile.s32 @!p0 $0x1;
	_ =	shalt  }
.Lfunc_end2:
_tile_overlayer_lowered:
.L_overlay_start_2:
0xb2: {  	(tag) =	ssettag $0x2  }
0xb3: {  	s0 =	rddreg [dreg:$0x0];
	s2 =	stileid.u32  }
0xb4: {  	s1 =	rddreg [dreg:$0x1];
	p0 =	sne.s32 s2, $0x0  }
0xb5: {  	s3 =	rddreg [dreg:$0x2];
	[bflag:$0x3] =	sbarrier.arrive $0xFFFF;
	s2 =	simm.s32 @!p0 $0x1C0B  }
0xb6: {  	[timem:s3], [sflag:s2] =	dma.local @!p0 [hbm:s0], s1  }
0xb7: {  	s0 =	simm.s32 @!p0 $0xB  }
0xb8: {  	_ =	swait.ge @!p0 [sflag:s0], s1  }
0xb9: {  	s1 =	ssub.s32 @!p0 $0x0, s1;
	[sflag:s0] =	ssyncset.done @!p0 $0x0  }
0xba: {  	[sflag:s0] =	ssyncadd.s32 @!p0 s1  }
0xbb: {  	[bflag:$0x3] =	sbarrier.arrive $0xFFFF  }
0xbc: {  	_ =	shalt  }

// kernel: kernel.17.cloned.1.call-start
scs
__scs_entry_jumppad:
0x0: {  	(pc) =	sbr.rel $0x88, $3  }
0x1: {  	(tag) =	ssettag $0x0;
	lr =	simm.s32 $0x1  }
0x2: {  	[smem:$0x3F9A] =	sst lr;
	_ =	strace $0xD0000000  }
0x3: {  	_ = 	snop  }
0x4: {  	_ = 	snop  }
0x5: {  	_ = 	snop  }
0x6: {  	_ = 	snop  }
0x7: {  	_ = 	snop  }
__scs_overlays_trampoline_lowered:
0x8: {  	[smem:$0x3FA9] =	sst s0  }
0x9: {  	[smem:$0x3FAA] =	sst s1  }
0xa: {  	[smem:$0x3FAB] =	sst s2  }
0xb: {  	[smem:$0x3FAC] =	sst s3  }
0xc: {  	[smem:$0x3FAD] =	sst s4  }
0xd: {  	[smem:$0x3FAE] =	sst s5  }
0xe: {  	[smem:$0x3FAF] =	sst s6  }
0xf: {  	[smem:$0x3FB0] =	sst s7  }
0x10: {  	[smem:$0x3FB1] =	sst s8  }
0x11: {  	[smem:$0x3FB2] =	sst s9;
	s0 =	simm.s32 @!p0 $0x0  }
0x12: {  	s1 =	sld [smem:$0x3F98];
	s0 =	simm.s32 @p0 $0x1  }
0x13: {  	[smem:$0x3FB3] =	sst s0;
	s0 =	simm.s32 @!p1 $0x0  }
0x14: {  	s2 =	sld [smem:$0x3F97];
	s0 =	simm.s32 @p1 $0x1  }
0x15: {  	[smem:$0x3FB4] =	sst s0;
	s0 =	simm.s32 @!p2 $0x0  }
0x16: {  	s3 =	sld [smem:$0x3FDB];
	s0 =	simm.s32 @p2 $0x1  }
0x17: {  	s4 =	simm.s32 $0x1BF5;
	[smem:$0x3FB6] =	sst s0  }
0x18: {  	s0 =	sld [smem:$0x3F99];
	_ =	swait.ge [sflag:s4], $0x0  }
0x19: {  	s7 =	sld [smem:$0x3F9A]  }
0x1a: {  	s8 =	sadd.s32 $0xFFFFE003, lr  }
0x1b: {  	s9 =	sadd.s32 $0xFFFFFEF7, lr;
	s5 =	simm.s32 $0xFFFFFFFF;
	p2 =	slt.u32 s8, $0xFFFFF086  }
0x1c: {  	p1 =	slt.u32 s9, $0xF7A;
	s5 =	simm.s32 @!p2 $0x0  }
0x1d: {  	s5 =	simm.s32 @p1 $0x1;
	p0 =	seq.s32 s7, s2  }
0x1e: {  	s7 =	smul.u32 @!p0 $0xF7A, s2;
	p2 =	seq.s32 @!p0 s5, $0x0  }
0x1f: {  	s9 =	smul.u32 $0xF7A, s1;
	s8 =	simm.s32 @!p0 $0x1BF5;
	p2 =	por !p2, p0  }
0x20: {  	[sflag:s8] =	ssyncset.s32 @!p0 $0xFFFFF086;
	s6 =	sadd.s32 @!p0 s3, s7;
	s7 =	simm.s32 @!p0 $0x108  }
0x21: {  	s3 =	sadd.s32 s3, s9;
	s6 =	sadd.s32 @!p0 $0x88, s6;
	s7 =	simm.s32 @p2 $0x1082  }
0x22: {  	[simem:s7], [sflag:s8] =	dma.local @!p0 [hbm:s6], $0xF7A  }
0x23: {  	s9 =	sor.u32 $0xD0000000, s2;
	s6 =	simm.s32 $0x108;
	_ =	swait.ge @!p0 [sflag:s8], $0x0  }
0x24: {  	s3 =	sadd.s32 $0x88, s3;
	s6 =	simm.s32 @!p1 $0x1082;
	[sflag:s4] =	ssyncset.s32 $0xFFFFF086  }
0x25: {  	[simem:s6], [sflag:s4] =	dma.local [hbm:s3], $0xF7A  }
0x26: {  	[smem:$0x3F9A] =	sst s1;
	(tag) =	ssettag s2;
	_ =	strace s9  }
0x27: {  	s1 =	sld [smem:$0x3FAA]  }
0x28: {  	s2 =	sld [smem:$0x3FAB]  }
0x29: {  	s4 =	sld [smem:$0x3FAD]  }
0x2a: {  	p0 =	seq.s32 s5, $0x0;
	s5 =	sld [smem:$0x3FAE]  }
0x2b: {  	s6 =	sld [smem:$0x3FAF]  }
0x2c: {  	s7 =	sld [smem:$0x3FB0]  }
0x2d: {  	s3 =	simm.s32 $0x108;
	s8 =	sld [smem:$0x3FB1]  }
0x2e: {  	s3 =	simm.s32 @!p0 $0x1082;
	s9 =	sld [smem:$0x3FB2]  }
0x2f: {  	lr =	sadd.s32 s0, s3;
	s0 =	sld [smem:$0x3FA9]  }
0x30: {  	s3 =	sld [smem:$0x3FAC]  }
0x31: {  	[smem:$0x3FB5] =	sst s10  }
0x32: {  	s10 =	sld [smem:$0x3FB3];
	_ =	sdelay $0x3  }
0x33: {  	p0 =	seq.s32 s10, $0x1;
	s10 =	sld [smem:$0x3FB5];
	_ =	sdelay $0x3  }
0x34: {  	[smem:$0x3FB5] =	sst s10  }
0x35: {  	s10 =	sld [smem:$0x3FB4];
	_ =	sdelay $0x3  }
0x36: {  	p1 =	seq.s32 s10, $0x1;
	s10 =	sld [smem:$0x3FB5];
	_ =	sdelay $0x3  }
0x37: {  	[smem:$0x3FB5] =	sst s10  }
0x38: {  	s10 =	sld [smem:$0x3FB6]  }
0x39: {  	_ = 	snop;
	(pc) =	sbr.ind lr, $3  }
0x3a: {  	_ = 	snop  }
0x3b: {  	_ = 	snop  }
0x3c: {  	p2 =	seq.s32 s10, $0x1;
	s10 =	sld [smem:$0x3FB5]  }
0x3d: {  	_ =	shalt  }
0x3e: {  	_ =	shalt  }
0x3f: {  	_ =	shalt  }
0x40: {  	_ =	shalt  }
0x41: {  	_ =	shalt  }
0x42: {  	_ =	shalt  }
0x43: {  	_ =	shalt  }
0x44: {  	_ =	shalt  }
0x45: {  	_ =	shalt  }
0x46: {  	_ =	shalt  }
0x47: {  	_ =	shalt  }
0x48: {  	_ =	shalt  }
0x49: {  	_ =	shalt  }
0x4a: {  	_ =	shalt  }
0x4b: {  	_ =	shalt  }
0x4c: {  	_ =	shalt  }
0x4d: {  	_ =	shalt  }
0x4e: {  	_ =	shalt  }
0x4f: {  	_ =	shalt  }
0x50: {  	_ =	shalt  }
0x51: {  	_ =	shalt  }
0x52: {  	_ =	shalt  }
0x53: {  	_ =	shalt  }
0x54: {  	_ =	shalt  }
0x55: {  	_ =	shalt  }
0x56: {  	_ =	shalt  }
0x57: {  	_ =	shalt  }
0x58: {  	_ =	shalt  }
0x59: {  	_ =	shalt  }
0x5a: {  	_ =	shalt  }
0x5b: {  	_ =	shalt  }
0x5c: {  	_ =	shalt  }
0x5d: {  	_ =	shalt  }
0x5e: {  	_ =	shalt  }
0x5f: {  	_ =	shalt  }
0x60: {  	_ =	shalt  }
0x61: {  	_ =	shalt  }
0x62: {  	_ =	shalt  }
0x63: {  	_ =	shalt  }
0x64: {  	_ =	shalt  }
0x65: {  	_ =	shalt  }
0x66: {  	_ =	shalt  }
0x67: {  	_ =	shalt  }
0x68: {  	_ =	shalt  }
0x69: {  	_ =	shalt  }
0x6a: {  	_ =	shalt  }
0x6b: {  	_ =	shalt  }
0x6c: {  	_ =	shalt  }
0x6d: {  	_ =	shalt  }
0x6e: {  	_ =	shalt  }
0x6f: {  	_ =	shalt  }
0x70: {  	_ =	shalt  }
0x71: {  	_ =	shalt  }
0x72: {  	_ =	shalt  }
0x73: {  	_ =	shalt  }
0x74: {  	_ =	shalt  }
0x75: {  	_ =	shalt  }
0x76: {  	_ =	shalt  }
0x77: {  	_ =	shalt  }
0x78: {  	_ =	shalt  }
0x79: {  	_ =	shalt  }
0x7a: {  	_ =	shalt  }
0x7b: {  	_ =	shalt  }
0x7c: {  	_ =	shalt  }
0x7d: {  	_ =	shalt  }
0x7e: {  	_ =	shalt  }
0x7f: {  	_ =	shalt  }
0x80: {  	_ =	shalt  }
0x81: {  	_ =	shalt  }
0x82: {  	_ =	shalt  }
0x83: {  	_ =	shalt  }
0x84: {  	_ =	shalt  }
0x85: {  	_ =	shalt  }
0x86: {  	_ =	shalt  }
0x87: {  	_ =	shalt  }
.Lfunc_end0:
.L_simem_size_0:
called_computation.2_lowered:
.L_overlay_start_0:
0x88: {  	s2 =	sld [smem:$0x3FD9]  }
0x89: {  	s3 =	sld [smem:$0x3FFE];
	_ =	sdelay $0x1  }
0x8a: {  	s1 =	srdreg.scid  }
0x8b: {  	s0 =	sand.u32 $0x1, s1  }
0x8c: {  	s17 =	sshll.u32 s0, $0xA;
	s2 =	sadd.s32 s3, s2  }
0x8d: {  	s2 =	sadd.s32 s2, s17  }
0x8e: {  	[smem:$0x3FC1] =	sst s2  }
0x8f: {  	_ = 	snop  }
0x90: {  	s2 =	sld [smem:$0x3FD0];
	(tm) =	ssettm $0x1  }
0x91: {  	s18 =	sld [smem:$0x3FFB];
	_ =	sdelay $0x3  }
0x92: {  	_ =	strace s18  }
0x93: {  	s3 =	sld [smem:$0x3FFC];
	_ =	sdelay $0x3  }
0x94: {  	_ =	strace s3  }
0x95: {  	s3 =	sld [smem:$0x3FFD];
	_ =	sdelay $0x3  }
0x96: {  	_ =	strace s3  }
0x97: {  	_ =	strace $0x8FFFFFFF  }
0x98: {  	s19 =	sld [smem:$0x3FDB];
	_ =	sdelay $0x1  }
0x99: {  	s4 =	simm.s32 $_scs_section_size  }
0x9a: {  	s5 =	simm.s32 $_size__tile_overlayer_lowered;
	s6 =	simm.s32 $_tile_overlayer_lowered  }
0x9b: {  	s22 =	simm.s32 $0x1BFF;
	s21 =	sshll.u32 s6, $0x1;
	s3 =	sadd.s32 s4, s19  }
0x9c: {  	s7 =	simm.s32 $0x0;
	s20 =	sshll.u32 s5, $0x1;
	s5 =	sadd.s32 s21, s3  }
0x9d: {  	[timem:s7], [sflag:s22] =	dma.local [hbm:s5], s20  }
0x9e: {  	_ =	swait.ge [sflag:s22], s20  }
0x9f: {  	s4 =	ssub.s32 $0x0, s20;
	[sflag:s22] =	ssyncset.done $0x0  }
0xa0: {  	[sflag:s22] =	ssyncadd.s32 s4;
	_ =	sdelay $0x1  }
0xa1: {  	s23 =	simm.s32 $0x1B8B  }
0xa2: {  	_ =	swait.ge [sflag:s23], $0x1  }
0xa3: {  	[sflag:s23] =	ssyncset.done $0x0  }
0xa4: {  	s25 =	simm.s32 $0x1B8E;
	s24 =	sld [smem:$0x3FFE];
	[sflag:s23] =	ssyncadd.s32 $0xFFFFFFFF  }
0xa5: {  	s26 =	simm.s32 $execute0_lowered;
	[smem:$0x3FD2] =	sst s25  }
0xa6: {  	s5 =	sshll.u32 s26, $0x1;
	_ =	strace $0x8000004C;
	[dreg:$0x1] =	wrdreg $0xFFFFFFFF  }
0xa7: {  	s28 =	simm.s32 $_size_execute0_lowered;
	s3 =	sadd.s32 s3, s5;
	[dreg:$0x0] =	wrdreg $0x0  }
0xa8: {  	s5 =	sshll.u32 s28, $0x1;
	[dreg:$0x2] =	wrdreg s3  }
0xa9: {  	[dreg:$0x3] =	wrdreg s5  }
0xaa: {  	[dreg:$0x4] =	wrdreg $0xC0  }
0xab: {  	_ =	task [dreg:s7], $0x5FFFF  }
0xac: {  	[dreg:$0x1] =	wrdreg $0xFFFFFFFF  }
0xad: {  	[dreg:$0x0] =	wrdreg $0x60  }
0xae: {  	[dreg:$0x2] =	wrdreg s24  }
0xaf: {  	[dreg:$0x3] =	wrdreg s2  }
0xb0: {  	[dreg:$0x4] =	wrdreg $0x8E000  }
0xb1: {  	[dreg:$0x5] =	wrdreg $0x9  }
0xb2: {  	_ =	task.clear_ibuf [dreg:s7], $0x6FFFF;
	_ =	strace $0x9000004C  }
0xb3: {  	s29 =	simm.s32 $0x9;
	_ =	strace $0x8000004E  }
0xb4: {  	_ =	swait.ge [sflag:s29], $0x1  }
0xb5: {  	[sflag:s29] =	ssyncadd.s32 $0xFFFFFFFF  }
0xb6: {  	_ =	strace $0x9000004E  }
0xb7: {  	_ =	sfence  }
0xb8: {  	s30 =	sld [smem:$0x0];
	_ =	sdelay $0x2  }
0xb9: {  	s31 =	sshll.u32 s1, $0xD;
	s1 =	sshrl.u32 s1, $0x2  }
0xba: {  	s3 =	sand.u32 $0x4000, s31;
	s1 =	sadd.s32 s1, s30  }
0xbb: {  	s0 =	sor.u32 s3, s0;
	s1 =	sshll.u32 s1, $0x11  }
0xbc: {  	s0 =	sor.u32 s1, s0  }
0xbd: {  	s0 =	sadd.s32 $0x8F2B, s0  }
0xbe: {  	[sflag:s0] =	ssyncadd.remote.s32 $0x1  }
0xbf: {  	_ =	sfence.sel $0xFFFF  }
0xc0: {  	[dreg:$0x0] =	wrdreg $0xFFFFFFFF;
	(pc) =	sbr.abs _section_cstart, $3  }
0xc1: {  	[dreg:$0x1] =	wrdreg $0xFFFFFFFF  }
0xc2: {  	_ =	task.clear_ibuf [dreg:s7], $0x2FFFF;
	_ =	strace $0x9FFFFFFF  }
0xc3: {  	(tm) =	ssettm $0x7FFFFFFF  }
tec
execute0_lowered:
.L_overlay_start_1:
0x0: {  	(tag) =	ssettag $0x1  }
0x1: {  	s1 =	rddreg [dreg:$0x0]  }
0x2: {  	s0 =	srdreg.scid;
	s14 =	rddreg [dreg:$0x1]  }
0x3: {  	s2 =	stileid.u32;
	s3 =	rddreg [dreg:$0x2];
	s21 =	simm.s32 $0x0  }
0x4: {  	s29 =	simm.s32 $0x2880;
	s31 =	simm.s32 $0x5200;
	s7 =	smul.u32 $0x2800, s2  }
0x5: {  	s28 =	simm.s32 $0x2980;
	s30 =	simm.s32 $0x8;
	s10 =	smul.u32 $0x50000, s2  }
0x6: {  	s0 =	sand.u32 $0x1, s0;
	[smem:$0x7FF] =	sst s21;
	s26 =	smul.u32 $0x2710, s2  }
0x7: {  	s24 =	sshll.u32 s2, $0x6;
	s4 =	sshll.u32 s0, $0x4;
	s8 =	smul.u32 $0x28000, s0  }
0x8: {  	_ =	strace $0x8000004D;
	s13 =	ssub.s32 $0x2, s0;
	s0 =	smul.u32 $0x27100, s0  }
0x9: {  	s5 =	sor.u32 s2, s4;
	s12 =	sadd.s32 s7, s1;
	s22 =	sshrl.u32 s13, $0x1  }
0xa: {  	s10 =	sshrl.u32 s10, $0x2;
	s4 =	sor.u32 $0x1C0B, s24;
	s6 =	smul.u32 $0x2710, s5  }
0xb: {  	s5 =	sadd.s32 $0x126800, s1;
	s7 =	sadd.s32 s7, s8;
	s8 =	ssub.s32 s13, s22  }
0xc: {  	s23 =	sadd.s32 $0xF200, s12;
	s0 =	sadd.s32 s26, s0;
	[dreg:$0x5] =	wrdreg s4  }
0xd: {  	s10 =	sadd.s32 s10, s3;
	[dreg:$0x4] =	wrdreg s23;
	s18 =	sadd.s32 $0x168, s0  }
0xe: {  	s20 =	smax.u32 s8, $0x1;
	s22 =	sadd.s32 $0x140, s0;
	s23 =	sadd.s32 $0x118, s0  }
0xf: {  	s24 =	sadd.s32 $0xF0, s0;
	s0 =	sadd.s32 $0xC8, s0;
	s9 =	sshrl.u32 s6, $0x3  }
0x10: {  	s25 =	sadd.s32 $0x28, s6;
	s6 =	sadd.s32 $0x78, s6;
	[dreg:$0xd] =	wrdreg s20  }
0x11: {  	s19 =	sshrl.u32 s18, $0x3;
	s8 =	sshrl.u32 s24, $0x3;
	[dreg:$0x12] =	wrdreg s0  }
0x12: {  	s24 =	simm.s32 $0x28;
	s0 =	simm.s32 $0x6;
	s11 =	sadd.s32 s9, s1  }
0x13: {  	s1 =	sadd.s32 s7, s1;
	s15 =	sshrl.u32 s25, $0x3;
	s21 =	sadd.s32 s19, s14  }
0x14: {  	s6 =	sshrl.u32 s6, $0x3;
	s26 =	sadd.s32 s8, s14;
	[dreg:$0xe] =	wrdreg s21  }
0x15: {  	s8 =	simm.s32 $0xA;
	s7 =	sadd.s32 $0x3400, s11;
	[dreg:$0x11] =	wrdreg s26  }
0x16: {  	s11 =	sadd.s32 s14, s9;
	s16 =	sadd.s32 s14, s15;
	[dreg:$0x6] =	wrdreg s7  }
0x17: {  	s6 =	sadd.s32 s14, s6;
	s1 =	sadd.s32 $0x37200, s1;
	[dreg:$0x8] =	wrdreg s16  }
0x18: {  	s26 =	simm.s32 $0x1;
	s9 =	simm.s32 $0x0;
	[dreg:$0xa] =	wrdreg s6  }
0x19: {  	s17 =	sadd.s32 $0xA, s11;
	[dreg:$0x7] =	wrdreg s11;
	s2 =	sadd.s32 $0x14, s11  }
0x1a: {  	[dreg:$0xc] =	wrdreg s1;
	s1 =	sshrl.u32 s22, $0x3;
	s6 =	sshrl.u32 s23, $0x3  }
.Ltmp0:
0x1b: {  	s7 =	sshrl.u32 s10, $0x3;
	[dreg:$0x9] =	wrdreg s17;
	(pc) =	sbr.rel .LBB2_1-.Ltmp0, $4  }
0x1c: {  	s22 =	simm.s32 $0xB;
	s23 =	simm.s32 $0x2780;
	[dreg:$0xb] =	wrdreg s2  }
0x1d: {  	s10 =	simm.s32 $0x5;
	s1 =	sadd.s32 s1, s14;
	[dreg:$0x13] =	wrdreg s7  }
0x1e: {  	s25 =	sadd.s32 s6, s14;
	s6 =	simm.s32 $0x3;
	[dreg:$0xf] =	wrdreg s1  }
0x1f: {  	[dreg:$0x10] =	wrdreg s25;
	s25 =	simm.s32 $0x2A00;
	s1 =	simm.s32 $0x7A00  }
.LBB2_4:
0x20: {  	[bflag:$0x0] =	sbarrier.arrive $0xFFFF  }
0x21: {  	s4 =	rddreg [dreg:$0x5]  }
0x22: {  	s2 =	rddreg [dreg:$0xc]  }
0x23: {  	s7 =	rddreg [dreg:$0x13]  }
0x24: {  	[hbm:s2], [sflag:s4] =	dma.local [spmem:s7], $0x2800  }
0x25: {  	_ =	swait.ge [sflag:s22], $0x2800  }
0x26: {  	s9 =	rddreg [dreg:$0x14]  }
0x27: {  	s21 =	rddreg [dreg:$0xd];
	s9 =	sadd.s32 $0x1, s9  }
0x28: {  	p0 =	sne.s32 s9, s21  }
.Ltmp1:
0x29: {  	_ = 	snop;
	(pc) =	sbr.rel @!p0 .LBB2_5-.Ltmp1, $3  }
0x2a: {  	_ =	sdelay $0x1  }
0x2b: {  	[sflag:s22] =	ssyncset.done $0x0  }
0x2c: {  	[sflag:s22] =	ssyncadd.s32 $0xFFFFD800  }
.LBB2_1:
0x2d: {  	[dreg:$0x14] =	wrdreg s9  }
0x2e: {  	s2 =	rddreg [dreg:$0x4]  }
0x2f: {  	[spmem:s7], [sflag:s4] =	dma.local [hbm:s2], $0x2800  }
0x30: {  	_ =	swait.ge [sflag:s22], $0x2800  }
0x31: {  	[sflag:s22] =	ssyncset.done $0x0  }
0x32: {  	s21 =	simm.s32 $0x0;
	s7 =	rddreg [dreg:$0x6];
	[sflag:s22] =	ssyncadd.s32 $0xFFFFD800  }
0x33: {  	[tilespmem:s21], [sflag:$0xB] =	stream.linear.gather [hbm4b:s7+s21], $0x2710, $0x38;
	[tilespmem:$0x1CE00] =	vst v63  }
0x34: {  	_ =	swait.ge [sflag:s22], $0x2710  }
0x35: {  	[sflag:s22] =	ssyncset.done $0x0  }
0x36: {  	[sflag:s22] =	ssyncadd.s32 $0xFFFFD8F0  }
0x37: {  	[bflag:$0x0] =	sbarrier.arrive $0xFFFF  }
0x38: {  	s9 =	rddreg [dreg:$0x7]  }
0x39: {  	[tilespmem:s23], [sflag:$0x6] =	stream.linear.gather [hbm4b:s9+s21], $0x28, $0x38;
	[tilespmem:$0x1CE00] =	vst v63  }
0x3a: {  	_ = 	snop  }
0x3b: {  	[tilespmem:s25], [sflag:$0x1] =	stream.indirect.gather [hbm4b:s5+s24], $0x80, s21, s24, $0xb8;
	[tilespmem:$0x1CE00] =	vst v63  }
0x3c: {  	s12 =	simm.s32 $0x2800;
	s11 =	rddreg [dreg:$0x8]  }
0x3d: {  	[tilespmem:s12], [sflag:$0x7] =	stream.linear.gather [hbm4b:s11+s21], $0x28, $0x38;
	[tilespmem:$0x1CE00] =	vst v63  }
0x3e: {  	s13 =	simm.s32 $0x3E00  }
0x3f: {  	[tilespmem:s13], [sflag:$0x2] =	stream.indirect.gather [hbm4b:s5+s24], $0x80, s24, s24, $0xb8;
	[tilespmem:$0x1CE00] =	vst v63  }
0x40: {  	s14 =	rddreg [dreg:$0x9]  }
0x41: {  	[tilespmem:s29], [sflag:$0x8] =	stream.linear.gather [hbm4b:s14+s21], $0x28, $0x38;
	[tilespmem:$0x1CE00] =	vst v63  }
0x42: {  	s15 =	simm.s32 $0x50;
	s16 =	rddreg [dreg:$0xa]  }
0x43: {  	[tilespmem:s31], [sflag:$0x3] =	stream.indirect.gather [hbm4b:s5+s24], $0x80, s15, s24, $0xb8;
	[tilespmem:$0x1CE00] =	vst v63  }
0x44: {  	s17 =	simm.s32 $0x2900;
	s20 =	rddreg [dreg:$0xb]  }
0x45: {  	[tilespmem:s17], [sflag:$0x9] =	stream.linear.gather [hbm4b:s16+s21], $0x28, $0x38;
	[tilespmem:$0x1CE00] =	vst v63  }
0x46: {  	s17 =	rddreg [dreg:$0xf]  }
0x47: {  	s18 =	simm.s32 $0x78;
	s19 =	simm.s32 $0x6600;
	s16 =	rddreg [dreg:$0xe]  }
0x48: {  	[tilespmem:s19], [sflag:$0x4] =	stream.indirect.gather [hbm4b:s5+s24], $0x80, s18, s24, $0xb8;
	[tilespmem:$0x1CE00] =	vst v63  }
0x49: {  	s19 =	rddreg [dreg:$0x11]  }
0x4a: {  	s4 =	simm.s32 $0x0;
	s18 =	rddreg [dreg:$0x10]  }
0x4b: {  	[tilespmem:s28], [sflag:$0xA] =	stream.linear.gather [hbm4b:s20+s21], $0x28, $0x38;
	[tilespmem:$0x1CE00] =	vst v63  }
0x4c: {  	s9 =	simm.s32 $0x0;
	s21 =	simm.s32 $0xA0;
	s20 =	rddreg [dreg:$0x12]  }
0x4d: {  	[tilespmem:s1], [sflag:$0x5] =	stream.indirect.gather [hbm4b:s5+s24], $0x80, s21, s24, $0xb8;
	[tilespmem:$0x1CE00] =	vst v63  }
.LBB2_2:
0x4e: {  	_ =	swait.ge [sflag:s0], $0x28  }
0x4f: {  	[sflag:s0] =	ssyncset.done $0x0  }
0x50: {  	[sflag:s0] =	ssyncadd.s32 $0xFFFFFFD8  }
0x51: {  	_ =	swait.ge [sflag:s26], $0x1400  }
0x52: {  	[sflag:s26] =	ssyncset.done $0x0  }
0x53: {  	[sflag:s26] =	ssyncadd.s32 $0xFFFFEC00  }
0x54: {  	[spmem:s3] =	stream.indirect.scatter.add.f32 [tilespmem:s25], [sflag:$0xB], $0x80, s23, s24, $0xb8;
	[tilespmem:$0x1CE00] =	vst v63  }
0x55: {  	_ =	swait.ge [sflag:s22], $0x1400  }
0x56: {  	p0 =	seq.s32 s9, $0x9920;
	[sflag:s22] =	ssyncset.done $0x0  }
0x57: {  	s13 =	simm.s32 @p0 $0x7;
	[sflag:s22] =	ssyncadd.s32 $0xFFFFEC00  }
0x58: {  	_ =	swait.ge @p0 [sflag:s13], $0x28  }
0x59: {  	[sflag:s13] =	ssyncset.done @p0 $0x0  }
0x5a: {  	[sflag:s13] =	ssyncadd.s32 @p0 $0xFFFFFFD8;
	s13 =	simm.s32 @p0 $0x2  }
0x5b: {  	_ =	swait.ge @p0 [sflag:s13], $0x1400  }
0x5c: {  	s12 =	simm.s32 @p0 $0x28;
	s14 =	simm.s32 @p0 $0x3E00;
	[sflag:s13] =	ssyncset.done @p0 $0x0  }
0x5d: {  	s7 =	simm.s32 @p0 $0xB;
	[sflag:s13] =	ssyncadd.s32 @p0 $0xFFFFEC00;
	s13 =	simm.s32 @p0 $0x2800  }
0x5e: {  	[spmem:s3] =	stream.indirect.scatter.add.f32 @p0 [tilespmem:s14], [sflag:$0xB], $0x80, s13, s12, $0xb8;
	[tilespmem:$0x1CE00] =	vst v63  }
0x5f: {  	_ =	swait.ge @p0 [sflag:s7], $0x1400  }
0x60: {  	[sflag:s7] =	ssyncset.done @p0 $0x0  }
0x61: {  	[sflag:s7] =	ssyncadd.s32 @p0 $0xFFFFEC00  }
0x62: {  	s13 =	sshrl.u32 @!p0 s20, $0x3;
	s2 =	rddreg [dreg:$0x1]  }
0x63: {  	s15 =	simm.s32 @!p0 $0x0;
	s14 =	simm.s32 @!p0 $0x2780;
	s13 =	sadd.s32 @!p0 s2, s13  }
0x64: {  	[tilespmem:s14], [sflag:$0x6] =	stream.linear.gather @!p0 [hbm4b:s13+s15], $0x28, $0x38;
	[tilespmem:$0x1CE00] =	vst v63  }
0x65: {  	s14 =	sshra.s32 @!p0 s9, $0x2  }
0x66: {  	s11 =	simm.s32 @!p0 $0x2A00;
	s13 =	simm.s32 @!p0 $0x28;
	s21 =	sadd.s32 @!p0 $0xC8, s14  }
0x67: {  	[tilespmem:s11], [sflag:$0x1] =	stream.indirect.gather @!p0 [hbm4b:s5+s13], $0x80, s21, s13, $0xb8;
	[tilespmem:$0x1CE00] =	vst v63  }
0x68: {  	s11 =	simm.s32 @!p0 $0x7  }
0x69: {  	_ =	swait.ge @!p0 [sflag:s11], $0x28  }
0x6a: {  	[sflag:s11] =	ssyncset.done @!p0 $0x0  }
0x6b: {  	[sflag:s11] =	ssyncadd.s32 @!p0 $0xFFFFFFD8;
	s11 =	simm.s32 @!p0 $0x2  }
0x6c: {  	_ =	swait.ge @!p0 [sflag:s11], $0x1400  }
0x6d: {  	s2 =	simm.s32 @!p0 $0xB;
	[sflag:s11] =	ssyncset.done @!p0 $0x0  }
0x6e: {  	s21 =	simm.s32 @!p0 $0x3E00;
	[sflag:s11] =	ssyncadd.s32 @!p0 $0xFFFFEC00;
	s11 =	simm.s32 @!p0 $0x2800  }
0x6f: {  	[spmem:s3] =	stream.indirect.scatter.add.f32 @!p0 [tilespmem:s21], [sflag:$0xB], $0x80, s11, s13, $0xb8;
	[tilespmem:$0x1CE00] =	vst v63  }
0x70: {  	_ =	swait.ge @!p0 [sflag:s2], $0x1400  }
0x71: {  	[sflag:s2] =	ssyncset.done @!p0 $0x0  }
0x72: {  	[sflag:s2] =	ssyncadd.s32 @!p0 $0xFFFFEC00  }
0x73: {  	[tilespmem:s11], [sflag:$0x7] =	stream.linear.gather @!p0 [hbm4b:s19+s15], $0x28, $0x38;
	[tilespmem:$0x1CE00] =	vst v63  }
0x74: {  	s11 =	sadd.s32 @!p0 $0xF0, s14  }
0x75: {  	[tilespmem:s21], [sflag:$0x2] =	stream.indirect.gather @!p0 [hbm4b:s5+s13], $0x80, s11, s13, $0xb8;
	[tilespmem:$0x1CE00] =	vst v63  }
0x76: {  	_ =	swait.ge [sflag:s30], $0x28  }
0x77: {  	[sflag:s30] =	ssyncset.done $0x0  }
0x78: {  	[sflag:s30] =	ssyncadd.s32 $0xFFFFFFD8  }
0x79: {  	_ =	swait.ge [sflag:s6], $0x1400  }
0x7a: {  	[sflag:s6] =	ssyncset.done $0x0  }
0x7b: {  	[sflag:s6] =	ssyncadd.s32 $0xFFFFEC00  }
0x7c: {  	[spmem:s3] =	stream.indirect.scatter.add.f32 [tilespmem:s31], [sflag:$0xB], $0x80, s29, s24, $0xb8;
	[tilespmem:$0x1CE00] =	vst v63  }
0x7d: {  	_ =	swait.ge [sflag:s22], $0x1400  }
0x7e: {  	[sflag:s22] =	ssyncset.done $0x0  }
0x7f: {  	s11 =	simm.s32 @p0 $0x9;
	[sflag:s22] =	ssyncadd.s32 $0xFFFFEC00  }
0x80: {  	_ =	swait.ge @p0 [sflag:s11], $0x28  }
0x81: {  	[sflag:s11] =	ssyncset.done @p0 $0x0  }
0x82: {  	[sflag:s11] =	ssyncadd.s32 @p0 $0xFFFFFFD8;
	s11 =	simm.s32 @p0 $0x4  }
0x83: {  	_ =	swait.ge @p0 [sflag:s11], $0x1400  }
0x84: {  	[sflag:s11] =	ssyncset.done @p0 $0x0  }
0x85: {  	s21 =	simm.s32 @p0 $0x6600;
	[sflag:s11] =	ssyncadd.s32 @p0 $0xFFFFEC00;
	s11 =	simm.s32 @p0 $0x2900  }
0x86: {  	[spmem:s3] =	stream.indirect.scatter.add.f32 @p0 [tilespmem:s21], [sflag:$0xB], $0x80, s11, s12, $0xb8;
	[tilespmem:$0x1CE00] =	vst v63  }
0x87: {  	_ =	swait.ge @p0 [sflag:s7], $0x1400  }
0x88: {  	[sflag:s7] =	ssyncset.done @p0 $0x0  }
0x89: {  	[sflag:s7] =	ssyncadd.s32 @p0 $0xFFFFEC00;
	s7 =	simm.s32 @!p0 $0x2880  }
0x8a: {  	[tilespmem:s7], [sflag:$0x8] =	stream.linear.gather @!p0 [hbm4b:s18+s15], $0x28, $0x38;
	[tilespmem:$0x1CE00] =	vst v63  }
0x8b: {  	s11 =	simm.s32 @!p0 $0x5200;
	s7 =	sadd.s32 @!p0 $0x118, s14  }
0x8c: {  	[tilespmem:s11], [sflag:$0x3] =	stream.indirect.gather @!p0 [hbm4b:s5+s13], $0x80, s7, s13, $0xb8;
	[tilespmem:$0x1CE00] =	vst v63  }
0x8d: {  	s7 =	simm.s32 @!p0 $0x9  }
0x8e: {  	_ =	swait.ge @!p0 [sflag:s7], $0x28  }
0x8f: {  	[sflag:s7] =	ssyncset.done @!p0 $0x0  }
0x90: {  	[sflag:s7] =	ssyncadd.s32 @!p0 $0xFFFFFFD8;
	s7 =	simm.s32 @!p0 $0x4  }
0x91: {  	_ =	swait.ge @!p0 [sflag:s7], $0x1400  }
0x92: {  	[sflag:s7] =	ssyncset.done @!p0 $0x0  }
0x93: {  	s11 =	simm.s32 @!p0 $0x6600;
	[sflag:s7] =	ssyncadd.s32 @!p0 $0xFFFFEC00;
	s7 =	simm.s32 @!p0 $0x2900  }
0x94: {  	[spmem:s3] =	stream.indirect.scatter.add.f32 @!p0 [tilespmem:s11], [sflag:$0xB], $0x80, s7, s13, $0xb8;
	[tilespmem:$0x1CE00] =	vst v63  }
0x95: {  	_ =	swait.ge @!p0 [sflag:s2], $0x1400  }
0x96: {  	[sflag:s2] =	ssyncset.done @!p0 $0x0  }
0x97: {  	[sflag:s2] =	ssyncadd.s32 @!p0 $0xFFFFEC00  }
0x98: {  	[tilespmem:s7], [sflag:$0x9] =	stream.linear.gather @!p0 [hbm4b:s17+s15], $0x28, $0x38;
	[tilespmem:$0x1CE00] =	vst v63  }
0x99: {  	s2 =	sadd.s32 @!p0 $0x140, s14  }
0x9a: {  	[tilespmem:s11], [sflag:$0x4] =	stream.indirect.gather @!p0 [hbm4b:s5+s13], $0x80, s2, s13, $0xb8;
	[tilespmem:$0x1CE00] =	vst v63  }
0x9b: {  	_ =	swait.ge [sflag:s8], $0x28  }
0x9c: {  	[sflag:s8] =	ssyncset.done $0x0  }
0x9d: {  	[sflag:s8] =	ssyncadd.s32 $0xFFFFFFD8  }
0x9e: {  	_ =	swait.ge [sflag:s10], $0x1400  }
0x9f: {  	[sflag:s10] =	ssyncset.done $0x0  }
.Ltmp2:
0xa0: {  	[sflag:s10] =	ssyncadd.s32 $0xFFFFEC00;
	(pc) =	sbr.rel @p0 .LBB2_4-.Ltmp2, $4  }
0xa1: {  	[spmem:s3] =	stream.indirect.scatter.add.f32 [tilespmem:s1], [sflag:$0xB], $0x80, s28, s24, $0xb8;
	[tilespmem:$0x1CE00] =	vst v63  }
0xa2: {  	_ =	swait.ge [sflag:s22], $0x1400  }
0xa3: {  	[sflag:s22] =	ssyncset.done $0x0  }
0xa4: {  	[sflag:s22] =	ssyncadd.s32 $0xFFFFEC00  }
0xa5: {  	[tilespmem:s28], [sflag:$0xA] =	stream.linear.gather [hbm4b:s16+s4], $0x28, $0x38;
	[tilespmem:$0x1CE00] =	vst v63  }
.Ltmp3:
0xa6: {  	_ = 	snop;
	(pc) =	sbr.rel .LBB2_2-.Ltmp3, $4  }
0xa7: {  	s2 =	sshra.s32 s9, $0x2;
	s16 =	sadd.s32 $0x19, s16  }
0xa8: {  	s9 =	sadd.s32 $0x320, s9;
	s17 =	sadd.s32 $0x19, s17;
	s18 =	sadd.s32 $0x19, s18  }
0xa9: {  	s19 =	sadd.s32 $0x19, s19;
	s20 =	sadd.s32 $0xC8, s20;
	s2 =	sadd.s32 $0x168, s2  }
0xaa: {  	[tilespmem:s1], [sflag:$0x5] =	stream.indirect.gather [hbm4b:s5+s24], $0x80, s2, s24, $0xb8;
	[tilespmem:$0x1CE00] =	vst v63  }
.LBB2_5:
0xab: {  	_ =	sfence.sel $0x180000  }
0xac: {  	[bflag:$0x0] =	sbarrier.arrive $0xFFFF  }
0xad: {  	_ =	strace $0x9000004D  }
0xae: {  	s0 =	stileid.u32;
	[bflag:$0x2] =	sbarrier.arrive $0xFFFF  }
0xaf: {  	p0 =	sne.s32 s0, $0x0;
	s0 =	rddreg [dreg:$0x3]  }
0xb0: {  	s0 =	sadd.s32 @!p0 $0x100000, s0  }
0xb1: {  	[sflag:s0] =	ssyncadd.tile.s32 @!p0 $0x1;
	_ =	shalt  }
.Lfunc_end2:
_tile_overlayer_lowered:
.L_overlay_start_2:
0xb2: {  	(tag) =	ssettag $0x2  }
0xb3: {  	s0 =	rddreg [dreg:$0x0];
	s2 =	stileid.u32  }
0xb4: {  	s1 =	rddreg [dreg:$0x1];
	p0 =	sne.s32 s2, $0x0  }
0xb5: {  	s3 =	rddreg [dreg:$0x2];
	[bflag:$0x3] =	sbarrier.arrive $0xFFFF;
	s2 =	simm.s32 @!p0 $0x1C0B  }
0xb6: {  	[timem:s3], [sflag:s2] =	dma.local @!p0 [hbm:s0], s1  }
0xb7: {  	s0 =	simm.s32 @!p0 $0xB  }
0xb8: {  	_ =	swait.ge @!p0 [sflag:s0], s1  }
0xb9: {  	s1 =	ssub.s32 @!p0 $0x0, s1;
	[sflag:s0] =	ssyncset.done @!p0 $0x0  }
0xba: {  	[sflag:s0] =	ssyncadd.s32 @!p0 s1  }
0xbb: {  	[bflag:$0x3] =	sbarrier.arrive $0xFFFF  }
0xbc: {  	_ =	shalt  }

// kernel: kernel.20.cloned.1.call-start
scs
__scs_entry_jumppad:
0x0: {  	(pc) =	sbr.rel $0x88, $3  }
0x1: {  	(tag) =	ssettag $0x0;
	lr =	simm.s32 $0x1  }
0x2: {  	[smem:$0x3F9A] =	sst lr;
	_ =	strace $0xD0000000  }
0x3: {  	_ = 	snop  }
0x4: {  	_ = 	snop  }
0x5: {  	_ = 	snop  }
0x6: {  	_ = 	snop  }
0x7: {  	_ = 	snop  }
__scs_overlays_trampoline_lowered:
0x8: {  	[smem:$0x3FA9] =	sst s0  }
0x9: {  	[smem:$0x3FAA] =	sst s1  }
0xa: {  	[smem:$0x3FAB] =	sst s2  }
0xb: {  	[smem:$0x3FAC] =	sst s3  }
0xc: {  	[smem:$0x3FAD] =	sst s4  }
0xd: {  	[smem:$0x3FAE] =	sst s5  }
0xe: {  	[smem:$0x3FAF] =	sst s6  }
0xf: {  	[smem:$0x3FB0] =	sst s7  }
0x10: {  	[smem:$0x3FB1] =	sst s8  }
0x11: {  	[smem:$0x3FB2] =	sst s9;
	s0 =	simm.s32 @!p0 $0x0  }
0x12: {  	s1 =	sld [smem:$0x3F98];
	s0 =	simm.s32 @p0 $0x1  }
0x13: {  	[smem:$0x3FB3] =	sst s0;
	s0 =	simm.s32 @!p1 $0x0  }
0x14: {  	s2 =	sld [smem:$0x3F97];
	s0 =	simm.s32 @p1 $0x1  }
0x15: {  	[smem:$0x3FB4] =	sst s0;
	s0 =	simm.s32 @!p2 $0x0  }
0x16: {  	s3 =	sld [smem:$0x3FDB];
	s0 =	simm.s32 @p2 $0x1  }
0x17: {  	s4 =	simm.s32 $0x1BF5;
	[smem:$0x3FB6] =	sst s0  }
0x18: {  	s0 =	sld [smem:$0x3F99];
	_ =	swait.ge [sflag:s4], $0x0  }
0x19: {  	s7 =	sld [smem:$0x3F9A]  }
0x1a: {  	s8 =	sadd.s32 $0xFFFFE003, lr  }
0x1b: {  	s9 =	sadd.s32 $0xFFFFFEF7, lr;
	s5 =	simm.s32 $0xFFFFFFFF;
	p2 =	slt.u32 s8, $0xFFFFF086  }
0x1c: {  	p1 =	slt.u32 s9, $0xF7A;
	s5 =	simm.s32 @!p2 $0x0  }
0x1d: {  	s5 =	simm.s32 @p1 $0x1;
	p0 =	seq.s32 s7, s2  }
0x1e: {  	s7 =	smul.u32 @!p0 $0xF7A, s2;
	p2 =	seq.s32 @!p0 s5, $0x0  }
0x1f: {  	s9 =	smul.u32 $0xF7A, s1;
	s8 =	simm.s32 @!p0 $0x1BF5;
	p2 =	por !p2, p0  }
0x20: {  	[sflag:s8] =	ssyncset.s32 @!p0 $0xFFFFF086;
	s6 =	sadd.s32 @!p0 s3, s7;
	s7 =	simm.s32 @!p0 $0x108  }
0x21: {  	s3 =	sadd.s32 s3, s9;
	s6 =	sadd.s32 @!p0 $0x88, s6;
	s7 =	simm.s32 @p2 $0x1082  }
0x22: {  	[simem:s7], [sflag:s8] =	dma.local @!p0 [hbm:s6], $0xF7A  }
0x23: {  	s9 =	sor.u32 $0xD0000000, s2;
	s6 =	simm.s32 $0x108;
	_ =	swait.ge @!p0 [sflag:s8], $0x0  }
0x24: {  	s3 =	sadd.s32 $0x88, s3;
	s6 =	simm.s32 @!p1 $0x1082;
	[sflag:s4] =	ssyncset.s32 $0xFFFFF086  }
0x25: {  	[simem:s6], [sflag:s4] =	dma.local [hbm:s3], $0xF7A  }
0x26: {  	[smem:$0x3F9A] =	sst s1;
	(tag) =	ssettag s2;
	_ =	strace s9  }
0x27: {  	s1 =	sld [smem:$0x3FAA]  }
0x28: {  	s2 =	sld [smem:$0x3FAB]  }
0x29: {  	s4 =	sld [smem:$0x3FAD]  }
0x2a: {  	p0 =	seq.s32 s5, $0x0;
	s5 =	sld [smem:$0x3FAE]  }
0x2b: {  	s6 =	sld [smem:$0x3FAF]  }
0x2c: {  	s7 =	sld [smem:$0x3FB0]  }
0x2d: {  	s3 =	simm.s32 $0x108;
	s8 =	sld [smem:$0x3FB1]  }
0x2e: {  	s3 =	simm.s32 @!p0 $0x1082;
	s9 =	sld [smem:$0x3FB2]  }
0x2f: {  	lr =	sadd.s32 s0, s3;
	s0 =	sld [smem:$0x3FA9]  }
0x30: {  	s3 =	sld [smem:$0x3FAC]  }
0x31: {  	[smem:$0x3FB5] =	sst s10  }
0x32: {  	s10 =	sld [smem:$0x3FB3];
	_ =	sdelay $0x3  }
0x33: {  	p0 =	seq.s32 s10, $0x1;
	s10 =	sld [smem:$0x3FB5];
	_ =	sdelay $0x3  }
0x34: {  	[smem:$0x3FB5] =	sst s10  }
0x35: {  	s10 =	sld [smem:$0x3FB4];
	_ =	sdelay $0x3  }
0x36: {  	p1 =	seq.s32 s10, $0x1;
	s10 =	sld [smem:$0x3FB5];
	_ =	sdelay $0x3  }
0x37: {  	[smem:$0x3FB5] =	sst s10  }
0x38: {  	s10 =	sld [smem:$0x3FB6]  }
0x39: {  	_ = 	snop;
	(pc) =	sbr.ind lr, $3  }
0x3a: {  	_ = 	snop  }
0x3b: {  	_ = 	snop  }
0x3c: {  	p2 =	seq.s32 s10, $0x1;
	s10 =	sld [smem:$0x3FB5]  }
0x3d: {  	_ =	shalt  }
0x3e: {  	_ =	shalt  }
0x3f: {  	_ =	shalt  }
0x40: {  	_ =	shalt  }
0x41: {  	_ =	shalt  }
0x42: {  	_ =	shalt  }
0x43: {  	_ =	shalt  }
0x44: {  	_ =	shalt  }
0x45: {  	_ =	shalt  }
0x46: {  	_ =	shalt  }
0x47: {  	_ =	shalt  }
0x48: {  	_ =	shalt  }
0x49: {  	_ =	shalt  }
0x4a: {  	_ =	shalt  }
0x4b: {  	_ =	shalt  }
0x4c: {  	_ =	shalt  }
0x4d: {  	_ =	shalt  }
0x4e: {  	_ =	shalt  }
0x4f: {  	_ =	shalt  }
0x50: {  	_ =	shalt  }
0x51: {  	_ =	shalt  }
0x52: {  	_ =	shalt  }
0x53: {  	_ =	shalt  }
0x54: {  	_ =	shalt  }
0x55: {  	_ =	shalt  }
0x56: {  	_ =	shalt  }
0x57: {  	_ =	shalt  }
0x58: {  	_ =	shalt  }
0x59: {  	_ =	shalt  }
0x5a: {  	_ =	shalt  }
0x5b: {  	_ =	shalt  }
0x5c: {  	_ =	shalt  }
0x5d: {  	_ =	shalt  }
0x5e: {  	_ =	shalt  }
0x5f: {  	_ =	shalt  }
0x60: {  	_ =	shalt  }
0x61: {  	_ =	shalt  }
0x62: {  	_ =	shalt  }
0x63: {  	_ =	shalt  }
0x64: {  	_ =	shalt  }
0x65: {  	_ =	shalt  }
0x66: {  	_ =	shalt  }
0x67: {  	_ =	shalt  }
0x68: {  	_ =	shalt  }
0x69: {  	_ =	shalt  }
0x6a: {  	_ =	shalt  }
0x6b: {  	_ =	shalt  }
0x6c: {  	_ =	shalt  }
0x6d: {  	_ =	shalt  }
0x6e: {  	_ =	shalt  }
0x6f: {  	_ =	shalt  }
0x70: {  	_ =	shalt  }
0x71: {  	_ =	shalt  }
0x72: {  	_ =	shalt  }
0x73: {  	_ =	shalt  }
0x74: {  	_ =	shalt  }
0x75: {  	_ =	shalt  }
0x76: {  	_ =	shalt  }
0x77: {  	_ =	shalt  }
0x78: {  	_ =	shalt  }
0x79: {  	_ =	shalt  }
0x7a: {  	_ =	shalt  }
0x7b: {  	_ =	shalt  }
0x7c: {  	_ =	shalt  }
0x7d: {  	_ =	shalt  }
0x7e: {  	_ =	shalt  }
0x7f: {  	_ =	shalt  }
0x80: {  	_ =	shalt  }
0x81: {  	_ =	shalt  }
0x82: {  	_ =	shalt  }
0x83: {  	_ =	shalt  }
0x84: {  	_ =	shalt  }
0x85: {  	_ =	shalt  }
0x86: {  	_ =	shalt  }
0x87: {  	_ =	shalt  }
.Lfunc_end0:
.L_simem_size_0:
called_computation.3_lowered:
.L_overlay_start_0:
0x88: {  	s2 =	sld [smem:$0x3FD9]  }
0x89: {  	s3 =	sld [smem:$0x3FFE];
	_ =	sdelay $0x1  }
0x8a: {  	s1 =	srdreg.scid  }
0x8b: {  	s0 =	sand.u32 $0x1, s1  }
0x8c: {  	s17 =	sshll.u32 s0, $0xA;
	s2 =	sadd.s32 s3, s2  }
0x8d: {  	s2 =	sadd.s32 s2, s17  }
0x8e: {  	[smem:$0x3FC1] =	sst s2  }
0x8f: {  	_ = 	snop  }
0x90: {  	s2 =	sld [smem:$0x3FD0];
	(tm) =	ssettm $0x1  }
0x91: {  	s18 =	sld [smem:$0x3FFB];
	_ =	sdelay $0x3  }
0x92: {  	_ =	strace s18  }
0x93: {  	s3 =	sld [smem:$0x3FFC];
	_ =	sdelay $0x3  }
0x94: {  	_ =	strace s3  }
0x95: {  	s3 =	sld [smem:$0x3FFD];
	_ =	sdelay $0x3  }
0x96: {  	_ =	strace s3  }
0x97: {  	_ =	strace $0x8FFFFFFF  }
0x98: {  	s19 =	sld [smem:$0x3FDB];
	_ =	sdelay $0x1  }
0x99: {  	s4 =	simm.s32 $_scs_section_size  }
0x9a: {  	s5 =	simm.s32 $_size__tile_overlayer_lowered;
	s6 =	simm.s32 $_tile_overlayer_lowered  }
0x9b: {  	s22 =	simm.s32 $0x1BFF;
	s21 =	sshll.u32 s6, $0x1;
	s3 =	sadd.s32 s4, s19  }
0x9c: {  	s7 =	simm.s32 $0x0;
	s20 =	sshll.u32 s5, $0x1;
	s5 =	sadd.s32 s21, s3  }
0x9d: {  	[timem:s7], [sflag:s22] =	dma.local [hbm:s5], s20  }
0x9e: {  	_ =	swait.ge [sflag:s22], s20  }
0x9f: {  	s4 =	ssub.s32 $0x0, s20;
	[sflag:s22] =	ssyncset.done $0x0  }
0xa0: {  	[sflag:s22] =	ssyncadd.s32 s4;
	_ =	sdelay $0x1  }
0xa1: {  	s23 =	simm.s32 $0x1B8B  }
0xa2: {  	_ =	swait.ge [sflag:s23], $0x1  }
0xa3: {  	[sflag:s23] =	ssyncset.done $0x0  }
0xa4: {  	s25 =	simm.s32 $0x1B8E;
	s24 =	sld [smem:$0x3FFE];
	[sflag:s23] =	ssyncadd.s32 $0xFFFFFFFF  }
0xa5: {  	s26 =	simm.s32 $execute0_lowered;
	[smem:$0x3FD2] =	sst s25  }
0xa6: {  	s5 =	sshll.u32 s26, $0x1;
	_ =	strace $0x8000004F;
	[dreg:$0x1] =	wrdreg $0xFFFFFFFF  }
0xa7: {  	s28 =	simm.s32 $_size_execute0_lowered;
	s3 =	sadd.s32 s3, s5;
	[dreg:$0x0] =	wrdreg $0x0  }
0xa8: {  	s5 =	sshll.u32 s28, $0x1;
	[dreg:$0x2] =	wrdreg s3  }
0xa9: {  	[dreg:$0x3] =	wrdreg s5  }
0xaa: {  	[dreg:$0x4] =	wrdreg $0xC0  }
0xab: {  	_ =	task [dreg:s7], $0x5FFFF  }
0xac: {  	[dreg:$0x1] =	wrdreg $0xFFFFFFFF  }
0xad: {  	[dreg:$0x0] =	wrdreg $0x60  }
0xae: {  	[dreg:$0x2] =	wrdreg s24  }
0xaf: {  	[dreg:$0x3] =	wrdreg s2  }
0xb0: {  	[dreg:$0x4] =	wrdreg $0x8E000  }
0xb1: {  	[dreg:$0x5] =	wrdreg $0x9  }
0xb2: {  	_ =	task.clear_ibuf [dreg:s7], $0x6FFFF;
	_ =	strace $0x9000004F  }
0xb3: {  	s29 =	simm.s32 $0x9;
	_ =	strace $0x80000051  }
0xb4: {  	_ =	swait.ge [sflag:s29], $0x1  }
0xb5: {  	[sflag:s29] =	ssyncadd.s32 $0xFFFFFFFF  }
0xb6: {  	_ =	strace $0x90000051  }
0xb7: {  	_ =	sfence  }
0xb8: {  	s30 =	sld [smem:$0x0];
	_ =	sdelay $0x2  }
0xb9: {  	s31 =	sshll.u32 s1, $0xD;
	s1 =	sshrl.u32 s1, $0x2  }
0xba: {  	s3 =	sand.u32 $0x4000, s31;
	s1 =	sadd.s32 s1, s30  }
0xbb: {  	s0 =	sor.u32 s3, s0;
	s1 =	sshll.u32 s1, $0x11  }
0xbc: {  	s0 =	sor.u32 s1, s0  }
0xbd: {  	s0 =	sadd.s32 $0x8F2B, s0  }
0xbe: {  	[sflag:s0] =	ssyncadd.remote.s32 $0x1  }
0xbf: {  	_ =	sfence.sel $0xFFFF  }
0xc0: {  	[dreg:$0x0] =	wrdreg $0xFFFFFFFF;
	(pc) =	sbr.abs _section_cstart, $3  }
0xc1: {  	[dreg:$0x1] =	wrdreg $0xFFFFFFFF  }
0xc2: {  	_ =	task.clear_ibuf [dreg:s7], $0x2FFFF;
	_ =	strace $0x9FFFFFFF  }
0xc3: {  	(tm) =	ssettm $0x7FFFFFFF  }
tec
execute0_lowered:
.L_overlay_start_1:
0x0: {  	(tag) =	ssettag $0x1  }
0x1: {  	s1 =	rddreg [dreg:$0x0]  }
0x2: {  	s0 =	srdreg.scid;
	s14 =	rddreg [dreg:$0x1]  }
0x3: {  	s2 =	stileid.u32;
	s3 =	rddreg [dreg:$0x2];
	s21 =	simm.s32 $0x0  }
0x4: {  	s29 =	simm.s32 $0x2880;
	s31 =	simm.s32 $0x5200;
	s7 =	smul.u32 $0x2800, s2  }
0x5: {  	s28 =	simm.s32 $0x2980;
	s30 =	simm.s32 $0x8;
	s10 =	smul.u32 $0x50000, s2  }
0x6: {  	s0 =	sand.u32 $0x1, s0;
	[smem:$0x7FF] =	sst s21;
	s26 =	smul.u32 $0x2710, s2  }
0x7: {  	s24 =	sshll.u32 s2, $0x6;
	s4 =	sshll.u32 s0, $0x4;
	s8 =	smul.u32 $0x28000, s0  }
0x8: {  	_ =	strace $0x80000050;
	s13 =	ssub.s32 $0x2, s0;
	s0 =	smul.u32 $0x27100, s0  }
0x9: {  	s5 =	sor.u32 s2, s4;
	s12 =	sadd.s32 s7, s1;
	s22 =	sshrl.u32 s13, $0x1  }
0xa: {  	s10 =	sshrl.u32 s10, $0x2;
	s4 =	sor.u32 $0x1C0B, s24;
	s6 =	smul.u32 $0x2710, s5  }
0xb: {  	s5 =	sadd.s32 $0x126800, s1;
	s7 =	sadd.s32 s7, s8;
	s8 =	ssub.s32 s13, s22  }
0xc: {  	s23 =	sadd.s32 $0xF200, s12;
	s0 =	sadd.s32 s26, s0;
	[dreg:$0x5] =	wrdreg s4  }
0xd: {  	s10 =	sadd.s32 s10, s3;
	[dreg:$0x4] =	wrdreg s23;
	s18 =	sadd.s32 $0x168, s0  }
0xe: {  	s20 =	smax.u32 s8, $0x1;
	s22 =	sadd.s32 $0x140, s0;
	s23 =	sadd.s32 $0x118, s0  }
0xf: {  	s24 =	sadd.s32 $0xF0, s0;
	s0 =	sadd.s32 $0xC8, s0;
	s9 =	sshrl.u32 s6, $0x3  }
0x10: {  	s25 =	sadd.s32 $0x28, s6;
	s6 =	sadd.s32 $0x78, s6;
	[dreg:$0xd] =	wrdreg s20  }
0x11: {  	s19 =	sshrl.u32 s18, $0x3;
	s8 =	sshrl.u32 s24, $0x3;
	[dreg:$0x12] =	wrdreg s0  }
0x12: {  	s24 =	simm.s32 $0x28;
	s0 =	simm.s32 $0x6;
	s11 =	sadd.s32 s9, s1  }
0x13: {  	s1 =	sadd.s32 s7, s1;
	s15 =	sshrl.u32 s25, $0x3;
	s21 =	sadd.s32 s19, s14  }
0x14: {  	s6 =	sshrl.u32 s6, $0x3;
	s26 =	sadd.s32 s8, s14;
	[dreg:$0xe] =	wrdreg s21  }
0x15: {  	s8 =	simm.s32 $0xA;
	s7 =	sadd.s32 $0x3400, s11;
	[dreg:$0x11] =	wrdreg s26  }
0x16: {  	s11 =	sadd.s32 s14, s9;
	s16 =	sadd.s32 s14, s15;
	[dreg:$0x6] =	wrdreg s7  }
0x17: {  	s6 =	sadd.s32 s14, s6;
	s1 =	sadd.s32 $0x37200, s1;
	[dreg:$0x8] =	wrdreg s16  }
0x18: {  	s26 =	simm.s32 $0x1;
	s9 =	simm.s32 $0x0;
	[dreg:$0xa] =	wrdreg s6  }
0x19: {  	s17 =	sadd.s32 $0xA, s11;
	[dreg:$0x7] =	wrdreg s11;
	s2 =	sadd.s32 $0x14, s11  }
0x1a: {  	[dreg:$0xc] =	wrdreg s1;
	s1 =	sshrl.u32 s22, $0x3;
	s6 =	sshrl.u32 s23, $0x3  }
.Ltmp0:
0x1b: {  	s7 =	sshrl.u32 s10, $0x3;
	[dreg:$0x9] =	wrdreg s17;
	(pc) =	sbr.rel .LBB2_1-.Ltmp0, $4  }
0x1c: {  	s22 =	simm.s32 $0xB;
	s23 =	simm.s32 $0x2780;
	[dreg:$0xb] =	wrdreg s2  }
0x1d: {  	s10 =	simm.s32 $0x5;
	s1 =	sadd.s32 s1, s14;
	[dreg:$0x13] =	wrdreg s7  }
0x1e: {  	s25 =	sadd.s32 s6, s14;
	s6 =	simm.s32 $0x3;
	[dreg:$0xf] =	wrdreg s1  }
0x1f: {  	[dreg:$0x10] =	wrdreg s25;
	s25 =	simm.s32 $0x2A00;
	s1 =	simm.s32 $0x7A00  }
.LBB2_4:
0x20: {  	[bflag:$0x0] =	sbarrier.arrive $0xFFFF  }
0x21: {  	s4 =	rddreg [dreg:$0x5]  }
0x22: {  	s2 =	rddreg [dreg:$0xc]  }
0x23: {  	s7 =	rddreg [dreg:$0x13]  }
0x24: {  	[hbm:s2], [sflag:s4] =	dma.local [spmem:s7], $0x2800  }
0x25: {  	_ =	swait.ge [sflag:s22], $0x2800  }
0x26: {  	s9 =	rddreg [dreg:$0x14]  }
0x27: {  	s21 =	rddreg [dreg:$0xd];
	s9 =	sadd.s32 $0x1, s9  }
0x28: {  	p0 =	sne.s32 s9, s21  }
.Ltmp1:
0x29: {  	_ = 	snop;
	(pc) =	sbr.rel @!p0 .LBB2_5-.Ltmp1, $3  }
0x2a: {  	_ =	sdelay $0x1  }
0x2b: {  	[sflag:s22] =	ssyncset.done $0x0  }
0x2c: {  	[sflag:s22] =	ssyncadd.s32 $0xFFFFD800  }
.LBB2_1:
0x2d: {  	[dreg:$0x14] =	wrdreg s9  }
0x2e: {  	s2 =	rddreg [dreg:$0x4]  }
0x2f: {  	[spmem:s7], [sflag:s4] =	dma.local [hbm:s2], $0x2800  }
0x30: {  	_ =	swait.ge [sflag:s22], $0x2800  }
0x31: {  	[sflag:s22] =	ssyncset.done $0x0  }
0x32: {  	s21 =	simm.s32 $0x0;
	s7 =	rddreg [dreg:$0x6];
	[sflag:s22] =	ssyncadd.s32 $0xFFFFD800  }
0x33: {  	[tilespmem:s21], [sflag:$0xB] =	stream.linear.gather [hbm4b:s7+s21], $0x2710, $0x38;
	[tilespmem:$0x1CE00] =	vst v63  }
0x34: {  	_ =	swait.ge [sflag:s22], $0x2710  }
0x35: {  	[sflag:s22] =	ssyncset.done $0x0  }
0x36: {  	[sflag:s22] =	ssyncadd.s32 $0xFFFFD8F0  }
0x37: {  	[bflag:$0x0] =	sbarrier.arrive $0xFFFF  }
0x38: {  	s9 =	rddreg [dreg:$0x7]  }
0x39: {  	[tilespmem:s23], [sflag:$0x6] =	stream.linear.gather [hbm4b:s9+s21], $0x28, $0x38;
	[tilespmem:$0x1CE00] =	vst v63  }
0x3a: {  	_ = 	snop  }
0x3b: {  	[tilespmem:s25], [sflag:$0x1] =	stream.indirect.gather [hbm4b:s5+s24], $0x80, s21, s24, $0xb8;
	[tilespmem:$0x1CE00] =	vst v63  }
0x3c: {  	s12 =	simm.s32 $0x2800;
	s11 =	rddreg [dreg:$0x8]  }
0x3d: {  	[tilespmem:s12], [sflag:$0x7] =	stream.linear.gather [hbm4b:s11+s21], $0x28, $0x38;
	[tilespmem:$0x1CE00] =	vst v63  }
0x3e: {  	s13 =	simm.s32 $0x3E00  }
0x3f: {  	[tilespmem:s13], [sflag:$0x2] =	stream.indirect.gather [hbm4b:s5+s24], $0x80, s24, s24, $0xb8;
	[tilespmem:$0x1CE00] =	vst v63  }
0x40: {  	s14 =	rddreg [dreg:$0x9]  }
0x41: {  	[tilespmem:s29], [sflag:$0x8] =	stream.linear.gather [hbm4b:s14+s21], $0x28, $0x38;
	[tilespmem:$0x1CE00] =	vst v63  }
0x42: {  	s15 =	simm.s32 $0x50;
	s16 =	rddreg [dreg:$0xa]  }
0x43: {  	[tilespmem:s31], [sflag:$0x3] =	stream.indirect.gather [hbm4b:s5+s24], $0x80, s15, s24, $0xb8;
	[tilespmem:$0x1CE00] =	vst v63  }
0x44: {  	s17 =	simm.s32 $0x2900;
	s20 =	rddreg [dreg:$0xb]  }
0x45: {  	[tilespmem:s17], [sflag:$0x9] =	stream.linear.gather [hbm4b:s16+s21], $0x28, $0x38;
	[tilespmem:$0x1CE00] =	vst v63  }
0x46: {  	s17 =	rddreg [dreg:$0xf]  }
0x47: {  	s18 =	simm.s32 $0x78;
	s19 =	simm.s32 $0x6600;
	s16 =	rddreg [dreg:$0xe]  }
0x48: {  	[tilespmem:s19], [sflag:$0x4] =	stream.indirect.gather [hbm4b:s5+s24], $0x80, s18, s24, $0xb8;
	[tilespmem:$0x1CE00] =	vst v63  }
0x49: {  	s19 =	rddreg [dreg:$0x11]  }
0x4a: {  	s4 =	simm.s32 $0x0;
	s18 =	rddreg [dreg:$0x10]  }
0x4b: {  	[tilespmem:s28], [sflag:$0xA] =	stream.linear.gather [hbm4b:s20+s21], $0x28, $0x38;
	[tilespmem:$0x1CE00] =	vst v63  }
0x4c: {  	s9 =	simm.s32 $0x0;
	s21 =	simm.s32 $0xA0;
	s20 =	rddreg [dreg:$0x12]  }
0x4d: {  	[tilespmem:s1], [sflag:$0x5] =	stream.indirect.gather [hbm4b:s5+s24], $0x80, s21, s24, $0xb8;
	[tilespmem:$0x1CE00] =	vst v63  }
.LBB2_2:
0x4e: {  	_ =	swait.ge [sflag:s0], $0x28  }
0x4f: {  	[sflag:s0] =	ssyncset.done $0x0  }
0x50: {  	[sflag:s0] =	ssyncadd.s32 $0xFFFFFFD8  }
0x51: {  	_ =	swait.ge [sflag:s26], $0x1400  }
0x52: {  	[sflag:s26] =	ssyncset.done $0x0  }
0x53: {  	[sflag:s26] =	ssyncadd.s32 $0xFFFFEC00  }
0x54: {  	[spmem:s3] =	stream.indirect.scatter.add.f32 [tilespmem:s25], [sflag:$0xB], $0x80, s23, s24, $0xb8;
	[tilespmem:$0x1CE00] =	vst v63  }
0x55: {  	_ =	swait.ge [sflag:s22], $0x1400  }
0x56: {  	p0 =	seq.s32 s9, $0x9920;
	[sflag:s22] =	ssyncset.done $0x0  }
0x57: {  	s13 =	simm.s32 @p0 $0x7;
	[sflag:s22] =	ssyncadd.s32 $0xFFFFEC00  }
0x58: {  	_ =	swait.ge @p0 [sflag:s13], $0x28  }
0x59: {  	[sflag:s13] =	ssyncset.done @p0 $0x0  }
0x5a: {  	[sflag:s13] =	ssyncadd.s32 @p0 $0xFFFFFFD8;
	s13 =	simm.s32 @p0 $0x2  }
0x5b: {  	_ =	swait.ge @p0 [sflag:s13], $0x1400  }
0x5c: {  	s12 =	simm.s32 @p0 $0x28;
	s14 =	simm.s32 @p0 $0x3E00;
	[sflag:s13] =	ssyncset.done @p0 $0x0  }
0x5d: {  	s7 =	simm.s32 @p0 $0xB;
	[sflag:s13] =	ssyncadd.s32 @p0 $0xFFFFEC00;
	s13 =	simm.s32 @p0 $0x2800  }
0x5e: {  	[spmem:s3] =	stream.indirect.scatter.add.f32 @p0 [tilespmem:s14], [sflag:$0xB], $0x80, s13, s12, $0xb8;
	[tilespmem:$0x1CE00] =	vst v63  }
0x5f: {  	_ =	swait.ge @p0 [sflag:s7], $0x1400  }
0x60: {  	[sflag:s7] =	ssyncset.done @p0 $0x0  }
0x61: {  	[sflag:s7] =	ssyncadd.s32 @p0 $0xFFFFEC00  }
0x62: {  	s13 =	sshrl.u32 @!p0 s20, $0x3;
	s2 =	rddreg [dreg:$0x1]  }
0x63: {  	s15 =	simm.s32 @!p0 $0x0;
	s14 =	simm.s32 @!p0 $0x2780;
	s13 =	sadd.s32 @!p0 s2, s13  }
0x64: {  	[tilespmem:s14], [sflag:$0x6] =	stream.linear.gather @!p0 [hbm4b:s13+s15], $0x28, $0x38;
	[tilespmem:$0x1CE00] =	vst v63  }
0x65: {  	s14 =	sshra.s32 @!p0 s9, $0x2  }
0x66: {  	s11 =	simm.s32 @!p0 $0x2A00;
	s13 =	simm.s32 @!p0 $0x28;
	s21 =	sadd.s32 @!p0 $0xC8, s14  }
0x67: {  	[tilespmem:s11], [sflag:$0x1] =	stream.indirect.gather @!p0 [hbm4b:s5+s13], $0x80, s21, s13, $0xb8;
	[tilespmem:$0x1CE00] =	vst v63  }
0x68: {  	s11 =	simm.s32 @!p0 $0x7  }
0x69: {  	_ =	swait.ge @!p0 [sflag:s11], $0x28  }
0x6a: {  	[sflag:s11] =	ssyncset.done @!p0 $0x0  }
0x6b: {  	[sflag:s11] =	ssyncadd.s32 @!p0 $0xFFFFFFD8;
	s11 =	simm.s32 @!p0 $0x2  }
0x6c: {  	_ =	swait.ge @!p0 [sflag:s11], $0x1400  }
0x6d: {  	s2 =	simm.s32 @!p0 $0xB;
	[sflag:s11] =	ssyncset.done @!p0 $0x0  }
0x6e: {  	s21 =	simm.s32 @!p0 $0x3E00;
	[sflag:s11] =	ssyncadd.s32 @!p0 $0xFFFFEC00;
	s11 =	simm.s32 @!p0 $0x2800  }
0x6f: {  	[spmem:s3] =	stream.indirect.scatter.add.f32 @!p0 [tilespmem:s21], [sflag:$0xB], $0x80, s11, s13, $0xb8;
	[tilespmem:$0x1CE00] =	vst v63  }
0x70: {  	_ =	swait.ge @!p0 [sflag:s2], $0x1400  }
0x71: {  	[sflag:s2] =	ssyncset.done @!p0 $0x0  }
0x72: {  	[sflag:s2] =	ssyncadd.s32 @!p0 $0xFFFFEC00  }
0x73: {  	[tilespmem:s11], [sflag:$0x7] =	stream.linear.gather @!p0 [hbm4b:s19+s15], $0x28, $0x38;
	[tilespmem:$0x1CE00] =	vst v63  }
0x74: {  	s11 =	sadd.s32 @!p0 $0xF0, s14  }
0x75: {  	[tilespmem:s21], [sflag:$0x2] =	stream.indirect.gather @!p0 [hbm4b:s5+s13], $0x80, s11, s13, $0xb8;
	[tilespmem:$0x1CE00] =	vst v63  }
0x76: {  	_ =	swait.ge [sflag:s30], $0x28  }
0x77: {  	[sflag:s30] =	ssyncset.done $0x0  }
0x78: {  	[sflag:s30] =	ssyncadd.s32 $0xFFFFFFD8  }
0x79: {  	_ =	swait.ge [sflag:s6], $0x1400  }
0x7a: {  	[sflag:s6] =	ssyncset.done $0x0  }
0x7b: {  	[sflag:s6] =	ssyncadd.s32 $0xFFFFEC00  }
0x7c: {  	[spmem:s3] =	stream.indirect.scatter.add.f32 [tilespmem:s31], [sflag:$0xB], $0x80, s29, s24, $0xb8;
	[tilespmem:$0x1CE00] =	vst v63  }
0x7d: {  	_ =	swait.ge [sflag:s22], $0x1400  }
0x7e: {  	[sflag:s22] =	ssyncset.done $0x0  }
0x7f: {  	s11 =	simm.s32 @p0 $0x9;
	[sflag:s22] =	ssyncadd.s32 $0xFFFFEC00  }
0x80: {  	_ =	swait.ge @p0 [sflag:s11], $0x28  }
0x81: {  	[sflag:s11] =	ssyncset.done @p0 $0x0  }
0x82: {  	[sflag:s11] =	ssyncadd.s32 @p0 $0xFFFFFFD8;
	s11 =	simm.s32 @p0 $0x4  }
0x83: {  	_ =	swait.ge @p0 [sflag:s11], $0x1400  }
0x84: {  	[sflag:s11] =	ssyncset.done @p0 $0x0  }
0x85: {  	s21 =	simm.s32 @p0 $0x6600;
	[sflag:s11] =	ssyncadd.s32 @p0 $0xFFFFEC00;
	s11 =	simm.s32 @p0 $0x2900  }
0x86: {  	[spmem:s3] =	stream.indirect.scatter.add.f32 @p0 [tilespmem:s21], [sflag:$0xB], $0x80, s11, s12, $0xb8;
	[tilespmem:$0x1CE00] =	vst v63  }
0x87: {  	_ =	swait.ge @p0 [sflag:s7], $0x1400  }
0x88: {  	[sflag:s7] =	ssyncset.done @p0 $0x0  }
0x89: {  	[sflag:s7] =	ssyncadd.s32 @p0 $0xFFFFEC00;
	s7 =	simm.s32 @!p0 $0x2880  }
0x8a: {  	[tilespmem:s7], [sflag:$0x8] =	stream.linear.gather @!p0 [hbm4b:s18+s15], $0x28, $0x38;
	[tilespmem:$0x1CE00] =	vst v63  }
0x8b: {  	s11 =	simm.s32 @!p0 $0x5200;
	s7 =	sadd.s32 @!p0 $0x118, s14  }
0x8c: {  	[tilespmem:s11], [sflag:$0x3] =	stream.indirect.gather @!p0 [hbm4b:s5+s13], $0x80, s7, s13, $0xb8;
	[tilespmem:$0x1CE00] =	vst v63  }
0x8d: {  	s7 =	simm.s32 @!p0 $0x9  }
0x8e: {  	_ =	swait.ge @!p0 [sflag:s7], $0x28  }
0x8f: {  	[sflag:s7] =	ssyncset.done @!p0 $0x0  }
0x90: {  	[sflag:s7] =	ssyncadd.s32 @!p0 $0xFFFFFFD8;
	s7 =	simm.s32 @!p0 $0x4  }
0x91: {  	_ =	swait.ge @!p0 [sflag:s7], $0x1400  }
0x92: {  	[sflag:s7] =	ssyncset.done @!p0 $0x0  }
0x93: {  	s11 =	simm.s32 @!p0 $0x6600;
	[sflag:s7] =	ssyncadd.s32 @!p0 $0xFFFFEC00;
	s7 =	simm.s32 @!p0 $0x2900  }
0x94: {  	[spmem:s3] =	stream.indirect.scatter.add.f32 @!p0 [tilespmem:s11], [sflag:$0xB], $0x80, s7, s13, $0xb8;
	[tilespmem:$0x1CE00] =	vst v63  }
0x95: {  	_ =	swait.ge @!p0 [sflag:s2], $0x1400  }
0x96: {  	[sflag:s2] =	ssyncset.done @!p0 $0x0  }
0x97: {  	[sflag:s2] =	ssyncadd.s32 @!p0 $0xFFFFEC00  }
0x98: {  	[tilespmem:s7], [sflag:$0x9] =	stream.linear.gather @!p0 [hbm4b:s17+s15], $0x28, $0x38;
	[tilespmem:$0x1CE00] =	vst v63  }
0x99: {  	s2 =	sadd.s32 @!p0 $0x140, s14  }
0x9a: {  	[tilespmem:s11], [sflag:$0x4] =	stream.indirect.gather @!p0 [hbm4b:s5+s13], $0x80, s2, s13, $0xb8;
	[tilespmem:$0x1CE00] =	vst v63  }
0x9b: {  	_ =	swait.ge [sflag:s8], $0x28  }
0x9c: {  	[sflag:s8] =	ssyncset.done $0x0  }
0x9d: {  	[sflag:s8] =	ssyncadd.s32 $0xFFFFFFD8  }
0x9e: {  	_ =	swait.ge [sflag:s10], $0x1400  }
0x9f: {  	[sflag:s10] =	ssyncset.done $0x0  }
.Ltmp2:
0xa0: {  	[sflag:s10] =	ssyncadd.s32 $0xFFFFEC00;
	(pc) =	sbr.rel @p0 .LBB2_4-.Ltmp2, $4  }
0xa1: {  	[spmem:s3] =	stream.indirect.scatter.add.f32 [tilespmem:s1], [sflag:$0xB], $0x80, s28, s24, $0xb8;
	[tilespmem:$0x1CE00] =	vst v63  }
0xa2: {  	_ =	swait.ge [sflag:s22], $0x1400  }
0xa3: {  	[sflag:s22] =	ssyncset.done $0x0  }
0xa4: {  	[sflag:s22] =	ssyncadd.s32 $0xFFFFEC00  }
0xa5: {  	[tilespmem:s28], [sflag:$0xA] =	stream.linear.gather [hbm4b:s16+s4], $0x28, $0x38;
	[tilespmem:$0x1CE00] =	vst v63  }
.Ltmp3:
0xa6: {  	_ = 	snop;
	(pc) =	sbr.rel .LBB2_2-.Ltmp3, $4  }
0xa7: {  	s2 =	sshra.s32 s9, $0x2;
	s16 =	sadd.s32 $0x19, s16  }
0xa8: {  	s9 =	sadd.s32 $0x320, s9;
	s17 =	sadd.s32 $0x19, s17;
	s18 =	sadd.s32 $0x19, s18  }
0xa9: {  	s19 =	sadd.s32 $0x19, s19;
	s20 =	sadd.s32 $0xC8, s20;
	s2 =	sadd.s32 $0x168, s2  }
0xaa: {  	[tilespmem:s1], [sflag:$0x5] =	stream.indirect.gather [hbm4b:s5+s24], $0x80, s2, s24, $0xb8;
	[tilespmem:$0x1CE00] =	vst v63  }
.LBB2_5:
0xab: {  	_ =	sfence.sel $0x180000  }
0xac: {  	[bflag:$0x0] =	sbarrier.arrive $0xFFFF  }
0xad: {  	_ =	strace $0x90000050  }
0xae: {  	s0 =	stileid.u32;
	[bflag:$0x2] =	sbarrier.arrive $0xFFFF  }
0xaf: {  	p0 =	sne.s32 s0, $0x0;
	s0 =	rddreg [dreg:$0x3]  }
0xb0: {  	s0 =	sadd.s32 @!p0 $0x100000, s0  }
0xb1: {  	[sflag:s0] =	ssyncadd.tile.s32 @!p0 $0x1;
	_ =	shalt  }
.Lfunc_end2:
_tile_overlayer_lowered:
.L_overlay_start_2:
0xb2: {  	(tag) =	ssettag $0x2  }
0xb3: {  	s0 =	rddreg [dreg:$0x0];
	s2 =	stileid.u32  }
0xb4: {  	s1 =	rddreg [dreg:$0x1];
	p0 =	sne.s32 s2, $0x0  }
0xb5: {  	s3 =	rddreg [dreg:$0x2];
	[bflag:$0x3] =	sbarrier.arrive $0xFFFF;
	s2 =	simm.s32 @!p0 $0x1C0B  }
0xb6: {  	[timem:s3], [sflag:s2] =	dma.local @!p0 [hbm:s0], s1  }
0xb7: {  	s0 =	simm.s32 @!p0 $0xB  }
0xb8: {  	_ =	swait.ge @!p0 [sflag:s0], s1  }
0xb9: {  	s1 =	ssub.s32 @!p0 $0x0, s1;
	[sflag:s0] =	ssyncset.done @!p0 $0x0  }
0xba: {  	[sflag:s0] =	ssyncadd.s32 @!p0 s1  }
0xbb: {  	[bflag:$0x3] =	sbarrier.arrive $0xFFFF  }
0xbc: {  	_ =	shalt  }

</sc_bundles>
